<compile_context>
chip_gen: v7x
topology: tpu7x:2x2x1
jax: 0.10.2.dev20260603
libtpu: 0.0.44.dev20260713+nightly
codegen_flags: <defaults>
</compile_context>

<pallas_src>
import functools

import jax
import jax.numpy as jnp
from jax.experimental import pallas as pl
from jax.experimental.pallas import tpu as pltpu
from jax.experimental.pallas import tpu_sc as plsc

N1 = 2500
N2 = 10000
C_IN = 256
C = 128
K_UP = 3
KG = 16
N1P = 2560
N2P = 10240
NE = N2P * KG
E_CNT = N2 * KG
BQ = 512
CQ = 256
DB = 256
EB = DB * KG
PC = 16
F32 = jnp.float32
IMAX = 0x7FFFFFFF
INF = float("inf")

_PC = pl.pallas_call


def _dot(a, b):
    return jnp.dot(a, b, preferred_element_type=F32)



def _h1_body(x1_ref, w_ref, b_ref, o_ref):
    o_ref[...] = _dot(x1_ref[...], w_ref[...]) + b_ref[...]


def _run_h1(x1p, lin1_wT, lin1_b2):
    return _PC(
        _h1_body,
        out_shape=jax.ShapeDtypeStruct((N1P, C), F32),
    )(x1p, lin1_wT, lin1_b2)



def _knn1_body(q_ref, refT_ref, h1_ref, liw_ref, lib_ref,
               wq_ref, wk_ref, wv_ref,
               x_ref, q_out, k_out, v_out):
    qp = q_ref[...]
    refT = refT_ref[...]
    qn = jnp.sum(qp * qp, axis=1, keepdims=True)
    rn = jnp.sum(refT * refT, axis=0, keepdims=True)
    d2 = qn + rn - 2.0 * _dot(qp, refT)
    d2 = jnp.maximum(d2, 0.0)
    col = jax.lax.broadcasted_iota(jnp.int32, (BQ, N1P), 1)
    d2 = jnp.where(col >= N1, INF, d2)
    d2w = d2
    wmat = jnp.zeros((BQ, N1P), F32)
    for _ in range(K_UP):
        m = jnp.min(d2w, axis=1, keepdims=True)
        jm = jnp.min(jnp.where(d2w == m, col, IMAX), axis=1, keepdims=True)
        sel = col == jm
        wval = 1.0 / jnp.maximum(m, 1e-16)
        wmat = wmat + jnp.where(sel, wval, 0.0)
        d2w = jnp.where(sel, INF, d2w)
    x_int = jnp.dot(wmat, h1_ref[...], preferred_element_type=F32,
                    precision=jax.lax.Precision.HIGHEST)
    x_int = x_int / jnp.sum(wmat, axis=1, keepdims=True)
    x = jax.nn.relu(_dot(x_int, liw_ref[...]) + lib_ref[...])
    x_ref[...] = x
    q_out[...] = _dot(x, wq_ref[...])
    k_out[...] = _dot(x, wk_ref[...])
    v_out[...] = _dot(x, wv_ref[...])


def _run_knn1(pos2p, pos1T, h1, lin_in_wT, lin_in_b2, wqT, wkT, wvT):
    nblk = N2P // BQ
    full = lambda shape: pl.BlockSpec(shape, lambda i: (0, 0))
    out_sds = jax.ShapeDtypeStruct((N2P, C), F32)
    return _PC(
        _knn1_body,
        grid=(nblk,),
        in_specs=[
            pl.BlockSpec((BQ, PC), lambda i: (i, 0)),
            full((PC, N1P)),
            full((N1P, C)),
            full((C, C)),
            full((1, C)),
            full((C, C)),
            full((C, C)),
            full((C, C)),
        ],
        out_specs=[pl.BlockSpec((BQ, C), lambda i: (i, 0))] * 4,
        out_shape=[out_sds] * 4,
    )(pos2p, pos1T, h1, lin_in_wT, lin_in_b2, wqT, wkT, wvT)



def _knng_body(q_ref, refT_ref, idx_ref):
    b = pl.program_id(0)
    qp = q_ref[...]
    refT = refT_ref[...]
    qn = jnp.sum(qp * qp, axis=1, keepdims=True)
    rn = jnp.sum(refT * refT, axis=0, keepdims=True)
    d2 = qn + rn - 2.0 * _dot(qp, refT)
    col = jax.lax.broadcasted_iota(jnp.int32, (CQ, N2P), 1)
    row = b * CQ + jax.lax.broadcasted_iota(jnp.int32, (CQ, N2P), 0)
    d2c = jnp.minimum(jnp.maximum(d2, 2.0 ** -12), 0.062499996)
    bits = jax.lax.bitcast_convert_type(d2c, jnp.int32)
    key = (((bits - 0x39800000) >> 9) << 14) | col
    key = jnp.where((col >= N2) | (col == row), IMAX, key)
    for t in range(KG):
        m = jnp.min(key, axis=1, keepdims=True)
        idx_ref[:, pl.ds(t, 1)] = m & 0x3FFF
        key = jnp.where(key == m, IMAX, key)


def _run_knng(pos2p, pos2T):
    nblk = N2P // CQ
    return _PC(
        _knng_body,
        grid=(nblk,),
        in_specs=[
            pl.BlockSpec((CQ, PC), lambda i: (i, 0)),
            pl.BlockSpec((PC, N2P), lambda i: (0, 0)),
        ],
        out_specs=pl.BlockSpec((CQ, KG), lambda i: (i, 0)),
        out_shape=jax.ShapeDtypeStruct((N2P, KG), jnp.int32),
    )(pos2p, pos2T)



_SC_WIN = 128


def _sc_gather3(p1, kk, v, idx_flat):
    mesh = plsc.VectorSubcoreMesh(core_axis_name="core",
                                  subcore_axis_name="subcore")
    sds = jax.ShapeDtypeStruct((NE, C), F32)

    @functools.partial(pl.kernel, out_type=[sds, sds, sds], mesh=mesh)
    def k(p1_hbm, k_hbm, v_hbm, i_hbm, op_hbm, ok_hbm, ov_hbm):
        def body(i_vmem, op_vmem, ok_vmem, ov_vmem):
            pltpu.sync_copy(p1_hbm.at[i_vmem.at[0]], op_vmem)
            pltpu.sync_copy(k_hbm.at[i_vmem.at[0]], ok_vmem)
            pltpu.sync_copy(v_hbm.at[i_vmem.at[0]], ov_vmem)

        pltpu.emit_pipeline(
            body,
            grid=(NE // _SC_WIN,),
            in_specs=[pl.BlockSpec((1, _SC_WIN), lambda i: (0, i))],
            out_specs=[pl.BlockSpec((_SC_WIN, C), lambda i: (i, 0))] * 3,
            core_axis_name=("core", "subcore"),
            dimension_semantics=(pltpu.PARALLEL,),
        )(i_hbm, op_hbm, ok_hbm, ov_hbm)

    return k(p1, kk, v, idx_flat)



def _edge_mask(b):
    e = jax.lax.broadcasted_iota(jnp.int32, (EB, 1), 0)
    dst = b * DB + (e >> 4)
    return dst < N2


def _expand_dst(a):
    f = a.shape[1]
    return jnp.broadcast_to(a[:, None, :], (DB, KG, f)).reshape(EB, f)


def _chain_t1(pos_g, dpos, pw1T, pb1):
    rel = _expand_dst(dpos) - pos_g
    return _dot(rel, pw1T) + pb1


def _chain_t2(t1, sc1, sh1, pw2T, pb2):
    h = jax.nn.relu(t1 * sc1 + sh1)
    return _dot(h, pw2T) + pb2


def _chain_u1(t2, sc2, sh2, k_g, qd, aw1T, ab1):
    delta = jax.nn.relu(t2 * sc2 + sh2)
    u_in = _expand_dst(qd) - k_g + delta
    return _dot(u_in, aw1T) + ab1, delta


def _chain_u2(u1, sc3, sh3, aw2T, ab2):
    a = jax.nn.relu(u1 * sc3 + sh3)
    return _dot(a, aw2T) + ab2


def _acc_stats(b, val, mask, s_ref, ss_ref):
    @pl.when(b == 0)
    def _():
        s_ref[...] = jnp.zeros((1, C), F32)
        ss_ref[...] = jnp.zeros((1, C), F32)

    vm = jnp.where(mask, val, 0.0)
    s_ref[...] += jnp.sum(vm, axis=0, keepdims=True)
    ss_ref[...] += jnp.sum(jnp.where(mask, val * val, 0.0), axis=0,
                           keepdims=True)


def _stats_outs():
    sds = jax.ShapeDtypeStruct((1, C), F32)
    spec = pl.BlockSpec((1, C), lambda i: (0, 0))
    return [sds, sds], [spec, spec]


def _bn_coeffs(s, ss, g, be):
    mean = s / E_CNT
    var = jnp.maximum(ss / E_CNT - mean * mean, 0.0)
    scale = g.reshape(1, C) / jnp.sqrt(var + 1e-5)
    shift = be.reshape(1, C) - mean * scale
    return scale, shift


_VEC = lambda: pl.BlockSpec((1, C), lambda i: (0, 0))
_WMAT = lambda: pl.BlockSpec((C, C), lambda i: (0, 0))
_EPOS = lambda: pl.BlockSpec((EB, PC), lambda i: (i, 0))
_EFEAT = lambda: pl.BlockSpec((EB, C), lambda i: (i, 0))
_DPOS = lambda: pl.BlockSpec((DB, PC), lambda i: (i, 0))
_DFEAT = lambda: pl.BlockSpec((DB, C), lambda i: (i, 0))
_NEB = N2P // DB



def _e1_body(pg_ref, dp_ref, pw1T_ref, pb1_ref, s_ref, ss_ref):
    b = pl.program_id(0)
    t1 = _chain_t1(pg_ref[...], dp_ref[...], pw1T_ref[...], pb1_ref[...])
    _acc_stats(b, t1, _edge_mask(b), s_ref, ss_ref)


def _run_e1(pos_g, pos2w, pw1T, pb1):
    outs, ospecs = _stats_outs()
    return _PC(
        _e1_body, grid=(_NEB,),
        in_specs=[_EFEAT(), _DFEAT(), _WMAT(), _VEC()],
        out_specs=ospecs, out_shape=outs,
    )(pos_g, pos2w, pw1T, pb1)



def _e2_body(pg_ref, dp_ref, pw1T_ref, pb1_ref, sc1_ref, sh1_ref,
             pw2T_ref, pb2_ref, s_ref, ss_ref):
    b = pl.program_id(0)
    t1 = _chain_t1(pg_ref[...], dp_ref[...], pw1T_ref[...], pb1_ref[...])
    t2 = _chain_t2(t1, sc1_ref[...], sh1_ref[...], pw2T_ref[...], pb2_ref[...])
    _acc_stats(b, t2, _edge_mask(b), s_ref, ss_ref)


def _run_e2(pos_g, pos2w, pw1T, pb1, sc1, sh1, pw2T2, pb2):
    outs, ospecs = _stats_outs()
    return _PC(
        _e2_body, grid=(_NEB,),
        in_specs=[_EFEAT(), _DFEAT(), _WMAT(), _VEC(), _VEC(), _VEC(),
                  _WMAT(), _VEC()],
        out_specs=ospecs, out_shape=outs,
    )(pos_g, pos2w, pw1T, pb1, sc1, sh1, pw2T2, pb2)



def _e3_body(pg_ref, dp_ref, kg_ref, q_ref, pw1T_ref, pb1_ref, sc1_ref,
             sh1_ref, pw2T_ref, pb2_ref, sc2_ref, sh2_ref, aw1T_ref, ab1_ref,
             s_ref, ss_ref):
    b = pl.program_id(0)
    t1 = _chain_t1(pg_ref[...], dp_ref[...], pw1T_ref[...], pb1_ref[...])
    t2 = _chain_t2(t1, sc1_ref[...], sh1_ref[...], pw2T_ref[...], pb2_ref[...])
    u1, _ = _chain_u1(t2, sc2_ref[...], sh2_ref[...], kg_ref[...], q_ref[...],
                      aw1T_ref[...], ab1_ref[...])
    _acc_stats(b, u1, _edge_mask(b), s_ref, ss_ref)


def _run_e3(pos_g, pos2w, k_g, q, pw1T, pb1, sc1, sh1, pw2T, pb2, sc2, sh2,
            aw1T, ab1):
    outs, ospecs = _stats_outs()
    return _PC(
        _e3_body, grid=(_NEB,),
        in_specs=[_EFEAT(), _DFEAT(), _EFEAT(), _DFEAT(),
                  _WMAT(), _VEC(), _VEC(), _VEC(), _WMAT(), _VEC(), _VEC(),
                  _VEC(), _WMAT(), _VEC()],
        out_specs=ospecs, out_shape=outs,
    )(pos_g, pos2w, k_g, q, pw1T, pb1, sc1, sh1, pw2T, pb2, sc2, sh2,
      aw1T, ab1)



def _e4_body(pg_ref, dp_ref, kg_ref, q_ref, pw1T_ref, pb1_ref, sc1_ref,
             sh1_ref, pw2T_ref, pb2_ref, sc2_ref, sh2_ref, aw1T_ref, ab1_ref,
             sc3_ref, sh3_ref, aw2T_ref, ab2_ref, s_ref, ss_ref):
    b = pl.program_id(0)
    t1 = _chain_t1(pg_ref[...], dp_ref[...], pw1T_ref[...], pb1_ref[...])
    t2 = _chain_t2(t1, sc1_ref[...], sh1_ref[...], pw2T_ref[...], pb2_ref[...])
    u1, _ = _chain_u1(t2, sc2_ref[...], sh2_ref[...], kg_ref[...], q_ref[...],
                      aw1T_ref[...], ab1_ref[...])
    u2 = _chain_u2(u1, sc3_ref[...], sh3_ref[...], aw2T_ref[...], ab2_ref[...])
    _acc_stats(b, u2, _edge_mask(b), s_ref, ss_ref)


def _run_e4(pos_g, pos2w, k_g, q, pw1T, pb1, sc1, sh1, pw2T, pb2, sc2, sh2,
            aw1T, ab1, sc3, sh3, aw2T, ab2):
    outs, ospecs = _stats_outs()
    return _PC(
        _e4_body, grid=(_NEB,),
        in_specs=[_EFEAT(), _DFEAT(), _EFEAT(), _DFEAT(),
                  _WMAT(), _VEC(), _VEC(), _VEC(), _WMAT(), _VEC(), _VEC(),
                  _VEC(), _WMAT(), _VEC(), _VEC(), _VEC(), _WMAT(), _VEC()],
        out_specs=ospecs, out_shape=outs,
    )(pos_g, pos2w, k_g, q, pw1T, pb1, sc1, sh1, pw2T, pb2, sc2, sh2,
      aw1T, ab1, sc3, sh3, aw2T, ab2)



def _e5_body(pg_ref, dp_ref, kg_ref, q_ref, vg_ref, x_ref,
             pw1T_ref, pb1_ref, sc1_ref, sh1_ref, pw2T_ref, pb2_ref,
             sc2_ref, sh2_ref, aw1T_ref, ab1_ref, sc3_ref, sh3_ref,
             aw2T_ref, ab2_ref, sc4_ref, sh4_ref, luT_ref, lub_ref,
             lng_ref, lnb_ref, o_ref):
    t1 = _chain_t1(pg_ref[...], dp_ref[...], pw1T_ref[...], pb1_ref[...])
    t2 = _chain_t2(t1, sc1_ref[...], sh1_ref[...], pw2T_ref[...], pb2_ref[...])
    u1, delta = _chain_u1(t2, sc2_ref[...], sh2_ref[...], kg_ref[...],
                          q_ref[...], aw1T_ref[...], ab1_ref[...])
    u2 = _chain_u2(u1, sc3_ref[...], sh3_ref[...], aw2T_ref[...], ab2_ref[...])
    alpha = jax.nn.relu(u2 * sc4_ref[...] + sh4_ref[...])
    a3 = alpha.reshape(DB, KG, C)
    m = jnp.max(a3, axis=1, keepdims=True)
    ex = jnp.exp(a3 - m)
    den = jnp.sum(ex, axis=1, keepdims=True)
    attn = ex / (den + 1e-16)
    contrib = attn * (vg_ref[...] + delta).reshape(DB, KG, C)
    out = jnp.sum(contrib, axis=1)
    y = jax.nn.relu(_dot(out, luT_ref[...]) + lub_ref[...]) + x_ref[...]
    mu = jnp.mean(y, axis=1, keepdims=True)
    var = jnp.mean((y - mu) * (y - mu), axis=1, keepdims=True)
    o_ref[...] = (y - mu) / jnp.sqrt(var + 1e-5) * lng_ref[...] + lnb_ref[...]


def _run_e5(pos_g, pos2w, k_g, q, v_g, x, pw1T, pb1, sc1, sh1, pw2T, pb2,
            sc2, sh2, aw1T, ab1, sc3, sh3, aw2T, ab2, sc4, sh4,
            luT, lub, lng, lnb):
    return _PC(
        _e5_body, grid=(_NEB,),
        in_specs=[_EFEAT(), _DFEAT(), _EFEAT(), _DFEAT(), _EFEAT(), _DFEAT(),
                  _WMAT(), _VEC(), _VEC(), _VEC(), _WMAT(), _VEC(), _VEC(),
                  _VEC(), _WMAT(), _VEC(), _VEC(), _VEC(), _WMAT(), _VEC(),
                  _VEC(), _VEC(), _WMAT(), _VEC(), _VEC(), _VEC()],
        out_specs=pl.BlockSpec((DB, C), lambda i: (i, 0)),
        out_shape=jax.ShapeDtypeStruct((N2P, C), F32),
    )(pos_g, pos2w, k_g, q, v_g, x, pw1T, pb1, sc1, sh1, pw2T, pb2,
      sc2, sh2, aw1T, ab1, sc3, sh3, aw2T, ab2, sc4, sh4, luT, lub, lng,
      lnb)



def kernel(x1, pos1, x2, pos2, lin1_w, lin1_b, lin2_w, lin2_b, lin_in_w,
           lin_in_b, lin_up_w, lin_up_b, conv_v_w, conv_src_w, conv_dst_w,
           pos_w1, pos_b1, pos_g1, pos_be1, pos_w2, pos_b2, pos_g2, pos_be2,
           attn_w1, attn_b1, attn_g1, attn_be1, attn_w2, attn_b2, attn_g2,
           attn_be2, ln_g, ln_b):
    x1p = jnp.zeros((N1P, C_IN), F32).at[:N1].set(x1)
    pos1T = jnp.zeros((PC, N1P), F32).at[:3, :N1].set(pos1.T)
    pos2p = jnp.zeros((N2P, PC), F32).at[:N2, :3].set(pos2)
    pos2T = pos2p.T

    vec = lambda a: a.reshape(1, C)
    lin1_wT = lin1_w.T
    pw1T = jnp.zeros((C, C), F32).at[:3].set(pos_w1.T)
    pos2w = jnp.zeros((N2P, C), F32).at[:N2, :3].set(pos2)

    h1 = _run_h1(x1p, lin1_wT, vec(lin1_b))

    x, q, kk, v = _run_knn1(pos2p, pos1T, h1, lin_in_w.T, vec(lin_in_b),
                            conv_dst_w.T, conv_src_w.T, conv_v_w.T)

    gidx = _run_knng(pos2p, pos2T)
    idx_flat = gidx.reshape(1, NE)

    pos_g, k_g, v_g = _sc_gather3(pos2w, kk, v, idx_flat)

    s1, ss1 = _run_e1(pos_g, pos2w, pw1T, vec(pos_b1))
    sc1, sh1 = _bn_coeffs(s1, ss1, pos_g1, pos_be1)

    s2, ss2 = _run_e2(pos_g, pos2w, pw1T, vec(pos_b1), sc1, sh1,
                      pos_w2.T, vec(pos_b2))
    sc2, sh2 = _bn_coeffs(s2, ss2, pos_g2, pos_be2)

    s3, ss3 = _run_e3(pos_g, pos2w, k_g, q, pw1T, vec(pos_b1), sc1, sh1,
                      pos_w2.T, vec(pos_b2), sc2, sh2, attn_w1.T,
                      vec(attn_b1))
    sc3, sh3 = _bn_coeffs(s3, ss3, attn_g1, attn_be1)

    s4, ss4 = _run_e4(pos_g, pos2w, k_g, q, pw1T, vec(pos_b1), sc1, sh1,
                      pos_w2.T, vec(pos_b2), sc2, sh2, attn_w1.T,
                      vec(attn_b1), sc3, sh3, attn_w2.T, vec(attn_b2))
    sc4, sh4 = _bn_coeffs(s4, ss4, attn_g2, attn_be2)

    yp = _run_e5(pos_g, pos2w, k_g, q, v_g, x, pw1T, vec(pos_b1), sc1, sh1,
                 pos_w2.T, vec(pos_b2), sc2, sh2, attn_w1.T, vec(attn_b1),
                 sc3, sh3, attn_w2.T, vec(attn_b2), sc4, sh4,
                 lin_up_w.T, vec(lin_up_b), vec(ln_g), vec(ln_b))
    return yp[:N2]

# --- scband reference (transcript-rebuilt; emitter-appended) ---
"""Pipeline reference for scband-dec-block-64742337020261 (READ-ONLY COPY).

The authoritative reference and input builder live on the scoring server;
editing this copy changes nothing except your own understanding.
"""

import jax, jax.numpy as jnp
import numpy as np

N1 = 2500
N2 = 10000
C_IN = 256
C_OUT = 128
K_UP = 3
K_GRAPH = 16

def _bn(x, g, b, eps=1e-5):
    m = jnp.mean(x, axis=0, keepdims=True)
    v = jnp.var(x, axis=0, keepdims=True)
    return (x - m) / jnp.sqrt(v + eps) * g + b

def _mlp(x, w1, b1, g1, be1, w2, b2, g2, be2):
    h = jax.nn.relu(_bn(x @ w1.T + b1, g1, be1))
    return jax.nn.relu(_bn(h @ w2.T + b2, g2, be2))

def _knn(query, ref, k, exclude_self=False, chunk=2000):
    qn = jnp.sum(query ** 2, axis=1)
    rn = jnp.sum(ref ** 2, axis=1)
    n = query.shape[0]
    idxs, dists = [], []
    for s in range(0, n, chunk):
        q = query[s:s + chunk]
        d2 = qn[s:s + chunk][:, None] + rn[None, :] - 2.0 * (q @ ref.T)
        d2 = jnp.maximum(d2, 0.0)
        if exclude_self:
            cols = jnp.arange(ref.shape[0])[None, :]
            rows = (s + jnp.arange(q.shape[0]))[:, None]
            d2 = jnp.where(cols == rows, jnp.inf, d2)
        negd, idx = jax.lax.top_k(-d2, k)
        idxs.append(idx)
        dists.append(-negd)
    return jnp.concatenate(idxs, axis=0), jnp.concatenate(dists, axis=0)

def _forward(x1, pos1, x2, pos2, lin1_w, lin1_b, lin2_w, lin2_b, lin_in_w, lin_in_b, lin_up_w, lin_up_b, conv_v_w, conv_src_w, conv_dst_w, pos_w1, pos_b1, pos_g1, pos_be1, pos_w2, pos_b2, pos_g2, pos_be2, attn_w1, attn_b1, attn_g1, attn_be1, attn_w2, attn_b2, attn_g2, attn_be2, ln_g, ln_b):
    # PointTrans_Layer_up: linear on both levels, then knn_interpolate (k=3)
    h1 = x1 @ lin1_w.T + lin1_b
    _h2 = x2 @ lin2_w.T + lin2_b  # computed by original module but its output is discarded
    idx, d2 = _knn(pos2, pos1, K_UP)
    w = 1.0 / jnp.maximum(d2, 1e-16)
    x_int = jnp.sum(h1[idx] * w[:, :, None], axis=1) / jnp.sum(w, axis=1, keepdims=True)
    # generate_graph: KNNGraph(k=16) on the fine positions (indices are non-differentiable)
    gidx, _gd = _knn(jax.lax.stop_gradient(pos2), jax.lax.stop_gradient(pos2), K_GRAPH, exclude_self=True)
    src = gidx.reshape(-1)
    dst = jnp.repeat(jnp.arange(N2), K_GRAPH)
    # PointTrans_Layer: linear_in + relu, PointTransformerConv, linear_up + relu, residual, norm
    x = jax.nn.relu(x_int @ lin_in_w.T + lin_in_b)
    q = x @ conv_dst_w.T
    kk = x @ conv_src_w.T
    v = x @ conv_v_w.T
    rel = pos2[dst] - pos2[src]
    delta = _mlp(rel, pos_w1, pos_b1, pos_g1, pos_be1, pos_w2, pos_b2, pos_g2, pos_be2)
    alpha = _mlp(q[dst] - kk[src] + delta, attn_w1, attn_b1, attn_g1, attn_be1, attn_w2, attn_b2, attn_g2, attn_be2)
    amax = jax.ops.segment_max(alpha, dst, num_segments=N2)
    ex = jnp.exp(alpha - amax[dst])
    den = jax.ops.segment_sum(ex, dst, num_segments=N2)
    attn = ex / (den[dst] + 1e-16)
    out = jax.ops.segment_sum(attn * (v[src] + delta), dst, num_segments=N2)
    out = jax.nn.relu(out @ lin_up_w.T + lin_up_b)
    x = out + x
    mu = jnp.mean(x, axis=-1, keepdims=True)
    var = jnp.var(x, axis=-1, keepdims=True)
    return (x - mu) / jnp.sqrt(var + 1e-5) * ln_g + ln_b

def setup_inputs(seed: int = 0):
    key = jax.random.key(seed)
    ks = [jax.random.fold_in(key, i) for i in range(64)]
    def lin(k, o, i):
        s = 1.0 / np.sqrt(i)
        return jax.random.uniform(k, (o, i), jnp.float32, -s, s)
    inp = {}
    inp["x1"] = jax.random.normal(ks[0], (N1, C_IN), jnp.float32)
    inp["pos1"] = jax.random.uniform(ks[1], (N1, 3), jnp.float32)
    inp["x2"] = jax.random.normal(ks[2], (N2, C_OUT), jnp.float32)
    inp["pos2"] = jax.random.uniform(ks[3], (N2, 3), jnp.float32)
    inp["lin1_w"] = lin(ks[4], C_OUT, C_IN); inp["lin1_b"] = jnp.zeros((C_OUT,), jnp.float32)
    inp["lin2_w"] = lin(ks[5], C_OUT, C_OUT); inp["lin2_b"] = jnp.zeros((C_OUT,), jnp.float32)
    inp["lin_in_w"] = lin(ks[6], C_OUT, C_OUT); inp["lin_in_b"] = jnp.zeros((C_OUT,), jnp.float32)
    inp["lin_up_w"] = lin(ks[7], C_OUT, C_OUT); inp["lin_up_b"] = jnp.zeros((C_OUT,), jnp.float32)
    inp["conv_v_w"] = lin(ks[8], C_OUT, C_OUT)
    inp["conv_src_w"] = lin(ks[9], C_OUT, C_OUT)
    inp["conv_dst_w"] = lin(ks[10], C_OUT, C_OUT)
    inp["pos_w1"] = lin(ks[11], C_OUT, 3); inp["pos_b1"] = jnp.zeros((C_OUT,), jnp.float32)
    inp["pos_g1"] = jnp.ones((C_OUT,), jnp.float32); inp["pos_be1"] = jnp.zeros((C_OUT,), jnp.float32)
    inp["pos_w2"] = lin(ks[12], C_OUT, C_OUT); inp["pos_b2"] = jnp.zeros((C_OUT,), jnp.float32)
    inp["pos_g2"] = jnp.ones((C_OUT,), jnp.float32); inp["pos_be2"] = jnp.zeros((C_OUT,), jnp.float32)
    inp["attn_w1"] = lin(ks[13], C_OUT, C_OUT); inp["attn_b1"] = jnp.zeros((C_OUT,), jnp.float32)
    inp["attn_g1"] = jnp.ones((C_OUT,), jnp.float32); inp["attn_be1"] = jnp.zeros((C_OUT,), jnp.float32)
    inp["attn_w2"] = lin(ks[14], C_OUT, C_OUT); inp["attn_b2"] = jnp.zeros((C_OUT,), jnp.float32)
    inp["attn_g2"] = jnp.ones((C_OUT,), jnp.float32); inp["attn_be2"] = jnp.zeros((C_OUT,), jnp.float32)
    inp["ln_g"] = jnp.ones((C_OUT,), jnp.float32); inp["ln_b"] = jnp.zeros((C_OUT,), jnp.float32)
    return inp

def reference(x1, pos1, x2, pos2, lin1_w, lin1_b, lin2_w, lin2_b, lin_in_w, lin_in_b, lin_up_w, lin_up_b, conv_v_w, conv_src_w, conv_dst_w, pos_w1, pos_b1, pos_g1, pos_be1, pos_w2, pos_b2, pos_g2, pos_be2, attn_w1, attn_b1, attn_g1, attn_be1, attn_w2, attn_b2, attn_g2, attn_be2, ln_g, ln_b):
    return _forward(x1, pos1, x2, pos2, lin1_w, lin1_b, lin2_w, lin2_b, lin_in_w, lin_in_b, lin_up_w, lin_up_b, conv_v_w, conv_src_w, conv_dst_w, pos_w1, pos_b1, pos_g1, pos_be1, pos_w2, pos_b2, pos_g2, pos_be2, attn_w1, attn_b1, attn_g1, attn_be1, attn_w2, attn_b2, attn_g2, attn_be2, ln_g, ln_b)

if __name__ == "__main__":
    import jax
    _d = setup_inputs()
    print(jax.jit(kernel)(*tuple(_d.values())))

</pallas_src>

<mosaic_0001>
#map = affine_map<(d0, d1) -> (0, 0)>
module attributes {stable_mosaic.version = 14 : i64} {
  func.func @k(%arg0: i32, %arg1: i32, %arg2: memref<10240x128xf32, #tpu.memory_space<hbm>>, %arg3: memref<10240x128xf32, #tpu.memory_space<hbm>>, %arg4: memref<10240x128xf32, #tpu.memory_space<hbm>>, %arg5: memref<1x163840xi32, #tpu.memory_space<hbm>>, %arg6: memref<163840x128xf32, #tpu.memory_space<hbm>>, %arg7: memref<163840x128xf32, #tpu.memory_space<hbm>>, %arg8: memref<163840x128xf32, #tpu.memory_space<hbm>>) attributes {dimension_semantics = [#tpu.dimension_semantics<core_parallel>, #tpu.dimension_semantics<subcore_parallel>], iteration_bounds = array<i64: 2, 16>, scalar_prefetch = 0 : i64, scratch_operands = 0 : i64, tpu.core_type = #tpu.core_type<sc_vector_subcore>, window_params = [{transform_indices = #map}, {transform_indices = #map}, {transform_indices = #map}, {transform_indices = #map}, {transform_indices = #map}, {transform_indices = #map}, {transform_indices = #map}]} {
    %mul3A = arith.constant 1 : i32
    %mul3A_0 = arith.muli %arg1, %mul3A : i32
    %add3A = arith.constant 0 : i32
    %add3A_1 = arith.addi %add3A, %mul3A_0 : i32
    %mul3A_2 = arith.constant 16 : i32
    %mul3A_3 = arith.muli %arg0, %mul3A_2 : i32
    %add3A_4 = arith.addi %add3A_1, %mul3A_3 : i32
    %mul3A_5 = arith.constant 40 : i32
    %mul3A_6 = arith.muli %add3A_4, %mul3A_5 : i32
    "tpu.region"() ({
      %run_scoped3A = memref.alloca() : memref<2x1x128xi32, #tpu.memory_space<vmem>>
      %run_scoped3A_7 = tpu.sem_alloc : memref<2x!tpu.dma_semaphore, #tpu.memory_space<semaphore_mem>>
      %run_scoped3A_8 = memref.alloca() : memref<2x128x128xf32, #tpu.memory_space<vmem>>
      %run_scoped3A_9 = tpu.sem_alloc : memref<2x!tpu.dma_semaphore, #tpu.memory_space<semaphore_mem>>
      %run_scoped3A_10 = memref.alloca() : memref<2x128x128xf32, #tpu.memory_space<vmem>>
      %run_scoped3A_11 = tpu.sem_alloc : memref<2x!tpu.dma_semaphore, #tpu.memory_space<semaphore_mem>>
      %run_scoped3A_12 = memref.alloca() : memref<2x128x128xf32, #tpu.memory_space<vmem>>
      %run_scoped3A_13 = tpu.sem_alloc : memref<2x!tpu.dma_semaphore, #tpu.memory_space<semaphore_mem>>
      %add3A_14 = arith.constant 0 : i32
      %add3A_15 = arith.addi %add3A_14, %mul3A_6 : i32
      %select_n3A = arith.constant true
      %select_n3A_16 = arith.constant 0 : i32
      %select_n3A_17 = arith.constant -1 : i32
      %select_n3A_18 = arith.select %select_n3A, %select_n3A_17, %select_n3A_16 : i32
      %eq3A = arith.constant -1 : i32
      %eq3A_19 = arith.cmpi eq, %select_n3A_18, %eq3A : i32
      %select_n3A_20 = arith.constant 39 : i32
      %select_n3A_21 = arith.select %eq3A_19, %select_n3A_20, %select_n3A_18 : i32
      %add3A_22 = arith.addi %select_n3A_21, %mul3A_6 : i32
      %select_n3A_23 = arith.constant true
      %select_n3A_24 = arith.constant 0 : i32
      %select_n3A_25 = arith.constant 1 : i32
      %select_n3A_26 = arith.select %select_n3A_23, %select_n3A_25, %select_n3A_24 : i32
      %eq3A_27 = arith.constant 40 : i32
      %eq3A_28 = arith.cmpi eq, %select_n3A_26, %eq3A_27 : i32
      %select_n3A_29 = arith.constant 0 : i32
      %select_n3A_30 = arith.select %eq3A_28, %select_n3A_29, %select_n3A_26 : i32
      %add3A_31 = arith.addi %select_n3A_30, %mul3A_6 : i32
      %add3A_32 = arith.constant 1 : i32
      %add3A_33 = arith.addi %select_n3A_30, %add3A_32 : i32
      %select_n3A_34 = arith.constant true
      %select_n3A_35 = arith.select %select_n3A_34, %add3A_33, %select_n3A_30 : i32
      %eq3A_36 = arith.constant 40 : i32
      %eq3A_37 = arith.cmpi eq, %select_n3A_35, %eq3A_36 : i32
      %select_n3A_38 = arith.constant 0 : i32
      %select_n3A_39 = arith.select %eq3A_37, %select_n3A_38, %select_n3A_35 : i32
      %add3A_40 = arith.addi %select_n3A_39, %mul3A_6 : i32
      "tpu.trace_start"() <{level = 10 : i32, message = "ep_initialize_0"}> : () -> ()
      %rem3A = arith.constant 0 : i32
      %rem3A_41 = arith.constant 2 : i32
      %rem3A_42 = arith.remui %rem3A, %rem3A_41 : i32
      %mul3A_43 = arith.constant 128 : i32
      %mul3A_44 = arith.muli %mul3A_43, %add3A_15 : i32
      %dma_start3A = arith.constant 0 : i32
      %dma_start3A_45 = arith.constant 0 : i32
      %dma_start3A_46 = tpu.memref_slice %run_scoped3A[%rem3A_42, %dma_start3A, %dma_start3A_45] : memref<2x1x128xi32, #tpu.memory_space<vmem>> -> memref<1x1x128xi32, #tpu.memory_space<vmem>>
      %dma_start3A_47 = tpu.memref_squeeze %dma_start3A_46 : memref<1x1x128xi32, #tpu.memory_space<vmem>> -> memref<1x128xi32, #tpu.memory_space<vmem>>
      %dma_start3A_48 = arith.constant 0 : i32
      %dma_start3A_49 = tpu.memref_slice %arg5[%dma_start3A_48, %mul3A_44] : memref<1x163840xi32, #tpu.memory_space<hbm>> -> memref<1x128xi32, #tpu.memory_space<hbm>>
      %dma_start3A_50 = tpu.memref_slice %run_scoped3A_7[%rem3A_42] : memref<2x!tpu.dma_semaphore, #tpu.memory_space<semaphore_mem>> -> memref<1x!tpu.dma_semaphore, #tpu.memory_space<semaphore_mem>>
      %dma_start3A_51 = tpu.memref_squeeze %dma_start3A_50 : memref<1x!tpu.dma_semaphore, #tpu.memory_space<semaphore_mem>> -> memref<!tpu.dma_semaphore, #tpu.memory_space<semaphore_mem>>
      %dma_start3A_52 = arith.constant 0 : i32
      %dma_start3A_53 = arith.constant 0 : i32
      %dma_start3A_54 = tpu.memref_slice %run_scoped3A[%rem3A_42, %dma_start3A_52, %dma_start3A_53] : memref<2x1x128xi32, #tpu.memory_space<vmem>> -> memref<1x1x128xi32, #tpu.memory_space<vmem>>
      %dma_start3A_55 = tpu.memref_squeeze %dma_start3A_54 : memref<1x1x128xi32, #tpu.memory_space<vmem>> -> memref<1x128xi32, #tpu.memory_space<vmem>>
      %dma_start3A_56 = arith.constant 0 : i32
      %dma_start3A_57 = tpu.memref_slice %arg5[%dma_start3A_56, %mul3A_44] : memref<1x163840xi32, #tpu.memory_space<hbm>> -> memref<1x128xi32, #tpu.memory_space<hbm>>
      tpu.enqueue_dma source(%dma_start3A_57 : memref<1x128xi32, #tpu.memory_space<hbm>>) target(%dma_start3A_55 : memref<1x128xi32, #tpu.memory_space<vmem>>) target_semaphore(%dma_start3A_51 : memref<!tpu.dma_semaphore, #tpu.memory_space<semaphore_mem>>)
      %add3A_58 = arith.constant 0 : i32
      %add3A_59 = arith.constant 1 : i32
      %add3A_60 = arith.addi %add3A_58, %add3A_59 : i32
      %select_n3A_61 = arith.constant true
      %select_n3A_62 = arith.constant 0 : i32
      %select_n3A_63 = arith.select %select_n3A_61, %add3A_60, %select_n3A_62 : i32
      "tpu.trace_stop"() : () -> ()
      %scan3A = arith.constant 0 : i32
      %scan3A_64 = arith.constant 0 : i32
      %scan3A_65 = arith.constant 0 : i32
      %scan3A_66 = arith.constant 0 : i32
      %scan3A_67 = arith.constant 0 : i32
      %scan3A_68 = arith.constant 0 : i32
      %scan3A_69 = arith.constant 0 : i32
      %scan3A_70 = arith.constant 0 : i32
      %scan3A_71 = arith.constant 0 : i32
      %scan3A_72 = arith.constant 40 : i32
      %scan3A_73 = arith.addi %scan3A_71, %scan3A_72 : i32
      %scan3A_74 = arith.constant 1 : i32
      %scan3A_75:9 = scf.for %scan3A_165 = %scan3A_71 to %scan3A_73 step %scan3A_74 iter_args(%scan3A_166 = %select_n3A_63, %scan3A_167 = %scan3A, %scan3A_168 = %scan3A_64, %scan3A_169 = %scan3A_65, %scan3A_170 = %scan3A_66, %scan3A_171 = %scan3A_67, %scan3A_172 = %scan3A_68, %scan3A_173 = %scan3A_69, %scan3A_174 = %scan3A_70) -> (i32, i32, i32, i32, i32, i32, i32, i32, i32)  : i32 {
        %eq3A_175 = arith.constant 0 : i32
        %eq3A_176 = arith.cmpi eq, %scan3A_165, %eq3A_175 : i32
        %eq3A_177 = arith.constant 39 : i32
        %eq3A_178 = arith.cmpi eq, %scan3A_165, %eq3A_177 : i32
        %add3A_179 = arith.addi %scan3A_174, %mul3A_6 : i32
        %sub3A_180 = arith.constant 1 : i32
        %sub3A_181 = arith.subi %scan3A_174, %sub3A_180 : i32
        %select_n3A_182 = arith.constant true
        %select_n3A_183 = arith.select %select_n3A_182, %sub3A_181, %scan3A_174 : i32
        %eq3A_184 = arith.constant -1 : i32
        %eq3A_185 = arith.cmpi eq, %select_n3A_183, %eq3A_184 : i32
        %select_n3A_186 = arith.constant 39 : i32
        %select_n3A_187 = arith.select %eq3A_185, %select_n3A_186, %select_n3A_183 : i32
        %add3A_188 = arith.addi %select_n3A_187, %mul3A_6 : i32
        %add3A_189 = arith.constant 1 : i32
        %add3A_190 = arith.addi %scan3A_174, %add3A_189 : i32
        %select_n3A_191 = arith.constant true
        %select_n3A_192 = arith.select %select_n3A_191, %add3A_190, %scan3A_174 : i32
        %eq3A_193 = arith.constant 40 : i32
        %eq3A_194 = arith.cmpi eq, %select_n3A_192, %eq3A_193 : i32
        %select_n3A_195 = arith.constant 0 : i32
        %select_n3A_196 = arith.select %eq3A_194, %select_n3A_195, %select_n3A_192 : i32
        %add3A_197 = arith.addi %select_n3A_196, %mul3A_6 : i32
        %add3A_198 = arith.constant 1 : i32
        %add3A_199 = arith.addi %select_n3A_196, %add3A_198 : i32
        %select_n3A_200 = arith.constant true
        %select_n3A_201 = arith.select %select_n3A_200, %add3A_199, %select_n3A_196 : i32
        %eq3A_202 = arith.constant 40 : i32
        %eq3A_203 = arith.cmpi eq, %select_n3A_201, %eq3A_202 : i32
        %select_n3A_204 = arith.constant 0 : i32
        %select_n3A_205 = arith.select %eq3A_203, %select_n3A_204, %select_n3A_201 : i32
        %add3A_206 = arith.addi %select_n3A_205, %mul3A_6 : i32
        %ne3A = arith.cmpi ne, %add3A_179, %add3A_197 : i32
        %or3A = arith.constant false
        %or3A_207 = arith.ori %or3A, %ne3A : i1
        %ge3A = arith.constant 39 : i32
        %ge3A_208 = arith.cmpi sge, %scan3A_165, %ge3A : i32
        %not3A = arith.constant true
        %not3A_209 = arith.xori %ge3A_208, %not3A : i1
        %and3A = arith.andi %or3A_207, %not3A_209 : i1
        %convert_element_type3A = arith.extui %and3A : i1 to i32
        %cond3A = arith.constant 0 : i32
        %cond3A_210 = arith.cmpi ne, %convert_element_type3A, %cond3A : i32
        scf.if %cond3A_210 {
          "tpu.trace_start"() <{level = 10 : i32, message = "ep_copy_in"}> : () -> ()
          %rem3A_416 = arith.constant 2 : i32
          %rem3A_417 = arith.remui %scan3A_166, %rem3A_416 : i32
          %mul3A_418 = arith.constant 128 : i32
          %mul3A_419 = arith.muli %mul3A_418, %add3A_197 : i32
          %dma_start3A_420 = arith.constant 0 : i32
          %dma_start3A_421 = arith.constant 0 : i32
          %dma_start3A_422 = tpu.memref_slice %run_scoped3A[%rem3A_417, %dma_start3A_420, %dma_start3A_421] : memref<2x1x128xi32, #tpu.memory_space<vmem>> -> memref<1x1x128xi32, #tpu.memory_space<vmem>>
          %dma_start3A_423 = tpu.memref_squeeze %dma_start3A_422 : memref<1x1x128xi32, #tpu.memory_space<vmem>> -> memref<1x128xi32, #tpu.memory_space<vmem>>
          %dma_start3A_424 = arith.constant 0 : i32
          %dma_start3A_425 = tpu.memref_slice %arg5[%dma_start3A_424, %mul3A_419] : memref<1x163840xi32, #tpu.memory_space<hbm>> -> memref<1x128xi32, #tpu.memory_space<hbm>>
          %dma_start3A_426 = tpu.memref_slice %run_scoped3A_7[%rem3A_417] : memref<2x!tpu.dma_semaphore, #tpu.memory_space<semaphore_mem>> -> memref<1x!tpu.dma_semaphore, #tpu.memory_space<semaphore_mem>>
          %dma_start3A_427 = tpu.memref_squeeze %dma_start3A_426 : memref<1x!tpu.dma_semaphore, #tpu.memory_space<semaphore_mem>> -> memref<!tpu.dma_semaphore, #tpu.memory_space<semaphore_mem>>
          %dma_start3A_428 = arith.constant 0 : i32
          %dma_start3A_429 = arith.constant 0 : i32
          %dma_start3A_430 = tpu.memref_slice %run_scoped3A[%rem3A_417, %dma_start3A_428, %dma_start3A_429] : memref<2x1x128xi32, #tpu.memory_space<vmem>> -> memref<1x1x128xi32, #tpu.memory_space<vmem>>
          %dma_start3A_431 = tpu.memref_squeeze %dma_start3A_430 : memref<1x1x128xi32, #tpu.memory_space<vmem>> -> memref<1x128xi32, #tpu.memory_space<vmem>>
          %dma_start3A_432 = arith.constant 0 : i32
          %dma_start3A_433 = tpu.memref_slice %arg5[%dma_start3A_432, %mul3A_419] : memref<1x163840xi32, #tpu.memory_space<hbm>> -> memref<1x128xi32, #tpu.memory_space<hbm>>
          tpu.enqueue_dma source(%dma_start3A_433 : memref<1x128xi32, #tpu.memory_space<hbm>>) target(%dma_start3A_431 : memref<1x128xi32, #tpu.memory_space<vmem>>) target_semaphore(%dma_start3A_427 : memref<!tpu.dma_semaphore, #tpu.memory_space<semaphore_mem>>)
          "tpu.trace_stop"() : () -> ()
        } else {
        }
        %and3A_211 = arith.constant true
        %and3A_212 = arith.andi %and3A, %and3A_211 : i1
        %add3A_213 = arith.constant 1 : i32
        %add3A_214 = arith.addi %scan3A_166, %add3A_213 : i32
        %select_n3A_215 = arith.select %and3A_212, %add3A_214, %scan3A_166 : i32
        %ne3A_216 = arith.cmpi ne, %add3A_179, %add3A_197 : i32
        %or3A_217 = arith.constant false
        %or3A_218 = arith.ori %or3A_217, %ne3A_216 : i1
        %or3A_219 = arith.constant false
        %or3A_220 = arith.ori %or3A_218, %or3A_219 : i1
        %ge3A_221 = arith.constant 39 : i32
        %ge3A_222 = arith.cmpi sge, %scan3A_165, %ge3A_221 : i32
        %not3A_223 = arith.constant true
        %not3A_224 = arith.xori %ge3A_222, %not3A_223 : i1
        %and3A_225 = arith.andi %or3A_220, %not3A_224 : i1
        %ne3A_226 = arith.cmpi ne, %add3A_179, %add3A_197 : i32
        %or3A_227 = arith.constant false
        %or3A_228 = arith.ori %or3A_227, %ne3A_226 : i1
        %or3A_229 = arith.constant false
        %or3A_230 = arith.ori %or3A_228, %or3A_229 : i1
        %ge3A_231 = arith.constant 39 : i32
        %ge3A_232 = arith.cmpi sge, %scan3A_165, %ge3A_231 : i32
        %not3A_233 = arith.constant true
        %not3A_234 = arith.xori %ge3A_232, %not3A_233 : i1
        %and3A_235 = arith.andi %or3A_230, %not3A_234 : i1
        %ne3A_236 = arith.cmpi ne, %add3A_179, %add3A_197 : i32
        %or3A_237 = arith.constant false
        %or3A_238 = arith.ori %or3A_237, %ne3A_236 : i1
        %or3A_239 = arith.constant false
        %or3A_240 = arith.ori %or3A_238, %or3A_239 : i1
        %ge3A_241 = arith.constant 39 : i32
        %ge3A_242 = arith.cmpi sge, %scan3A_165, %ge3A_241 : i32
        %not3A_243 = arith.constant true
        %not3A_244 = arith.xori %ge3A_242, %not3A_243 : i1
        %and3A_245 = arith.andi %or3A_240, %not3A_244 : i1
        %ne3A_246 = arith.cmpi ne, %add3A_179, %add3A_188 : i32
        %or3A_247 = arith.constant false
        %or3A_248 = arith.ori %or3A_247, %ne3A_246 : i1
        %or3A_249 = arith.ori %or3A_248, %eq3A_176 : i1
        %convert_element_type3A_250 = arith.extui %or3A_249 : i1 to i32
        %cond3A_251 = arith.constant 0 : i32
        %cond3A_252 = arith.cmpi ne, %convert_element_type3A_250, %cond3A_251 : i32
        scf.if %cond3A_252 {
          "tpu.trace_start"() <{level = 10 : i32, message = "ep_wait_in"}> : () -> ()
          %mul3A_416 = arith.constant 128 : i32
          %mul3A_417 = arith.muli %mul3A_416, %add3A_179 : i32
          %rem3A_418 = arith.constant 2 : i32
          %rem3A_419 = arith.remui %scan3A_167, %rem3A_418 : i32
          %dma_wait3A_420 = arith.constant 0 : i32
          %dma_wait3A_421 = arith.constant 0 : i32
          %dma_wait3A_422 = tpu.memref_slice %run_scoped3A[%rem3A_419, %dma_wait3A_420, %dma_wait3A_421] : memref<2x1x128xi32, #tpu.memory_space<vmem>> -> memref<1x1x128xi32, #tpu.memory_space<vmem>>
          %dma_wait3A_423 = tpu.memref_squeeze %dma_wait3A_422 : memref<1x1x128xi32, #tpu.memory_space<vmem>> -> memref<1x128xi32, #tpu.memory_space<vmem>>
          %dma_wait3A_424 = arith.constant 0 : i32
          %dma_wait3A_425 = tpu.memref_slice %arg5[%dma_wait3A_424, %mul3A_417] : memref<1x163840xi32, #tpu.memory_space<hbm>> -> memref<1x128xi32, #tpu.memory_space<hbm>>
          %dma_wait3A_426 = tpu.memref_slice %run_scoped3A_7[%rem3A_419] : memref<2x!tpu.dma_semaphore, #tpu.memory_space<semaphore_mem>> -> memref<1x!tpu.dma_semaphore, #tpu.memory_space<semaphore_mem>>
          %dma_wait3A_427 = tpu.memref_squeeze %dma_wait3A_426 : memref<1x!tpu.dma_semaphore, #tpu.memory_space<semaphore_mem>> -> memref<!tpu.dma_semaphore, #tpu.memory_space<semaphore_mem>>
          %dma_wait3A_428 = arith.constant 0 : i32
          %dma_wait3A_429 = arith.constant 0 : i32
          %dma_wait3A_430 = tpu.memref_slice %run_scoped3A[%rem3A_419, %dma_wait3A_428, %dma_wait3A_429] : memref<2x1x128xi32, #tpu.memory_space<vmem>> -> memref<1x1x128xi32, #tpu.memory_space<vmem>>
          %dma_wait3A_431 = tpu.memref_squeeze %dma_wait3A_430 : memref<1x1x128xi32, #tpu.memory_space<vmem>> -> memref<1x128xi32, #tpu.memory_space<vmem>>
          %dma_wait3A_432 = arith.constant 0 : i32
          %dma_wait3A_433 = tpu.memref_slice %arg5[%dma_wait3A_432, %mul3A_417] : memref<1x163840xi32, #tpu.memory_space<hbm>> -> memref<1x128xi32, #tpu.memory_space<hbm>>
          tpu.wait_dma2 semaphore(%dma_wait3A_427 : memref<!tpu.dma_semaphore, #tpu.memory_space<semaphore_mem>>) src(%dma_wait3A_433 : memref<1x128xi32, #tpu.memory_space<hbm>>) dst(%dma_wait3A_431 : memref<1x128xi32, #tpu.memory_space<vmem>>)
          "tpu.trace_stop"() : () -> ()
        } else {
        }
        %ne3A_253 = arith.cmpi ne, %add3A_179, %add3A_188 : i32
        %or3A_254 = arith.constant false
        %or3A_255 = arith.ori %or3A_254, %ne3A_253 : i1
        %or3A_256 = arith.constant false
        %or3A_257 = arith.ori %or3A_255, %or3A_256 : i1
        %or3A_258 = arith.ori %or3A_257, %eq3A_176 : i1
        %convert_element_type3A_259 = arith.extui %or3A_258 : i1 to i32
        %cond3A_260 = arith.constant 0 : i32
        %cond3A_261 = arith.cmpi ne, %convert_element_type3A_259, %cond3A_260 : i32
        scf.if %cond3A_261 {
        } else {
        }
        %ne3A_262 = arith.cmpi ne, %add3A_179, %add3A_188 : i32
        %or3A_263 = arith.constant false
        %or3A_264 = arith.ori %or3A_263, %ne3A_262 : i1
        %or3A_265 = arith.constant false
        %or3A_266 = arith.ori %or3A_264, %or3A_265 : i1
        %or3A_267 = arith.ori %or3A_266, %eq3A_176 : i1
        %convert_element_type3A_268 = arith.extui %or3A_267 : i1 to i32
        %cond3A_269 = arith.constant 0 : i32
        %cond3A_270 = arith.cmpi ne, %convert_element_type3A_268, %cond3A_269 : i32
        scf.if %cond3A_270 {
        } else {
        }
        %ne3A_271 = arith.cmpi ne, %add3A_179, %add3A_188 : i32
        %or3A_272 = arith.constant false
        %or3A_273 = arith.ori %or3A_272, %ne3A_271 : i1
        %or3A_274 = arith.constant false
        %or3A_275 = arith.ori %or3A_273, %or3A_274 : i1
        %or3A_276 = arith.ori %or3A_275, %eq3A_176 : i1
        %convert_element_type3A_277 = arith.extui %or3A_276 : i1 to i32
        %cond3A_278 = arith.constant 0 : i32
        %cond3A_279 = arith.cmpi ne, %convert_element_type3A_277, %cond3A_278 : i32
        scf.if %cond3A_279 {
        } else {
        }
        %rem3A_280 = arith.constant 2 : i32
        %rem3A_281 = arith.remui %scan3A_167, %rem3A_280 : i32
        %rem3A_282 = arith.constant 2 : i32
        %rem3A_283 = arith.remui %scan3A_168, %rem3A_282 : i32
        %rem3A_284 = arith.constant 2 : i32
        %rem3A_285 = arith.remui %scan3A_170, %rem3A_284 : i32
        %rem3A_286 = arith.constant 2 : i32
        %rem3A_287 = arith.remui %scan3A_172, %rem3A_286 : i32
        %run_scoped3A_288 = arith.constant 0 : i32
        "tpu.trace_start"() <{level = 10 : i32, message = "ep_run_kernel"}> : () -> ()
        "tpu.region"() ({
          %run_scoped3A_416 = tpu.sem_alloc : memref<!tpu.dma_semaphore, #tpu.memory_space<semaphore_mem>>
          %dma_start3A_417 = arith.constant 0 : i32
          %dma_start3A_418 = arith.constant 0 : i32
          %dma_start3A_419 = tpu.memref_slice %run_scoped3A_8[%rem3A_283, %dma_start3A_417, %dma_start3A_418] : memref<2x128x128xf32, #tpu.memory_space<vmem>> -> memref<1x128x128xf32, #tpu.memory_space<vmem>>
          %dma_start3A_420 = tpu.memref_squeeze %dma_start3A_419 : memref<1x128x128xf32, #tpu.memory_space<vmem>> -> memref<128x128xf32, #tpu.memory_space<vmem>>
          %dma_start3A_421 = arith.constant 0 : i32
          %dma_start3A_422 = arith.constant 0 : i32
          %dma_start3A_423 = tpu.memref_slice %run_scoped3A[%rem3A_281, %dma_start3A_421, %dma_start3A_422] : memref<2x1x128xi32, #tpu.memory_space<vmem>> -> memref<1x1x128xi32, #tpu.memory_space<vmem>>
          %dma_start3A_424 = tpu.memref_squeeze %dma_start3A_423 : memref<1x1x128xi32, #tpu.memory_space<vmem>> -> memref<1x128xi32, #tpu.memory_space<vmem>>
          %dma_start3A_425 = arith.constant 0 : i32
          %dma_start3A_426 = tpu.memref_slice %dma_start3A_424[%run_scoped3A_288, %dma_start3A_425] : memref<1x128xi32, #tpu.memory_space<vmem>> -> memref<1x128xi32, #tpu.memory_space<vmem>>
          %dma_start3A_427 = tpu.memref_squeeze %dma_start3A_426 : memref<1x128xi32, #tpu.memory_space<vmem>> -> memref<128xi32, #tpu.memory_space<vmem>>
          %dma_start3A_428 = arith.constant 0 : i32
          %dma_start3A_429 = arith.constant 0 : i32
          %dma_start3A_430 = tpu.memref_slice %arg2[%dma_start3A_428, %dma_start3A_429] : memref<10240x128xf32, #tpu.memory_space<hbm>> -> memref<10240x128xf32, #tpu.memory_space<hbm>>
          tpu.enqueue_indirect_dma source(%dma_start3A_430 : memref<10240x128xf32, #tpu.memory_space<hbm>>) target(%dma_start3A_420 : memref<128x128xf32, #tpu.memory_space<vmem>>) offsets(%dma_start3A_427 : memref<128xi32, #tpu.memory_space<vmem>>) semaphore(%run_scoped3A_416 : memref<!tpu.dma_semaphore, #tpu.memory_space<semaphore_mem>>)
          %dma_wait3A_431 = arith.constant 0 : i32
          %dma_wait3A_432 = arith.constant 0 : i32
          %dma_wait3A_433 = tpu.memref_slice %run_scoped3A_8[%rem3A_283, %dma_wait3A_431, %dma_wait3A_432] : memref<2x128x128xf32, #tpu.memory_space<vmem>> -> memref<1x128x128xf32, #tpu.memory_space<vmem>>
          %dma_wait3A_434 = tpu.memref_squeeze %dma_wait3A_433 : memref<1x128x128xf32, #tpu.memory_space<vmem>> -> memref<128x128xf32, #tpu.memory_space<vmem>>
          %dma_wait3A_435 = arith.constant 0 : i32
          %dma_wait3A_436 = arith.constant 0 : i32
          %dma_wait3A_437 = tpu.memref_slice %run_scoped3A[%rem3A_281, %dma_wait3A_435, %dma_wait3A_436] : memref<2x1x128xi32, #tpu.memory_space<vmem>> -> memref<1x1x128xi32, #tpu.memory_space<vmem>>
          %dma_wait3A_438 = tpu.memref_squeeze %dma_wait3A_437 : memref<1x1x128xi32, #tpu.memory_space<vmem>> -> memref<1x128xi32, #tpu.memory_space<vmem>>
          %dma_wait3A_439 = arith.constant 0 : i32
          %dma_wait3A_440 = tpu.memref_slice %dma_wait3A_438[%run_scoped3A_288, %dma_wait3A_439] : memref<1x128xi32, #tpu.memory_space<vmem>> -> memref<1x128xi32, #tpu.memory_space<vmem>>
          %dma_wait3A_441 = tpu.memref_squeeze %dma_wait3A_440 : memref<1x128xi32, #tpu.memory_space<vmem>> -> memref<128xi32, #tpu.memory_space<vmem>>
          %dma_wait3A_442 = arith.constant 0 : i32
          %dma_wait3A_443 = arith.constant 0 : i32
          %dma_wait3A_444 = tpu.memref_slice %arg2[%dma_wait3A_442, %dma_wait3A_443] : memref<10240x128xf32, #tpu.memory_space<hbm>> -> memref<10240x128xf32, #tpu.memory_space<hbm>>
          tpu.wait_indirect_dma semaphore(%run_scoped3A_416 : memref<!tpu.dma_semaphore, #tpu.memory_space<semaphore_mem>>) src(%dma_wait3A_444 : memref<10240x128xf32, #tpu.memory_space<hbm>>) dst(%dma_wait3A_434 : memref<128x128xf32, #tpu.memory_space<vmem>>)
          tpu.yield
        }) : () -> ()
        %run_scoped3A_289 = arith.constant 0 : i32
        "tpu.region"() ({
          %run_scoped3A_416 = tpu.sem_alloc : memref<!tpu.dma_semaphore, #tpu.memory_space<semaphore_mem>>
          %dma_start3A_417 = arith.constant 0 : i32
          %dma_start3A_418 = arith.constant 0 : i32
          %dma_start3A_419 = tpu.memref_slice %run_scoped3A_10[%rem3A_285, %dma_start3A_417, %dma_start3A_418] : memref<2x128x128xf32, #tpu.memory_space<vmem>> -> memref<1x128x128xf32, #tpu.memory_space<vmem>>
          %dma_start3A_420 = tpu.memref_squeeze %dma_start3A_419 : memref<1x128x128xf32, #tpu.memory_space<vmem>> -> memref<128x128xf32, #tpu.memory_space<vmem>>
          %dma_start3A_421 = arith.constant 0 : i32
          %dma_start3A_422 = arith.constant 0 : i32
          %dma_start3A_423 = tpu.memref_slice %run_scoped3A[%rem3A_281, %dma_start3A_421, %dma_start3A_422] : memref<2x1x128xi32, #tpu.memory_space<vmem>> -> memref<1x1x128xi32, #tpu.memory_space<vmem>>
          %dma_start3A_424 = tpu.memref_squeeze %dma_start3A_423 : memref<1x1x128xi32, #tpu.memory_space<vmem>> -> memref<1x128xi32, #tpu.memory_space<vmem>>
          %dma_start3A_425 = arith.constant 0 : i32
          %dma_start3A_426 = tpu.memref_slice %dma_start3A_424[%run_scoped3A_289, %dma_start3A_425] : memref<1x128xi32, #tpu.memory_space<vmem>> -> memref<1x128xi32, #tpu.memory_space<vmem>>
          %dma_start3A_427 = tpu.memref_squeeze %dma_start3A_426 : memref<1x128xi32, #tpu.memory_space<vmem>> -> memref<128xi32, #tpu.memory_space<vmem>>
          %dma_start3A_428 = arith.constant 0 : i32
          %dma_start3A_429 = arith.constant 0 : i32
          %dma_start3A_430 = tpu.memref_slice %arg3[%dma_start3A_428, %dma_start3A_429] : memref<10240x128xf32, #tpu.memory_space<hbm>> -> memref<10240x128xf32, #tpu.memory_space<hbm>>
          tpu.enqueue_indirect_dma source(%dma_start3A_430 : memref<10240x128xf32, #tpu.memory_space<hbm>>) target(%dma_start3A_420 : memref<128x128xf32, #tpu.memory_space<vmem>>) offsets(%dma_start3A_427 : memref<128xi32, #tpu.memory_space<vmem>>) semaphore(%run_scoped3A_416 : memref<!tpu.dma_semaphore, #tpu.memory_space<semaphore_mem>>)
          %dma_wait3A_431 = arith.constant 0 : i32
          %dma_wait3A_432 = arith.constant 0 : i32
          %dma_wait3A_433 = tpu.memref_slice %run_scoped3A_10[%rem3A_285, %dma_wait3A_431, %dma_wait3A_432] : memref<2x128x128xf32, #tpu.memory_space<vmem>> -> memref<1x128x128xf32, #tpu.memory_space<vmem>>
          %dma_wait3A_434 = tpu.memref_squeeze %dma_wait3A_433 : memref<1x128x128xf32, #tpu.memory_space<vmem>> -> memref<128x128xf32, #tpu.memory_space<vmem>>
          %dma_wait3A_435 = arith.constant 0 : i32
          %dma_wait3A_436 = arith.constant 0 : i32
          %dma_wait3A_437 = tpu.memref_slice %run_scoped3A[%rem3A_281, %dma_wait3A_435, %dma_wait3A_436] : memref<2x1x128xi32, #tpu.memory_space<vmem>> -> memref<1x1x128xi32, #tpu.memory_space<vmem>>
          %dma_wait3A_438 = tpu.memref_squeeze %dma_wait3A_437 : memref<1x1x128xi32, #tpu.memory_space<vmem>> -> memref<1x128xi32, #tpu.memory_space<vmem>>
          %dma_wait3A_439 = arith.constant 0 : i32
          %dma_wait3A_440 = tpu.memref_slice %dma_wait3A_438[%run_scoped3A_289, %dma_wait3A_439] : memref<1x128xi32, #tpu.memory_space<vmem>> -> memref<1x128xi32, #tpu.memory_space<vmem>>
          %dma_wait3A_441 = tpu.memref_squeeze %dma_wait3A_440 : memref<1x128xi32, #tpu.memory_space<vmem>> -> memref<128xi32, #tpu.memory_space<vmem>>
          %dma_wait3A_442 = arith.constant 0 : i32
          %dma_wait3A_443 = arith.constant 0 : i32
          %dma_wait3A_444 = tpu.memref_slice %arg3[%dma_wait3A_442, %dma_wait3A_443] : memref<10240x128xf32, #tpu.memory_space<hbm>> -> memref<10240x128xf32, #tpu.memory_space<hbm>>
          tpu.wait_indirect_dma semaphore(%run_scoped3A_416 : memref<!tpu.dma_semaphore, #tpu.memory_space<semaphore_mem>>) src(%dma_wait3A_444 : memref<10240x128xf32, #tpu.memory_space<hbm>>) dst(%dma_wait3A_434 : memref<128x128xf32, #tpu.memory_space<vmem>>)
          tpu.yield
        }) : () -> ()
        %run_scoped3A_290 = arith.constant 0 : i32
        "tpu.region"() ({
          %run_scoped3A_416 = tpu.sem_alloc : memref<!tpu.dma_semaphore, #tpu.memory_space<semaphore_mem>>
          %dma_start3A_417 = arith.constant 0 : i32
          %dma_start3A_418 = arith.constant 0 : i32
          %dma_start3A_419 = tpu.memref_slice %run_scoped3A_12[%rem3A_287, %dma_start3A_417, %dma_start3A_418] : memref<2x128x128xf32, #tpu.memory_space<vmem>> -> memref<1x128x128xf32, #tpu.memory_space<vmem>>
          %dma_start3A_420 = tpu.memref_squeeze %dma_start3A_419 : memref<1x128x128xf32, #tpu.memory_space<vmem>> -> memref<128x128xf32, #tpu.memory_space<vmem>>
          %dma_start3A_421 = arith.constant 0 : i32
          %dma_start3A_422 = arith.constant 0 : i32
          %dma_start3A_423 = tpu.memref_slice %run_scoped3A[%rem3A_281, %dma_start3A_421, %dma_start3A_422] : memref<2x1x128xi32, #tpu.memory_space<vmem>> -> memref<1x1x128xi32, #tpu.memory_space<vmem>>
          %dma_start3A_424 = tpu.memref_squeeze %dma_start3A_423 : memref<1x1x128xi32, #tpu.memory_space<vmem>> -> memref<1x128xi32, #tpu.memory_space<vmem>>
          %dma_start3A_425 = arith.constant 0 : i32
          %dma_start3A_426 = tpu.memref_slice %dma_start3A_424[%run_scoped3A_290, %dma_start3A_425] : memref<1x128xi32, #tpu.memory_space<vmem>> -> memref<1x128xi32, #tpu.memory_space<vmem>>
          %dma_start3A_427 = tpu.memref_squeeze %dma_start3A_426 : memref<1x128xi32, #tpu.memory_space<vmem>> -> memref<128xi32, #tpu.memory_space<vmem>>
          %dma_start3A_428 = arith.constant 0 : i32
          %dma_start3A_429 = arith.constant 0 : i32
          %dma_start3A_430 = tpu.memref_slice %arg4[%dma_start3A_428, %dma_start3A_429] : memref<10240x128xf32, #tpu.memory_space<hbm>> -> memref<10240x128xf32, #tpu.memory_space<hbm>>
          tpu.enqueue_indirect_dma source(%dma_start3A_430 : memref<10240x128xf32, #tpu.memory_space<hbm>>) target(%dma_start3A_420 : memref<128x128xf32, #tpu.memory_space<vmem>>) offsets(%dma_start3A_427 : memref<128xi32, #tpu.memory_space<vmem>>) semaphore(%run_scoped3A_416 : memref<!tpu.dma_semaphore, #tpu.memory_space<semaphore_mem>>)
          %dma_wait3A_431 = arith.constant 0 : i32
          %dma_wait3A_432 = arith.constant 0 : i32
          %dma_wait3A_433 = tpu.memref_slice %run_scoped3A_12[%rem3A_287, %dma_wait3A_431, %dma_wait3A_432] : memref<2x128x128xf32, #tpu.memory_space<vmem>> -> memref<1x128x128xf32, #tpu.memory_space<vmem>>
          %dma_wait3A_434 = tpu.memref_squeeze %dma_wait3A_433 : memref<1x128x128xf32, #tpu.memory_space<vmem>> -> memref<128x128xf32, #tpu.memory_space<vmem>>
          %dma_wait3A_435 = arith.constant 0 : i32
          %dma_wait3A_436 = arith.constant 0 : i32
          %dma_wait3A_437 = tpu.memref_slice %run_scoped3A[%rem3A_281, %dma_wait3A_435, %dma_wait3A_436] : memref<2x1x128xi32, #tpu.memory_space<vmem>> -> memref<1x1x128xi32, #tpu.memory_space<vmem>>
          %dma_wait3A_438 = tpu.memref_squeeze %dma_wait3A_437 : memref<1x1x128xi32, #tpu.memory_space<vmem>> -> memref<1x128xi32, #tpu.memory_space<vmem>>
          %dma_wait3A_439 = arith.constant 0 : i32
          %dma_wait3A_440 = tpu.memref_slice %dma_wait3A_438[%run_scoped3A_290, %dma_wait3A_439] : memref<1x128xi32, #tpu.memory_space<vmem>> -> memref<1x128xi32, #tpu.memory_space<vmem>>
          %dma_wait3A_441 = tpu.memref_squeeze %dma_wait3A_440 : memref<1x128xi32, #tpu.memory_space<vmem>> -> memref<128xi32, #tpu.memory_space<vmem>>
          %dma_wait3A_442 = arith.constant 0 : i32
          %dma_wait3A_443 = arith.constant 0 : i32
          %dma_wait3A_444 = tpu.memref_slice %arg4[%dma_wait3A_442, %dma_wait3A_443] : memref<10240x128xf32, #tpu.memory_space<hbm>> -> memref<10240x128xf32, #tpu.memory_space<hbm>>
          tpu.wait_indirect_dma semaphore(%run_scoped3A_416 : memref<!tpu.dma_semaphore, #tpu.memory_space<semaphore_mem>>) src(%dma_wait3A_444 : memref<10240x128xf32, #tpu.memory_space<hbm>>) dst(%dma_wait3A_434 : memref<128x128xf32, #tpu.memory_space<vmem>>)
          tpu.yield
        }) : () -> ()
        "tpu.trace_stop"() : () -> ()
        %ne3A_291 = arith.cmpi ne, %add3A_179, %add3A_197 : i32
        %or3A_292 = arith.constant false
        %or3A_293 = arith.ori %or3A_292, %ne3A_291 : i1
        %or3A_294 = arith.ori %or3A_293, %eq3A_178 : i1
        %convert_element_type3A_295 = arith.extui %or3A_294 : i1 to i32
        %cond3A_296 = arith.constant 0 : i32
        %cond3A_297 = arith.cmpi ne, %convert_element_type3A_295, %cond3A_296 : i32
        scf.if %cond3A_297 {
        } else {
        }
        %and3A_298 = arith.constant false
        %and3A_299 = arith.andi %or3A_294, %and3A_298 : i1
        %ne3A_300 = arith.cmpi ne, %add3A_179, %add3A_197 : i32
        %or3A_301 = arith.constant false
        %or3A_302 = arith.ori %or3A_301, %ne3A_300 : i1
        %or3A_303 = arith.constant false
        %or3A_304 = arith.ori %or3A_302, %or3A_303 : i1
        %or3A_305 = arith.ori %or3A_304, %eq3A_178 : i1
        %convert_element_type3A_306 = arith.extui %or3A_305 : i1 to i32
        %cond3A_307 = arith.constant 0 : i32
        %cond3A_308 = arith.cmpi ne, %convert_element_type3A_306, %cond3A_307 : i32
        scf.if %cond3A_308 {
          "tpu.trace_start"() <{level = 10 : i32, message = "ep_copy_out"}> : () -> ()
          %rem3A_416 = arith.constant 2 : i32
          %rem3A_417 = arith.remui %scan3A_168, %rem3A_416 : i32
          %mul3A_418 = arith.constant 128 : i32
          %mul3A_419 = arith.muli %mul3A_418, %add3A_179 : i32
          %dma_start3A_420 = arith.constant 0 : i32
          %dma_start3A_421 = arith.constant 0 : i32
          %dma_start3A_422 = tpu.memref_slice %run_scoped3A_8[%rem3A_417, %dma_start3A_420, %dma_start3A_421] : memref<2x128x128xf32, #tpu.memory_space<vmem>> -> memref<1x128x128xf32, #tpu.memory_space<vmem>>
          %dma_start3A_423 = tpu.memref_squeeze %dma_start3A_422 : memref<1x128x128xf32, #tpu.memory_space<vmem>> -> memref<128x128xf32, #tpu.memory_space<vmem>>
          %dma_start3A_424 = arith.constant 0 : i32
          %dma_start3A_425 = tpu.memref_slice %arg6[%mul3A_419, %dma_start3A_424] : memref<163840x128xf32, #tpu.memory_space<hbm>> -> memref<128x128xf32, #tpu.memory_space<hbm>>
          %dma_start3A_426 = tpu.memref_slice %run_scoped3A_9[%rem3A_417] : memref<2x!tpu.dma_semaphore, #tpu.memory_space<semaphore_mem>> -> memref<1x!tpu.dma_semaphore, #tpu.memory_space<semaphore_mem>>
          %dma_start3A_427 = tpu.memref_squeeze %dma_start3A_426 : memref<1x!tpu.dma_semaphore, #tpu.memory_space<semaphore_mem>> -> memref<!tpu.dma_semaphore, #tpu.memory_space<semaphore_mem>>
          %dma_start3A_428 = arith.constant 0 : i32
          %dma_start3A_429 = tpu.memref_slice %arg6[%mul3A_419, %dma_start3A_428] : memref<163840x128xf32, #tpu.memory_space<hbm>> -> memref<128x128xf32, #tpu.memory_space<hbm>>
          %dma_start3A_430 = arith.constant 0 : i32
          %dma_start3A_431 = arith.constant 0 : i32
          %dma_start3A_432 = tpu.memref_slice %run_scoped3A_8[%rem3A_417, %dma_start3A_430, %dma_start3A_431] : memref<2x128x128xf32, #tpu.memory_space<vmem>> -> memref<1x128x128xf32, #tpu.memory_space<vmem>>
          %dma_start3A_433 = tpu.memref_squeeze %dma_start3A_432 : memref<1x128x128xf32, #tpu.memory_space<vmem>> -> memref<128x128xf32, #tpu.memory_space<vmem>>
          tpu.enqueue_dma source(%dma_start3A_433 : memref<128x128xf32, #tpu.memory_space<vmem>>) target(%dma_start3A_429 : memref<128x128xf32, #tpu.memory_space<hbm>>) target_semaphore(%dma_start3A_427 : memref<!tpu.dma_semaphore, #tpu.memory_space<semaphore_mem>>)
          "tpu.trace_stop"() : () -> ()
        } else {
        }
        %and3A_309 = arith.constant true
        %and3A_310 = arith.andi %or3A_305, %and3A_309 : i1
        %add3A_311 = arith.constant 1 : i32
        %add3A_312 = arith.addi %scan3A_168, %add3A_311 : i32
        %select_n3A_313 = arith.select %and3A_310, %add3A_312, %scan3A_168 : i32
        %ne3A_314 = arith.cmpi ne, %add3A_179, %add3A_197 : i32
        %or3A_315 = arith.constant false
        %or3A_316 = arith.ori %or3A_315, %ne3A_314 : i1
        %or3A_317 = arith.constant false
        %or3A_318 = arith.ori %or3A_316, %or3A_317 : i1
        %or3A_319 = arith.ori %or3A_318, %eq3A_178 : i1
        %convert_element_type3A_320 = arith.extui %or3A_319 : i1 to i32
        %cond3A_321 = arith.constant 0 : i32
        %cond3A_322 = arith.cmpi ne, %convert_element_type3A_320, %cond3A_321 : i32
        scf.if %cond3A_322 {
          "tpu.trace_start"() <{level = 10 : i32, message = "ep_copy_out"}> : () -> ()
          %rem3A_416 = arith.constant 2 : i32
          %rem3A_417 = arith.remui %scan3A_170, %rem3A_416 : i32
          %mul3A_418 = arith.constant 128 : i32
          %mul3A_419 = arith.muli %mul3A_418, %add3A_179 : i32
          %dma_start3A_420 = arith.constant 0 : i32
          %dma_start3A_421 = arith.constant 0 : i32
          %dma_start3A_422 = tpu.memref_slice %run_scoped3A_10[%rem3A_417, %dma_start3A_420, %dma_start3A_421] : memref<2x128x128xf32, #tpu.memory_space<vmem>> -> memref<1x128x128xf32, #tpu.memory_space<vmem>>
          %dma_start3A_423 = tpu.memref_squeeze %dma_start3A_422 : memref<1x128x128xf32, #tpu.memory_space<vmem>> -> memref<128x128xf32, #tpu.memory_space<vmem>>
          %dma_start3A_424 = arith.constant 0 : i32
          %dma_start3A_425 = tpu.memref_slice %arg7[%mul3A_419, %dma_start3A_424] : memref<163840x128xf32, #tpu.memory_space<hbm>> -> memref<128x128xf32, #tpu.memory_space<hbm>>
          %dma_start3A_426 = tpu.memref_slice %run_scoped3A_11[%rem3A_417] : memref<2x!tpu.dma_semaphore, #tpu.memory_space<semaphore_mem>> -> memref<1x!tpu.dma_semaphore, #tpu.memory_space<semaphore_mem>>
          %dma_start3A_427 = tpu.memref_squeeze %dma_start3A_426 : memref<1x!tpu.dma_semaphore, #tpu.memory_space<semaphore_mem>> -> memref<!tpu.dma_semaphore, #tpu.memory_space<semaphore_mem>>
          %dma_start3A_428 = arith.constant 0 : i32
          %dma_start3A_429 = tpu.memref_slice %arg7[%mul3A_419, %dma_start3A_428] : memref<163840x128xf32, #tpu.memory_space<hbm>> -> memref<128x128xf32, #tpu.memory_space<hbm>>
          %dma_start3A_430 = arith.constant 0 : i32
          %dma_start3A_431 = arith.constant 0 : i32
          %dma_start3A_432 = tpu.memref_slice %run_scoped3A_10[%rem3A_417, %dma_start3A_430, %dma_start3A_431] : memref<2x128x128xf32, #tpu.memory_space<vmem>> -> memref<1x128x128xf32, #tpu.memory_space<vmem>>
          %dma_start3A_433 = tpu.memref_squeeze %dma_start3A_432 : memref<1x128x128xf32, #tpu.memory_space<vmem>> -> memref<128x128xf32, #tpu.memory_space<vmem>>
          tpu.enqueue_dma source(%dma_start3A_433 : memref<128x128xf32, #tpu.memory_space<vmem>>) target(%dma_start3A_429 : memref<128x128xf32, #tpu.memory_space<hbm>>) target_semaphore(%dma_start3A_427 : memref<!tpu.dma_semaphore, #tpu.memory_space<semaphore_mem>>)
          "tpu.trace_stop"() : () -> ()
        } else {
        }
        %and3A_323 = arith.constant true
        %and3A_324 = arith.andi %or3A_319, %and3A_323 : i1
        %add3A_325 = arith.constant 1 : i32
        %add3A_326 = arith.addi %scan3A_170, %add3A_325 : i32
        %select_n3A_327 = arith.select %and3A_324, %add3A_326, %scan3A_170 : i32
        %ne3A_328 = arith.cmpi ne, %add3A_179, %add3A_197 : i32
        %or3A_329 = arith.constant false
        %or3A_330 = arith.ori %or3A_329, %ne3A_328 : i1
        %or3A_331 = arith.constant false
        %or3A_332 = arith.ori %or3A_330, %or3A_331 : i1
        %or3A_333 = arith.ori %or3A_332, %eq3A_178 : i1
        %convert_element_type3A_334 = arith.extui %or3A_333 : i1 to i32
        %cond3A_335 = arith.constant 0 : i32
        %cond3A_336 = arith.cmpi ne, %convert_element_type3A_334, %cond3A_335 : i32
        scf.if %cond3A_336 {
          "tpu.trace_start"() <{level = 10 : i32, message = "ep_copy_out"}> : () -> ()
          %rem3A_416 = arith.constant 2 : i32
          %rem3A_417 = arith.remui %scan3A_172, %rem3A_416 : i32
          %mul3A_418 = arith.constant 128 : i32
          %mul3A_419 = arith.muli %mul3A_418, %add3A_179 : i32
          %dma_start3A_420 = arith.constant 0 : i32
          %dma_start3A_421 = arith.constant 0 : i32
          %dma_start3A_422 = tpu.memref_slice %run_scoped3A_12[%rem3A_417, %dma_start3A_420, %dma_start3A_421] : memref<2x128x128xf32, #tpu.memory_space<vmem>> -> memref<1x128x128xf32, #tpu.memory_space<vmem>>
          %dma_start3A_423 = tpu.memref_squeeze %dma_start3A_422 : memref<1x128x128xf32, #tpu.memory_space<vmem>> -> memref<128x128xf32, #tpu.memory_space<vmem>>
          %dma_start3A_424 = arith.constant 0 : i32
          %dma_start3A_425 = tpu.memref_slice %arg8[%mul3A_419, %dma_start3A_424] : memref<163840x128xf32, #tpu.memory_space<hbm>> -> memref<128x128xf32, #tpu.memory_space<hbm>>
          %dma_start3A_426 = tpu.memref_slice %run_scoped3A_13[%rem3A_417] : memref<2x!tpu.dma_semaphore, #tpu.memory_space<semaphore_mem>> -> memref<1x!tpu.dma_semaphore, #tpu.memory_space<semaphore_mem>>
          %dma_start3A_427 = tpu.memref_squeeze %dma_start3A_426 : memref<1x!tpu.dma_semaphore, #tpu.memory_space<semaphore_mem>> -> memref<!tpu.dma_semaphore, #tpu.memory_space<semaphore_mem>>
          %dma_start3A_428 = arith.constant 0 : i32
          %dma_start3A_429 = tpu.memref_slice %arg8[%mul3A_419, %dma_start3A_428] : memref<163840x128xf32, #tpu.memory_space<hbm>> -> memref<128x128xf32, #tpu.memory_space<hbm>>
          %dma_start3A_430 = arith.constant 0 : i32
          %dma_start3A_431 = arith.constant 0 : i32
          %dma_start3A_432 = tpu.memref_slice %run_scoped3A_12[%rem3A_417, %dma_start3A_430, %dma_start3A_431] : memref<2x128x128xf32, #tpu.memory_space<vmem>> -> memref<1x128x128xf32, #tpu.memory_space<vmem>>
          %dma_start3A_433 = tpu.memref_squeeze %dma_start3A_432 : memref<1x128x128xf32, #tpu.memory_space<vmem>> -> memref<128x128xf32, #tpu.memory_space<vmem>>
          tpu.enqueue_dma source(%dma_start3A_433 : memref<128x128xf32, #tpu.memory_space<vmem>>) target(%dma_start3A_429 : memref<128x128xf32, #tpu.memory_space<hbm>>) target_semaphore(%dma_start3A_427 : memref<!tpu.dma_semaphore, #tpu.memory_space<semaphore_mem>>)
          "tpu.trace_stop"() : () -> ()
        } else {
        }
        %and3A_337 = arith.constant true
        %and3A_338 = arith.andi %or3A_333, %and3A_337 : i1
        %add3A_339 = arith.constant 1 : i32
        %add3A_340 = arith.addi %scan3A_172, %add3A_339 : i32
        %select_n3A_341 = arith.select %and3A_338, %add3A_340, %scan3A_172 : i32
        %ne3A_342 = arith.cmpi ne, %add3A_179, %add3A_188 : i32
        %or3A_343 = arith.constant false
        %or3A_344 = arith.ori %or3A_343, %ne3A_342 : i1
        %not3A_345 = arith.constant true
        %not3A_346 = arith.xori %eq3A_176, %not3A_345 : i1
        %and3A_347 = arith.andi %or3A_344, %not3A_346 : i1
        %convert_element_type3A_348 = arith.extui %and3A_347 : i1 to i32
        %cond3A_349 = arith.constant 0 : i32
        %cond3A_350 = arith.cmpi ne, %convert_element_type3A_348, %cond3A_349 : i32
        scf.if %cond3A_350 {
        } else {
        }
        %and3A_351 = arith.constant false
        %and3A_352 = arith.andi %and3A_347, %and3A_351 : i1
        %ne3A_353 = arith.cmpi ne, %add3A_179, %add3A_188 : i32
        %or3A_354 = arith.constant false
        %or3A_355 = arith.ori %or3A_354, %ne3A_353 : i1
        %or3A_356 = arith.constant false
        %or3A_357 = arith.ori %or3A_355, %or3A_356 : i1
        %not3A_358 = arith.constant true
        %not3A_359 = arith.xori %eq3A_176, %not3A_358 : i1
        %and3A_360 = arith.andi %or3A_357, %not3A_359 : i1
        %convert_element_type3A_361 = arith.extui %and3A_360 : i1 to i32
        %cond3A_362 = arith.constant 0 : i32
        %cond3A_363 = arith.cmpi ne, %convert_element_type3A_361, %cond3A_362 : i32
        scf.if %cond3A_363 {
          "tpu.trace_start"() <{level = 10 : i32, message = "ep_wait_out"}> : () -> ()
          %rem3A_416 = arith.constant 2 : i32
          %rem3A_417 = arith.remui %scan3A_169, %rem3A_416 : i32
          %mul3A_418 = arith.constant 128 : i32
          %mul3A_419 = arith.muli %mul3A_418, %add3A_188 : i32
          %dma_wait3A_420 = arith.constant 0 : i32
          %dma_wait3A_421 = arith.constant 0 : i32
          %dma_wait3A_422 = tpu.memref_slice %run_scoped3A_8[%rem3A_417, %dma_wait3A_420, %dma_wait3A_421] : memref<2x128x128xf32, #tpu.memory_space<vmem>> -> memref<1x128x128xf32, #tpu.memory_space<vmem>>
          %dma_wait3A_423 = tpu.memref_squeeze %dma_wait3A_422 : memref<1x128x128xf32, #tpu.memory_space<vmem>> -> memref<128x128xf32, #tpu.memory_space<vmem>>
          %dma_wait3A_424 = arith.constant 0 : i32
          %dma_wait3A_425 = tpu.memref_slice %arg6[%mul3A_419, %dma_wait3A_424] : memref<163840x128xf32, #tpu.memory_space<hbm>> -> memref<128x128xf32, #tpu.memory_space<hbm>>
          %dma_wait3A_426 = tpu.memref_slice %run_scoped3A_9[%rem3A_417] : memref<2x!tpu.dma_semaphore, #tpu.memory_space<semaphore_mem>> -> memref<1x!tpu.dma_semaphore, #tpu.memory_space<semaphore_mem>>
          %dma_wait3A_427 = tpu.memref_squeeze %dma_wait3A_426 : memref<1x!tpu.dma_semaphore, #tpu.memory_space<semaphore_mem>> -> memref<!tpu.dma_semaphore, #tpu.memory_space<semaphore_mem>>
          %dma_wait3A_428 = arith.constant 0 : i32
          %dma_wait3A_429 = tpu.memref_slice %arg6[%mul3A_419, %dma_wait3A_428] : memref<163840x128xf32, #tpu.memory_space<hbm>> -> memref<128x128xf32, #tpu.memory_space<hbm>>
          %dma_wait3A_430 = arith.constant 0 : i32
          %dma_wait3A_431 = arith.constant 0 : i32
          %dma_wait3A_432 = tpu.memref_slice %run_scoped3A_8[%rem3A_417, %dma_wait3A_430, %dma_wait3A_431] : memref<2x128x128xf32, #tpu.memory_space<vmem>> -> memref<1x128x128xf32, #tpu.memory_space<vmem>>
          %dma_wait3A_433 = tpu.memref_squeeze %dma_wait3A_432 : memref<1x128x128xf32, #tpu.memory_space<vmem>> -> memref<128x128xf32, #tpu.memory_space<vmem>>
          tpu.wait_dma2 semaphore(%dma_wait3A_427 : memref<!tpu.dma_semaphore, #tpu.memory_space<semaphore_mem>>) src(%dma_wait3A_433 : memref<128x128xf32, #tpu.memory_space<vmem>>) dst(%dma_wait3A_429 : memref<128x128xf32, #tpu.memory_space<hbm>>)
          "tpu.trace_stop"() : () -> ()
        } else {
        }
        %and3A_364 = arith.constant true
        %and3A_365 = arith.andi %and3A_360, %and3A_364 : i1
        %add3A_366 = arith.constant 1 : i32
        %add3A_367 = arith.addi %scan3A_169, %add3A_366 : i32
        %select_n3A_368 = arith.select %and3A_365, %add3A_367, %scan3A_169 : i32
        %ne3A_369 = arith.cmpi ne, %add3A_179, %add3A_188 : i32
        %or3A_370 = arith.constant false
        %or3A_371 = arith.ori %or3A_370, %ne3A_369 : i1
        %or3A_372 = arith.constant false
        %or3A_373 = arith.ori %or3A_371, %or3A_372 : i1
        %not3A_374 = arith.constant true
        %not3A_375 = arith.xori %eq3A_176, %not3A_374 : i1
        %and3A_376 = arith.andi %or3A_373, %not3A_375 : i1
        %convert_element_type3A_377 = arith.extui %and3A_376 : i1 to i32
        %cond3A_378 = arith.constant 0 : i32
        %cond3A_379 = arith.cmpi ne, %convert_element_type3A_377, %cond3A_378 : i32
        scf.if %cond3A_379 {
          "tpu.trace_start"() <{level = 10 : i32, message = "ep_wait_out"}> : () -> ()
          %rem3A_416 = arith.constant 2 : i32
          %rem3A_417 = arith.remui %scan3A_171, %rem3A_416 : i32
          %mul3A_418 = arith.constant 128 : i32
          %mul3A_419 = arith.muli %mul3A_418, %add3A_188 : i32
          %dma_wait3A_420 = arith.constant 0 : i32
          %dma_wait3A_421 = arith.constant 0 : i32
          %dma_wait3A_422 = tpu.memref_slice %run_scoped3A_10[%rem3A_417, %dma_wait3A_420, %dma_wait3A_421] : memref<2x128x128xf32, #tpu.memory_space<vmem>> -> memref<1x128x128xf32, #tpu.memory_space<vmem>>
          %dma_wait3A_423 = tpu.memref_squeeze %dma_wait3A_422 : memref<1x128x128xf32, #tpu.memory_space<vmem>> -> memref<128x128xf32, #tpu.memory_space<vmem>>
          %dma_wait3A_424 = arith.constant 0 : i32
          %dma_wait3A_425 = tpu.memref_slice %arg7[%mul3A_419, %dma_wait3A_424] : memref<163840x128xf32, #tpu.memory_space<hbm>> -> memref<128x128xf32, #tpu.memory_space<hbm>>
          %dma_wait3A_426 = tpu.memref_slice %run_scoped3A_11[%rem3A_417] : memref<2x!tpu.dma_semaphore, #tpu.memory_space<semaphore_mem>> -> memref<1x!tpu.dma_semaphore, #tpu.memory_space<semaphore_mem>>
          %dma_wait3A_427 = tpu.memref_squeeze %dma_wait3A_426 : memref<1x!tpu.dma_semaphore, #tpu.memory_space<semaphore_mem>> -> memref<!tpu.dma_semaphore, #tpu.memory_space<semaphore_mem>>
          %dma_wait3A_428 = arith.constant 0 : i32
          %dma_wait3A_429 = tpu.memref_slice %arg7[%mul3A_419, %dma_wait3A_428] : memref<163840x128xf32, #tpu.memory_space<hbm>> -> memref<128x128xf32, #tpu.memory_space<hbm>>
          %dma_wait3A_430 = arith.constant 0 : i32
          %dma_wait3A_431 = arith.constant 0 : i32
          %dma_wait3A_432 = tpu.memref_slice %run_scoped3A_10[%rem3A_417, %dma_wait3A_430, %dma_wait3A_431] : memref<2x128x128xf32, #tpu.memory_space<vmem>> -> memref<1x128x128xf32, #tpu.memory_space<vmem>>
          %dma_wait3A_433 = tpu.memref_squeeze %dma_wait3A_432 : memref<1x128x128xf32, #tpu.memory_space<vmem>> -> memref<128x128xf32, #tpu.memory_space<vmem>>
          tpu.wait_dma2 semaphore(%dma_wait3A_427 : memref<!tpu.dma_semaphore, #tpu.memory_space<semaphore_mem>>) src(%dma_wait3A_433 : memref<128x128xf32, #tpu.memory_space<vmem>>) dst(%dma_wait3A_429 : memref<128x128xf32, #tpu.memory_space<hbm>>)
          "tpu.trace_stop"() : () -> ()
        } else {
        }
        %and3A_380 = arith.constant true
        %and3A_381 = arith.andi %and3A_376, %and3A_380 : i1
        %add3A_382 = arith.constant 1 : i32
        %add3A_383 = arith.addi %scan3A_171, %add3A_382 : i32
        %select_n3A_384 = arith.select %and3A_381, %add3A_383, %scan3A_171 : i32
        %ne3A_385 = arith.cmpi ne, %add3A_179, %add3A_188 : i32
        %or3A_386 = arith.constant false
        %or3A_387 = arith.ori %or3A_386, %ne3A_385 : i1
        %or3A_388 = arith.constant false
        %or3A_389 = arith.ori %or3A_387, %or3A_388 : i1
        %not3A_390 = arith.constant true
        %not3A_391 = arith.xori %eq3A_176, %not3A_390 : i1
        %and3A_392 = arith.andi %or3A_389, %not3A_391 : i1
        %convert_element_type3A_393 = arith.extui %and3A_392 : i1 to i32
        %cond3A_394 = arith.constant 0 : i32
        %cond3A_395 = arith.cmpi ne, %convert_element_type3A_393, %cond3A_394 : i32
        scf.if %cond3A_395 {
          "tpu.trace_start"() <{level = 10 : i32, message = "ep_wait_out"}> : () -> ()
          %rem3A_416 = arith.constant 2 : i32
          %rem3A_417 = arith.remui %scan3A_173, %rem3A_416 : i32
          %mul3A_418 = arith.constant 128 : i32
          %mul3A_419 = arith.muli %mul3A_418, %add3A_188 : i32
          %dma_wait3A_420 = arith.constant 0 : i32
          %dma_wait3A_421 = arith.constant 0 : i32
          %dma_wait3A_422 = tpu.memref_slice %run_scoped3A_12[%rem3A_417, %dma_wait3A_420, %dma_wait3A_421] : memref<2x128x128xf32, #tpu.memory_space<vmem>> -> memref<1x128x128xf32, #tpu.memory_space<vmem>>
          %dma_wait3A_423 = tpu.memref_squeeze %dma_wait3A_422 : memref<1x128x128xf32, #tpu.memory_space<vmem>> -> memref<128x128xf32, #tpu.memory_space<vmem>>
          %dma_wait3A_424 = arith.constant 0 : i32
          %dma_wait3A_425 = tpu.memref_slice %arg8[%mul3A_419, %dma_wait3A_424] : memref<163840x128xf32, #tpu.memory_space<hbm>> -> memref<128x128xf32, #tpu.memory_space<hbm>>
          %dma_wait3A_426 = tpu.memref_slice %run_scoped3A_13[%rem3A_417] : memref<2x!tpu.dma_semaphore, #tpu.memory_space<semaphore_mem>> -> memref<1x!tpu.dma_semaphore, #tpu.memory_space<semaphore_mem>>
          %dma_wait3A_427 = tpu.memref_squeeze %dma_wait3A_426 : memref<1x!tpu.dma_semaphore, #tpu.memory_space<semaphore_mem>> -> memref<!tpu.dma_semaphore, #tpu.memory_space<semaphore_mem>>
          %dma_wait3A_428 = arith.constant 0 : i32
          %dma_wait3A_429 = tpu.memref_slice %arg8[%mul3A_419, %dma_wait3A_428] : memref<163840x128xf32, #tpu.memory_space<hbm>> -> memref<128x128xf32, #tpu.memory_space<hbm>>
          %dma_wait3A_430 = arith.constant 0 : i32
          %dma_wait3A_431 = arith.constant 0 : i32
          %dma_wait3A_432 = tpu.memref_slice %run_scoped3A_12[%rem3A_417, %dma_wait3A_430, %dma_wait3A_431] : memref<2x128x128xf32, #tpu.memory_space<vmem>> -> memref<1x128x128xf32, #tpu.memory_space<vmem>>
          %dma_wait3A_433 = tpu.memref_squeeze %dma_wait3A_432 : memref<1x128x128xf32, #tpu.memory_space<vmem>> -> memref<128x128xf32, #tpu.memory_space<vmem>>
          tpu.wait_dma2 semaphore(%dma_wait3A_427 : memref<!tpu.dma_semaphore, #tpu.memory_space<semaphore_mem>>) src(%dma_wait3A_433 : memref<128x128xf32, #tpu.memory_space<vmem>>) dst(%dma_wait3A_429 : memref<128x128xf32, #tpu.memory_space<hbm>>)
          "tpu.trace_stop"() : () -> ()
        } else {
        }
        %and3A_396 = arith.constant true
        %and3A_397 = arith.andi %and3A_392, %and3A_396 : i1
        %add3A_398 = arith.constant 1 : i32
        %add3A_399 = arith.addi %scan3A_173, %add3A_398 : i32
        %select_n3A_400 = arith.select %and3A_397, %add3A_399, %scan3A_173 : i32
        %ne3A_401 = arith.cmpi ne, %add3A_179, %add3A_197 : i32
        %or3A_402 = arith.constant false
        %or3A_403 = arith.ori %or3A_402, %ne3A_401 : i1
        %or3A_404 = arith.ori %or3A_403, %eq3A_178 : i1
        %add3A_405 = arith.constant 1 : i32
        %add3A_406 = arith.addi %scan3A_167, %add3A_405 : i32
        %select_n3A_407 = arith.select %or3A_404, %add3A_406, %scan3A_167 : i32
        %add3A_408 = arith.constant 1 : i32
        %add3A_409 = arith.addi %scan3A_174, %add3A_408 : i32
        %select_n3A_410 = arith.constant true
        %select_n3A_411 = arith.select %select_n3A_410, %add3A_409, %scan3A_174 : i32
        %eq3A_412 = arith.constant 40 : i32
        %eq3A_413 = arith.cmpi eq, %select_n3A_411, %eq3A_412 : i32
        %select_n3A_414 = arith.constant 0 : i32
        %select_n3A_415 = arith.select %eq3A_413, %select_n3A_414, %select_n3A_411 : i32
        scf.yield %select_n3A_215, %select_n3A_407, %select_n3A_313, %select_n3A_368, %select_n3A_327, %select_n3A_384, %select_n3A_341, %select_n3A_400, %select_n3A_415 : i32, i32, i32, i32, i32, i32, i32, i32, i32
      }
      %scan3A_76 = arith.constant 40 : i32
      %sub3A = arith.constant 1 : i32
      %sub3A_77 = arith.subi %scan3A_75#8, %sub3A : i32
      %select_n3A_78 = arith.constant true
      %select_n3A_79 = arith.select %select_n3A_78, %sub3A_77, %scan3A_75#8 : i32
      %eq3A_80 = arith.constant -1 : i32
      %eq3A_81 = arith.cmpi eq, %select_n3A_79, %eq3A_80 : i32
      %select_n3A_82 = arith.constant 39 : i32
      %select_n3A_83 = arith.select %eq3A_81, %select_n3A_82, %select_n3A_79 : i32
      %add3A_84 = arith.addi %select_n3A_83, %mul3A_6 : i32
      %sub3A_85 = arith.constant 1 : i32
      %sub3A_86 = arith.subi %select_n3A_83, %sub3A_85 : i32
      %select_n3A_87 = arith.constant true
      %select_n3A_88 = arith.select %select_n3A_87, %sub3A_86, %select_n3A_83 : i32
      %eq3A_89 = arith.constant -1 : i32
      %eq3A_90 = arith.cmpi eq, %select_n3A_88, %eq3A_89 : i32
      %select_n3A_91 = arith.constant 39 : i32
      %select_n3A_92 = arith.select %eq3A_90, %select_n3A_91, %select_n3A_88 : i32
      %add3A_93 = arith.addi %select_n3A_92, %mul3A_6 : i32
      %add3A_94 = arith.constant 1 : i32
      %add3A_95 = arith.addi %select_n3A_83, %add3A_94 : i32
      %select_n3A_96 = arith.constant true
      %select_n3A_97 = arith.select %select_n3A_96, %add3A_95, %select_n3A_83 : i32
      %eq3A_98 = arith.constant 40 : i32
      %eq3A_99 = arith.cmpi eq, %select_n3A_97, %eq3A_98 : i32
      %select_n3A_100 = arith.constant 0 : i32
      %select_n3A_101 = arith.select %eq3A_99, %select_n3A_100, %select_n3A_97 : i32
      %add3A_102 = arith.addi %select_n3A_101, %mul3A_6 : i32
      %add3A_103 = arith.constant 1 : i32
      %add3A_104 = arith.addi %select_n3A_101, %add3A_103 : i32
      %select_n3A_105 = arith.constant true
      %select_n3A_106 = arith.select %select_n3A_105, %add3A_104, %select_n3A_101 : i32
      %eq3A_107 = arith.constant 40 : i32
      %eq3A_108 = arith.cmpi eq, %select_n3A_106, %eq3A_107 : i32
      %select_n3A_109 = arith.constant 0 : i32
      %select_n3A_110 = arith.select %eq3A_108, %select_n3A_109, %select_n3A_106 : i32
      %add3A_111 = arith.addi %select_n3A_110, %mul3A_6 : i32
      "tpu.trace_start"() <{level = 10 : i32, message = "ep_finalize"}> : () -> ()
      %rem3A_112 = arith.constant 2 : i32
      %rem3A_113 = arith.remui %scan3A_75#3, %rem3A_112 : i32
      %mul3A_114 = arith.constant 128 : i32
      %mul3A_115 = arith.muli %mul3A_114, %add3A_84 : i32
      %dma_wait3A = arith.constant 0 : i32
      %dma_wait3A_116 = arith.constant 0 : i32
      %dma_wait3A_117 = tpu.memref_slice %run_scoped3A_8[%rem3A_113, %dma_wait3A, %dma_wait3A_116] : memref<2x128x128xf32, #tpu.memory_space<vmem>> -> memref<1x128x128xf32, #tpu.memory_space<vmem>>
      %dma_wait3A_118 = tpu.memref_squeeze %dma_wait3A_117 : memref<1x128x128xf32, #tpu.memory_space<vmem>> -> memref<128x128xf32, #tpu.memory_space<vmem>>
      %dma_wait3A_119 = arith.constant 0 : i32
      %dma_wait3A_120 = tpu.memref_slice %arg6[%mul3A_115, %dma_wait3A_119] : memref<163840x128xf32, #tpu.memory_space<hbm>> -> memref<128x128xf32, #tpu.memory_space<hbm>>
      %dma_wait3A_121 = tpu.memref_slice %run_scoped3A_9[%rem3A_113] : memref<2x!tpu.dma_semaphore, #tpu.memory_space<semaphore_mem>> -> memref<1x!tpu.dma_semaphore, #tpu.memory_space<semaphore_mem>>
      %dma_wait3A_122 = tpu.memref_squeeze %dma_wait3A_121 : memref<1x!tpu.dma_semaphore, #tpu.memory_space<semaphore_mem>> -> memref<!tpu.dma_semaphore, #tpu.memory_space<semaphore_mem>>
      %dma_wait3A_123 = arith.constant 0 : i32
      %dma_wait3A_124 = tpu.memref_slice %arg6[%mul3A_115, %dma_wait3A_123] : memref<163840x128xf32, #tpu.memory_space<hbm>> -> memref<128x128xf32, #tpu.memory_space<hbm>>
      %dma_wait3A_125 = arith.constant 0 : i32
      %dma_wait3A_126 = arith.constant 0 : i32
      %dma_wait3A_127 = tpu.memref_slice %run_scoped3A_8[%rem3A_113, %dma_wait3A_125, %dma_wait3A_126] : memref<2x128x128xf32, #tpu.memory_space<vmem>> -> memref<1x128x128xf32, #tpu.memory_space<vmem>>
      %dma_wait3A_128 = tpu.memref_squeeze %dma_wait3A_127 : memref<1x128x128xf32, #tpu.memory_space<vmem>> -> memref<128x128xf32, #tpu.memory_space<vmem>>
      tpu.wait_dma2 semaphore(%dma_wait3A_122 : memref<!tpu.dma_semaphore, #tpu.memory_space<semaphore_mem>>) src(%dma_wait3A_128 : memref<128x128xf32, #tpu.memory_space<vmem>>) dst(%dma_wait3A_124 : memref<128x128xf32, #tpu.memory_space<hbm>>)
      %rem3A_129 = arith.constant 2 : i32
      %rem3A_130 = arith.remui %scan3A_75#5, %rem3A_129 : i32
      %mul3A_131 = arith.constant 128 : i32
      %mul3A_132 = arith.muli %mul3A_131, %add3A_84 : i32
      %dma_wait3A_133 = arith.constant 0 : i32
      %dma_wait3A_134 = arith.constant 0 : i32
      %dma_wait3A_135 = tpu.memref_slice %run_scoped3A_10[%rem3A_130, %dma_wait3A_133, %dma_wait3A_134] : memref<2x128x128xf32, #tpu.memory_space<vmem>> -> memref<1x128x128xf32, #tpu.memory_space<vmem>>
      %dma_wait3A_136 = tpu.memref_squeeze %dma_wait3A_135 : memref<1x128x128xf32, #tpu.memory_space<vmem>> -> memref<128x128xf32, #tpu.memory_space<vmem>>
      %dma_wait3A_137 = arith.constant 0 : i32
      %dma_wait3A_138 = tpu.memref_slice %arg7[%mul3A_132, %dma_wait3A_137] : memref<163840x128xf32, #tpu.memory_space<hbm>> -> memref<128x128xf32, #tpu.memory_space<hbm>>
      %dma_wait3A_139 = tpu.memref_slice %run_scoped3A_11[%rem3A_130] : memref<2x!tpu.dma_semaphore, #tpu.memory_space<semaphore_mem>> -> memref<1x!tpu.dma_semaphore, #tpu.memory_space<semaphore_mem>>
      %dma_wait3A_140 = tpu.memref_squeeze %dma_wait3A_139 : memref<1x!tpu.dma_semaphore, #tpu.memory_space<semaphore_mem>> -> memref<!tpu.dma_semaphore, #tpu.memory_space<semaphore_mem>>
      %dma_wait3A_141 = arith.constant 0 : i32
      %dma_wait3A_142 = tpu.memref_slice %arg7[%mul3A_132, %dma_wait3A_141] : memref<163840x128xf32, #tpu.memory_space<hbm>> -> memref<128x128xf32, #tpu.memory_space<hbm>>
      %dma_wait3A_143 = arith.constant 0 : i32
      %dma_wait3A_144 = arith.constant 0 : i32
      %dma_wait3A_145 = tpu.memref_slice %run_scoped3A_10[%rem3A_130, %dma_wait3A_143, %dma_wait3A_144] : memref<2x128x128xf32, #tpu.memory_space<vmem>> -> memref<1x128x128xf32, #tpu.memory_space<vmem>>
      %dma_wait3A_146 = tpu.memref_squeeze %dma_wait3A_145 : memref<1x128x128xf32, #tpu.memory_space<vmem>> -> memref<128x128xf32, #tpu.memory_space<vmem>>
      tpu.wait_dma2 semaphore(%dma_wait3A_140 : memref<!tpu.dma_semaphore, #tpu.memory_space<semaphore_mem>>) src(%dma_wait3A_146 : memref<128x128xf32, #tpu.memory_space<vmem>>) dst(%dma_wait3A_142 : memref<128x128xf32, #tpu.memory_space<hbm>>)
      %rem3A_147 = arith.constant 2 : i32
      %rem3A_148 = arith.remui %scan3A_75#7, %rem3A_147 : i32
      %mul3A_149 = arith.constant 128 : i32
      %mul3A_150 = arith.muli %mul3A_149, %add3A_84 : i32
      %dma_wait3A_151 = arith.constant 0 : i32
      %dma_wait3A_152 = arith.constant 0 : i32
      %dma_wait3A_153 = tpu.memref_slice %run_scoped3A_12[%rem3A_148, %dma_wait3A_151, %dma_wait3A_152] : memref<2x128x128xf32, #tpu.memory_space<vmem>> -> memref<1x128x128xf32, #tpu.memory_space<vmem>>
      %dma_wait3A_154 = tpu.memref_squeeze %dma_wait3A_153 : memref<1x128x128xf32, #tpu.memory_space<vmem>> -> memref<128x128xf32, #tpu.memory_space<vmem>>
      %dma_wait3A_155 = arith.constant 0 : i32
      %dma_wait3A_156 = tpu.memref_slice %arg8[%mul3A_150, %dma_wait3A_155] : memref<163840x128xf32, #tpu.memory_space<hbm>> -> memref<128x128xf32, #tpu.memory_space<hbm>>
      %dma_wait3A_157 = tpu.memref_slice %run_scoped3A_13[%rem3A_148] : memref<2x!tpu.dma_semaphore, #tpu.memory_space<semaphore_mem>> -> memref<1x!tpu.dma_semaphore, #tpu.memory_space<semaphore_mem>>
      %dma_wait3A_158 = tpu.memref_squeeze %dma_wait3A_157 : memref<1x!tpu.dma_semaphore, #tpu.memory_space<semaphore_mem>> -> memref<!tpu.dma_semaphore, #tpu.memory_space<semaphore_mem>>
      %dma_wait3A_159 = arith.constant 0 : i32
      %dma_wait3A_160 = tpu.memref_slice %arg8[%mul3A_150, %dma_wait3A_159] : memref<163840x128xf32, #tpu.memory_space<hbm>> -> memref<128x128xf32, #tpu.memory_space<hbm>>
      %dma_wait3A_161 = arith.constant 0 : i32
      %dma_wait3A_162 = arith.constant 0 : i32
      %dma_wait3A_163 = tpu.memref_slice %run_scoped3A_12[%rem3A_148, %dma_wait3A_161, %dma_wait3A_162] : memref<2x128x128xf32, #tpu.memory_space<vmem>> -> memref<1x128x128xf32, #tpu.memory_space<vmem>>
      %dma_wait3A_164 = tpu.memref_squeeze %dma_wait3A_163 : memref<1x128x128xf32, #tpu.memory_space<vmem>> -> memref<128x128xf32, #tpu.memory_space<vmem>>
      tpu.wait_dma2 semaphore(%dma_wait3A_158 : memref<!tpu.dma_semaphore, #tpu.memory_space<semaphore_mem>>) src(%dma_wait3A_164 : memref<128x128xf32, #tpu.memory_space<vmem>>) dst(%dma_wait3A_160 : memref<128x128xf32, #tpu.memory_space<hbm>>)
      "tpu.trace_stop"() : () -> ()
      tpu.yield
    }) : () -> ()
    return
  }
}

module attributes {stable_mosaic.version = 14 : i64} {
  func.func @_knng_body(%arg0: i32, %arg1: memref<256x16xf32, #tpu.memory_space<vmem>>, %arg2: memref<16x10240xf32, #tpu.memory_space<vmem>>, %arg3: memref<256x16xi32, #tpu.memory_space<vmem>>) attributes {dimension_semantics = [#tpu.dimension_semantics<arbitrary>], iteration_bounds = array<i64: 40>, scalar_prefetch = 0 : i64, scratch_operands = 0 : i64, tpu.core_type = #tpu.core_type<tc>, window_params = [{transform_indices = @transform_0, window_bounds = array<i64: 256, 16>}, {pipeline_mode = #tpu.pipeline_mode<synchronous>, transform_indices = @transform_1, window_bounds = array<i64: 16, 10240>}, {transform_indices = @transform_2, window_bounds = array<i64: 256, 16>}]} {
    %get3A = arith.constant 0 : index
    %get3A_0 = arith.constant 0 : index
    %get3A_1 = vector.load %arg1[%get3A, %get3A_0] : memref<256x16xf32, #tpu.memory_space<vmem>>, vector<256x16xf32>
    %get3A_2 = arith.constant 0 : index
    %get3A_3 = arith.constant 0 : index
    %get3A_4 = vector.load %arg2[%get3A_2, %get3A_3] : memref<16x10240xf32, #tpu.memory_space<vmem>>, vector<16x10240xf32>
    %mul3A = arith.mulf %get3A_1, %get3A_1 : vector<256x16xf32>
    %reduce_sum3A = arith.constant dense<0.000000e+00> : vector<256xf32>
    %reduce_sum3A_5 = vector.multi_reduction <add>, %mul3A, %reduce_sum3A [1] : vector<256x16xf32> to vector<256xf32>
    %broadcast_in_dim3A = vector.shape_cast %reduce_sum3A_5 : vector<256xf32> to vector<256x1xf32>
    %mul3A_6 = arith.mulf %get3A_4, %get3A_4 : vector<16x10240xf32>
    %reduce_sum3A_7 = arith.constant dense<0.000000e+00> : vector<10240xf32>
    %reduce_sum3A_8 = vector.multi_reduction <add>, %mul3A_6, %reduce_sum3A_7 [0] : vector<16x10240xf32> to vector<10240xf32>
    %broadcast_in_dim3A_9 = vector.shape_cast %reduce_sum3A_8 : vector<10240xf32> to vector<1x10240xf32>
    %add3A = vector.broadcast %broadcast_in_dim3A : vector<256x1xf32> to vector<256x10240xf32>
    %add3A_10 = vector.broadcast %broadcast_in_dim3A_9 : vector<1x10240xf32> to vector<256x10240xf32>
    %add3A_11 = arith.addf %add3A, %add3A_10 : vector<256x10240xf32>
    %dot_general3A = arith.constant dense<0.000000e+00> : vector<256x10240xf32>
    %dot_general3A_12 = tpu.matmul %get3A_1, %get3A_4, %dot_general3A {dimension_numbers = #tpu.dot_dimension_numbers<[1], [0], [0], [1], [0, 0, 1, 1], [], []>, transpose_lhs_hint = false} : vector<256x16xf32>, vector<16x10240xf32>, vector<256x10240xf32> -> vector<256x10240xf32>
    %mul3A_13 = arith.constant 2.000000e+00 : f32
    %mul3A_14 = vector.broadcast %mul3A_13 : f32 to vector<256x10240xf32>
    %mul3A_15 = arith.mulf %mul3A_14, %dot_general3A_12 : vector<256x10240xf32>
    %sub3A = arith.subf %add3A_11, %mul3A_15 : vector<256x10240xf32>
    %iota3A = tpu.iota {dimensions = array<i32: 1>} : vector<256x10240xi32>
    %mul3A_16 = arith.constant 256 : i32
    %mul3A_17 = arith.muli %arg0, %mul3A_16 : i32
    %iota3A_18 = tpu.iota {dimensions = array<i32: 0>} : vector<256x10240xi32>
    %add3A_19 = vector.broadcast %mul3A_17 : i32 to vector<256x10240xi32>
    %add3A_20 = arith.addi %add3A_19, %iota3A_18 : vector<256x10240xi32>
    %max3A = arith.constant 2.44140625E-4 : f32
    %max3A_21 = vector.broadcast %max3A : f32 to vector<256x10240xf32>
    %max3A_22 = arith.maximumf %sub3A, %max3A_21 : vector<256x10240xf32>
    %min3A = arith.constant 0.0624999962 : f32
    %min3A_23 = vector.broadcast %min3A : f32 to vector<256x10240xf32>
    %min3A_24 = arith.minimumf %max3A_22, %min3A_23 : vector<256x10240xf32>
    %bitcast_convert_type3A = tpu.bitcast %min3A_24 : vector<256x10240xf32> -> vector<256x10240xi32>
    %sub3A_25 = arith.constant 964689920 : i32
    %sub3A_26 = vector.broadcast %sub3A_25 : i32 to vector<256x10240xi32>
    %sub3A_27 = arith.subi %bitcast_convert_type3A, %sub3A_26 : vector<256x10240xi32>
    %shift_right_arithmetic3A = arith.constant 9 : i32
    %shift_right_arithmetic3A_28 = vector.broadcast %shift_right_arithmetic3A : i32 to vector<256x10240xi32>
    %shift_right_arithmetic3A_29 = arith.shrsi %sub3A_27, %shift_right_arithmetic3A_28 : vector<256x10240xi32>
    %shift_left3A = arith.constant 14 : i32
    %shift_left3A_30 = vector.broadcast %shift_left3A : i32 to vector<256x10240xi32>
    %shift_left3A_31 = arith.shli %shift_right_arithmetic3A_29, %shift_left3A_30 : vector<256x10240xi32>
    %or3A = arith.ori %shift_left3A_31, %iota3A : vector<256x10240xi32>
    %ge3A = arith.constant 10000 : i32
    %ge3A_32 = vector.broadcast %ge3A : i32 to vector<256x10240xi32>
    %ge3A_33 = arith.cmpi sge, %iota3A, %ge3A_32 : vector<256x10240xi32>
    %eq3A = arith.cmpi eq, %iota3A, %add3A_20 : vector<256x10240xi32>
    %or3A_34 = arith.ori %ge3A_33, %eq3A : vector<256x10240xi1>
    %jit3A = arith.constant 2147483647 : i32
    %broadcast_in_dim3A_35 = vector.broadcast %jit3A : i32 to vector<256x10240xi32>
    %select_n3A = arith.select %or3A_34, %broadcast_in_dim3A_35, %or3A : vector<256x10240xi1>, vector<256x10240xi32>
    %reduce_min3A = arith.constant dense<2147483647> : vector<256xi32>
    %reduce_min3A_36 = vector.multi_reduction <minsi>, %select_n3A, %reduce_min3A [1] : vector<256x10240xi32> to vector<256xi32>
    %broadcast_in_dim3A_37 = vector.shape_cast %reduce_min3A_36 : vector<256xi32> to vector<256x1xi32>
    %and3A = arith.constant 16383 : i32
    %and3A_38 = vector.broadcast %and3A : i32 to vector<256x1xi32>
    %and3A_39 = arith.andi %broadcast_in_dim3A_37, %and3A_38 : vector<256x1xi32>
    %swap3A = arith.constant 0 : index
    %swap3A_40 = arith.constant 0 : index
    %swap3A_41 = vector.load %arg3[%swap3A, %swap3A_40] : memref<256x16xi32, #tpu.memory_space<vmem>>, vector<256x1xi32>
    tpu.vector_store %arg3[%swap3A, %swap3A_40], %and3A_39 {strides = array<i32>} : memref<256x16xi32, #tpu.memory_space<vmem>>, vector<256x1xi32>,
    %eq3A_42 = vector.broadcast %broadcast_in_dim3A_37 : vector<256x1xi32> to vector<256x10240xi32>
    %eq3A_43 = arith.cmpi eq, %select_n3A, %eq3A_42 : vector<256x10240xi32>
    %jit3A_44 = arith.constant 2147483647 : i32
    %broadcast_in_dim3A_45 = vector.broadcast %jit3A_44 : i32 to vector<256x10240xi32>
    %select_n3A_46 = arith.select %eq3A_43, %broadcast_in_dim3A_45, %select_n3A : vector<256x10240xi1>, vector<256x10240xi32>
    %reduce_min3A_47 = arith.constant dense<2147483647> : vector<256xi32>
    %reduce_min3A_48 = vector.multi_reduction <minsi>, %select_n3A_46, %reduce_min3A_47 [1] : vector<256x10240xi32> to vector<256xi32>
    %broadcast_in_dim3A_49 = vector.shape_cast %reduce_min3A_48 : vector<256xi32> to vector<256x1xi32>
    %and3A_50 = arith.constant 16383 : i32
    %and3A_51 = vector.broadcast %and3A_50 : i32 to vector<256x1xi32>
    %and3A_52 = arith.andi %broadcast_in_dim3A_49, %and3A_51 : vector<256x1xi32>
    %swap3A_53 = arith.constant 0 : index
    %swap3A_54 = arith.constant 1 : index
    %swap3A_55 = vector.load %arg3[%swap3A_53, %swap3A_54] : memref<256x16xi32, #tpu.memory_space<vmem>>, vector<256x1xi32>
    tpu.vector_store %arg3[%swap3A_53, %swap3A_54], %and3A_52 {strides = array<i32>} : memref<256x16xi32, #tpu.memory_space<vmem>>, vector<256x1xi32>,
    %eq3A_56 = vector.broadcast %broadcast_in_dim3A_49 : vector<256x1xi32> to vector<256x10240xi32>
    %eq3A_57 = arith.cmpi eq, %select_n3A_46, %eq3A_56 : vector<256x10240xi32>
    %jit3A_58 = arith.constant 2147483647 : i32
    %broadcast_in_dim3A_59 = vector.broadcast %jit3A_58 : i32 to vector<256x10240xi32>
    %select_n3A_60 = arith.select %eq3A_57, %broadcast_in_dim3A_59, %select_n3A_46 : vector<256x10240xi1>, vector<256x10240xi32>
    %reduce_min3A_61 = arith.constant dense<2147483647> : vector<256xi32>
    %reduce_min3A_62 = vector.multi_reduction <minsi>, %select_n3A_60, %reduce_min3A_61 [1] : vector<256x10240xi32> to vector<256xi32>
    %broadcast_in_dim3A_63 = vector.shape_cast %reduce_min3A_62 : vector<256xi32> to vector<256x1xi32>
    %and3A_64 = arith.constant 16383 : i32
    %and3A_65 = vector.broadcast %and3A_64 : i32 to vector<256x1xi32>
    %and3A_66 = arith.andi %broadcast_in_dim3A_63, %and3A_65 : vector<256x1xi32>
    %swap3A_67 = arith.constant 0 : index
    %swap3A_68 = arith.constant 2 : index
    %swap3A_69 = vector.load %arg3[%swap3A_67, %swap3A_68] : memref<256x16xi32, #tpu.memory_space<vmem>>, vector<256x1xi32>
    tpu.vector_store %arg3[%swap3A_67, %swap3A_68], %and3A_66 {strides = array<i32>} : memref<256x16xi32, #tpu.memory_space<vmem>>, vector<256x1xi32>,
    %eq3A_70 = vector.broadcast %broadcast_in_dim3A_63 : vector<256x1xi32> to vector<256x10240xi32>
    %eq3A_71 = arith.cmpi eq, %select_n3A_60, %eq3A_70 : vector<256x10240xi32>
    %jit3A_72 = arith.constant 2147483647 : i32
    %broadcast_in_dim3A_73 = vector.broadcast %jit3A_72 : i32 to vector<256x10240xi32>
    %select_n3A_74 = arith.select %eq3A_71, %broadcast_in_dim3A_73, %select_n3A_60 : vector<256x10240xi1>, vector<256x10240xi32>
    %reduce_min3A_75 = arith.constant dense<2147483647> : vector<256xi32>
    %reduce_min3A_76 = vector.multi_reduction <minsi>, %select_n3A_74, %reduce_min3A_75 [1] : vector<256x10240xi32> to vector<256xi32>
    %broadcast_in_dim3A_77 = vector.shape_cast %reduce_min3A_76 : vector<256xi32> to vector<256x1xi32>
    %and3A_78 = arith.constant 16383 : i32
    %and3A_79 = vector.broadcast %and3A_78 : i32 to vector<256x1xi32>
    %and3A_80 = arith.andi %broadcast_in_dim3A_77, %and3A_79 : vector<256x1xi32>
    %swap3A_81 = arith.constant 0 : index
    %swap3A_82 = arith.constant 3 : index
    %swap3A_83 = vector.load %arg3[%swap3A_81, %swap3A_82] : memref<256x16xi32, #tpu.memory_space<vmem>>, vector<256x1xi32>
    tpu.vector_store %arg3[%swap3A_81, %swap3A_82], %and3A_80 {strides = array<i32>} : memref<256x16xi32, #tpu.memory_space<vmem>>, vector<256x1xi32>,
    %eq3A_84 = vector.broadcast %broadcast_in_dim3A_77 : vector<256x1xi32> to vector<256x10240xi32>
    %eq3A_85 = arith.cmpi eq, %select_n3A_74, %eq3A_84 : vector<256x10240xi32>
    %jit3A_86 = arith.constant 2147483647 : i32
    %broadcast_in_dim3A_87 = vector.broadcast %jit3A_86 : i32 to vector<256x10240xi32>
    %select_n3A_88 = arith.select %eq3A_85, %broadcast_in_dim3A_87, %select_n3A_74 : vector<256x10240xi1>, vector<256x10240xi32>
    %reduce_min3A_89 = arith.constant dense<2147483647> : vector<256xi32>
    %reduce_min3A_90 = vector.multi_reduction <minsi>, %select_n3A_88, %reduce_min3A_89 [1] : vector<256x10240xi32> to vector<256xi32>
    %broadcast_in_dim3A_91 = vector.shape_cast %reduce_min3A_90 : vector<256xi32> to vector<256x1xi32>
    %and3A_92 = arith.constant 16383 : i32
    %and3A_93 = vector.broadcast %and3A_92 : i32 to vector<256x1xi32>
    %and3A_94 = arith.andi %broadcast_in_dim3A_91, %and3A_93 : vector<256x1xi32>
    %swap3A_95 = arith.constant 0 : index
    %swap3A_96 = arith.constant 4 : index
    %swap3A_97 = vector.load %arg3[%swap3A_95, %swap3A_96] : memref<256x16xi32, #tpu.memory_space<vmem>>, vector<256x1xi32>
    tpu.vector_store %arg3[%swap3A_95, %swap3A_96], %and3A_94 {strides = array<i32>} : memref<256x16xi32, #tpu.memory_space<vmem>>, vector<256x1xi32>,
    %eq3A_98 = vector.broadcast %broadcast_in_dim3A_91 : vector<256x1xi32> to vector<256x10240xi32>
    %eq3A_99 = arith.cmpi eq, %select_n3A_88, %eq3A_98 : vector<256x10240xi32>
    %jit3A_100 = arith.constant 2147483647 : i32
    %broadcast_in_dim3A_101 = vector.broadcast %jit3A_100 : i32 to vector<256x10240xi32>
    %select_n3A_102 = arith.select %eq3A_99, %broadcast_in_dim3A_101, %select_n3A_88 : vector<256x10240xi1>, vector<256x10240xi32>
    %reduce_min3A_103 = arith.constant dense<2147483647> : vector<256xi32>
    %reduce_min3A_104 = vector.multi_reduction <minsi>, %select_n3A_102, %reduce_min3A_103 [1] : vector<256x10240xi32> to vector<256xi32>
    %broadcast_in_dim3A_105 = vector.shape_cast %reduce_min3A_104 : vector<256xi32> to vector<256x1xi32>
    %and3A_106 = arith.constant 16383 : i32
    %and3A_107 = vector.broadcast %and3A_106 : i32 to vector<256x1xi32>
    %and3A_108 = arith.andi %broadcast_in_dim3A_105, %and3A_107 : vector<256x1xi32>
    %swap3A_109 = arith.constant 0 : index
    %swap3A_110 = arith.constant 5 : index
    %swap3A_111 = vector.load %arg3[%swap3A_109, %swap3A_110] : memref<256x16xi32, #tpu.memory_space<vmem>>, vector<256x1xi32>
    tpu.vector_store %arg3[%swap3A_109, %swap3A_110], %and3A_108 {strides = array<i32>} : memref<256x16xi32, #tpu.memory_space<vmem>>, vector<256x1xi32>,
    %eq3A_112 = vector.broadcast %broadcast_in_dim3A_105 : vector<256x1xi32> to vector<256x10240xi32>
    %eq3A_113 = arith.cmpi eq, %select_n3A_102, %eq3A_112 : vector<256x10240xi32>
    %jit3A_114 = arith.constant 2147483647 : i32
    %broadcast_in_dim3A_115 = vector.broadcast %jit3A_114 : i32 to vector<256x10240xi32>
    %select_n3A_116 = arith.select %eq3A_113, %broadcast_in_dim3A_115, %select_n3A_102 : vector<256x10240xi1>, vector<256x10240xi32>
    %reduce_min3A_117 = arith.constant dense<2147483647> : vector<256xi32>
    %reduce_min3A_118 = vector.multi_reduction <minsi>, %select_n3A_116, %reduce_min3A_117 [1] : vector<256x10240xi32> to vector<256xi32>
    %broadcast_in_dim3A_119 = vector.shape_cast %reduce_min3A_118 : vector<256xi32> to vector<256x1xi32>
    %and3A_120 = arith.constant 16383 : i32
    %and3A_121 = vector.broadcast %and3A_120 : i32 to vector<256x1xi32>
    %and3A_122 = arith.andi %broadcast_in_dim3A_119, %and3A_121 : vector<256x1xi32>
    %swap3A_123 = arith.constant 0 : index
    %swap3A_124 = arith.constant 6 : index
    %swap3A_125 = vector.load %arg3[%swap3A_123, %swap3A_124] : memref<256x16xi32, #tpu.memory_space<vmem>>, vector<256x1xi32>
    tpu.vector_store %arg3[%swap3A_123, %swap3A_124], %and3A_122 {strides = array<i32>} : memref<256x16xi32, #tpu.memory_space<vmem>>, vector<256x1xi32>,
    %eq3A_126 = vector.broadcast %broadcast_in_dim3A_119 : vector<256x1xi32> to vector<256x10240xi32>
    %eq3A_127 = arith.cmpi eq, %select_n3A_116, %eq3A_126 : vector<256x10240xi32>
    %jit3A_128 = arith.constant 2147483647 : i32
    %broadcast_in_dim3A_129 = vector.broadcast %jit3A_128 : i32 to vector<256x10240xi32>
    %select_n3A_130 = arith.select %eq3A_127, %broadcast_in_dim3A_129, %select_n3A_116 : vector<256x10240xi1>, vector<256x10240xi32>
    %reduce_min3A_131 = arith.constant dense<2147483647> : vector<256xi32>
    %reduce_min3A_132 = vector.multi_reduction <minsi>, %select_n3A_130, %reduce_min3A_131 [1] : vector<256x10240xi32> to vector<256xi32>
    %broadcast_in_dim3A_133 = vector.shape_cast %reduce_min3A_132 : vector<256xi32> to vector<256x1xi32>
    %and3A_134 = arith.constant 16383 : i32
    %and3A_135 = vector.broadcast %and3A_134 : i32 to vector<256x1xi32>
    %and3A_136 = arith.andi %broadcast_in_dim3A_133, %and3A_135 : vector<256x1xi32>
    %swap3A_137 = arith.constant 0 : index
    %swap3A_138 = arith.constant 7 : index
    %swap3A_139 = vector.load %arg3[%swap3A_137, %swap3A_138] : memref<256x16xi32, #tpu.memory_space<vmem>>, vector<256x1xi32>
    tpu.vector_store %arg3[%swap3A_137, %swap3A_138], %and3A_136 {strides = array<i32>} : memref<256x16xi32, #tpu.memory_space<vmem>>, vector<256x1xi32>,
    %eq3A_140 = vector.broadcast %broadcast_in_dim3A_133 : vector<256x1xi32> to vector<256x10240xi32>
    %eq3A_141 = arith.cmpi eq, %select_n3A_130, %eq3A_140 : vector<256x10240xi32>
    %jit3A_142 = arith.constant 2147483647 : i32
    %broadcast_in_dim3A_143 = vector.broadcast %jit3A_142 : i32 to vector<256x10240xi32>
    %select_n3A_144 = arith.select %eq3A_141, %broadcast_in_dim3A_143, %select_n3A_130 : vector<256x10240xi1>, vector<256x10240xi32>
    %reduce_min3A_145 = arith.constant dense<2147483647> : vector<256xi32>
    %reduce_min3A_146 = vector.multi_reduction <minsi>, %select_n3A_144, %reduce_min3A_145 [1] : vector<256x10240xi32> to vector<256xi32>
    %broadcast_in_dim3A_147 = vector.shape_cast %reduce_min3A_146 : vector<256xi32> to vector<256x1xi32>
    %and3A_148 = arith.constant 16383 : i32
    %and3A_149 = vector.broadcast %and3A_148 : i32 to vector<256x1xi32>
    %and3A_150 = arith.andi %broadcast_in_dim3A_147, %and3A_149 : vector<256x1xi32>
    %swap3A_151 = arith.constant 0 : index
    %swap3A_152 = arith.constant 8 : index
    %swap3A_153 = vector.load %arg3[%swap3A_151, %swap3A_152] : memref<256x16xi32, #tpu.memory_space<vmem>>, vector<256x1xi32>
    tpu.vector_store %arg3[%swap3A_151, %swap3A_152], %and3A_150 {strides = array<i32>} : memref<256x16xi32, #tpu.memory_space<vmem>>, vector<256x1xi32>,
    %eq3A_154 = vector.broadcast %broadcast_in_dim3A_147 : vector<256x1xi32> to vector<256x10240xi32>
    %eq3A_155 = arith.cmpi eq, %select_n3A_144, %eq3A_154 : vector<256x10240xi32>
    %jit3A_156 = arith.constant 2147483647 : i32
    %broadcast_in_dim3A_157 = vector.broadcast %jit3A_156 : i32 to vector<256x10240xi32>
    %select_n3A_158 = arith.select %eq3A_155, %broadcast_in_dim3A_157, %select_n3A_144 : vector<256x10240xi1>, vector<256x10240xi32>
    %reduce_min3A_159 = arith.constant dense<2147483647> : vector<256xi32>
    %reduce_min3A_160 = vector.multi_reduction <minsi>, %select_n3A_158, %reduce_min3A_159 [1] : vector<256x10240xi32> to vector<256xi32>
    %broadcast_in_dim3A_161 = vector.shape_cast %reduce_min3A_160 : vector<256xi32> to vector<256x1xi32>
    %and3A_162 = arith.constant 16383 : i32
    %and3A_163 = vector.broadcast %and3A_162 : i32 to vector<256x1xi32>
    %and3A_164 = arith.andi %broadcast_in_dim3A_161, %and3A_163 : vector<256x1xi32>
    %swap3A_165 = arith.constant 0 : index
    %swap3A_166 = arith.constant 9 : index
    %swap3A_167 = vector.load %arg3[%swap3A_165, %swap3A_166] : memref<256x16xi32, #tpu.memory_space<vmem>>, vector<256x1xi32>
    tpu.vector_store %arg3[%swap3A_165, %swap3A_166], %and3A_164 {strides = array<i32>} : memref<256x16xi32, #tpu.memory_space<vmem>>, vector<256x1xi32>,
    %eq3A_168 = vector.broadcast %broadcast_in_dim3A_161 : vector<256x1xi32> to vector<256x10240xi32>
    %eq3A_169 = arith.cmpi eq, %select_n3A_158, %eq3A_168 : vector<256x10240xi32>
    %jit3A_170 = arith.constant 2147483647 : i32
    %broadcast_in_dim3A_171 = vector.broadcast %jit3A_170 : i32 to vector<256x10240xi32>
    %select_n3A_172 = arith.select %eq3A_169, %broadcast_in_dim3A_171, %select_n3A_158 : vector<256x10240xi1>, vector<256x10240xi32>
    %reduce_min3A_173 = arith.constant dense<2147483647> : vector<256xi32>
    %reduce_min3A_174 = vector.multi_reduction <minsi>, %select_n3A_172, %reduce_min3A_173 [1] : vector<256x10240xi32> to vector<256xi32>
    %broadcast_in_dim3A_175 = vector.shape_cast %reduce_min3A_174 : vector<256xi32> to vector<256x1xi32>
    %and3A_176 = arith.constant 16383 : i32
    %and3A_177 = vector.broadcast %and3A_176 : i32 to vector<256x1xi32>
    %and3A_178 = arith.andi %broadcast_in_dim3A_175, %and3A_177 : vector<256x1xi32>
    %swap3A_179 = arith.constant 0 : index
    %swap3A_180 = arith.constant 10 : index
    %swap3A_181 = vector.load %arg3[%swap3A_179, %swap3A_180] : memref<256x16xi32, #tpu.memory_space<vmem>>, vector<256x1xi32>
    tpu.vector_store %arg3[%swap3A_179, %swap3A_180], %and3A_178 {strides = array<i32>} : memref<256x16xi32, #tpu.memory_space<vmem>>, vector<256x1xi32>,
    %eq3A_182 = vector.broadcast %broadcast_in_dim3A_175 : vector<256x1xi32> to vector<256x10240xi32>
    %eq3A_183 = arith.cmpi eq, %select_n3A_172, %eq3A_182 : vector<256x10240xi32>
    %jit3A_184 = arith.constant 2147483647 : i32
    %broadcast_in_dim3A_185 = vector.broadcast %jit3A_184 : i32 to vector<256x10240xi32>
    %select_n3A_186 = arith.select %eq3A_183, %broadcast_in_dim3A_185, %select_n3A_172 : vector<256x10240xi1>, vector<256x10240xi32>
    %reduce_min3A_187 = arith.constant dense<2147483647> : vector<256xi32>
    %reduce_min3A_188 = vector.multi_reduction <minsi>, %select_n3A_186, %reduce_min3A_187 [1] : vector<256x10240xi32> to vector<256xi32>
    %broadcast_in_dim3A_189 = vector.shape_cast %reduce_min3A_188 : vector<256xi32> to vector<256x1xi32>
    %and3A_190 = arith.constant 16383 : i32
    %and3A_191 = vector.broadcast %and3A_190 : i32 to vector<256x1xi32>
    %and3A_192 = arith.andi %broadcast_in_dim3A_189, %and3A_191 : vector<256x1xi32>
    %swap3A_193 = arith.constant 0 : index
    %swap3A_194 = arith.constant 11 : index
    %swap3A_195 = vector.load %arg3[%swap3A_193, %swap3A_194] : memref<256x16xi32, #tpu.memory_space<vmem>>, vector<256x1xi32>
    tpu.vector_store %arg3[%swap3A_193, %swap3A_194], %and3A_192 {strides = array<i32>} : memref<256x16xi32, #tpu.memory_space<vmem>>, vector<256x1xi32>,
    %eq3A_196 = vector.broadcast %broadcast_in_dim3A_189 : vector<256x1xi32> to vector<256x10240xi32>
    %eq3A_197 = arith.cmpi eq, %select_n3A_186, %eq3A_196 : vector<256x10240xi32>
    %jit3A_198 = arith.constant 2147483647 : i32
    %broadcast_in_dim3A_199 = vector.broadcast %jit3A_198 : i32 to vector<256x10240xi32>
    %select_n3A_200 = arith.select %eq3A_197, %broadcast_in_dim3A_199, %select_n3A_186 : vector<256x10240xi1>, vector<256x10240xi32>
    %reduce_min3A_201 = arith.constant dense<2147483647> : vector<256xi32>
    %reduce_min3A_202 = vector.multi_reduction <minsi>, %select_n3A_200, %reduce_min3A_201 [1] : vector<256x10240xi32> to vector<256xi32>
    %broadcast_in_dim3A_203 = vector.shape_cast %reduce_min3A_202 : vector<256xi32> to vector<256x1xi32>
    %and3A_204 = arith.constant 16383 : i32
    %and3A_205 = vector.broadcast %and3A_204 : i32 to vector<256x1xi32>
    %and3A_206 = arith.andi %broadcast_in_dim3A_203, %and3A_205 : vector<256x1xi32>
    %swap3A_207 = arith.constant 0 : index
    %swap3A_208 = arith.constant 12 : index
    %swap3A_209 = vector.load %arg3[%swap3A_207, %swap3A_208] : memref<256x16xi32, #tpu.memory_space<vmem>>, vector<256x1xi32>
    tpu.vector_store %arg3[%swap3A_207, %swap3A_208], %and3A_206 {strides = array<i32>} : memref<256x16xi32, #tpu.memory_space<vmem>>, vector<256x1xi32>,
    %eq3A_210 = vector.broadcast %broadcast_in_dim3A_203 : vector<256x1xi32> to vector<256x10240xi32>
    %eq3A_211 = arith.cmpi eq, %select_n3A_200, %eq3A_210 : vector<256x10240xi32>
    %jit3A_212 = arith.constant 2147483647 : i32
    %broadcast_in_dim3A_213 = vector.broadcast %jit3A_212 : i32 to vector<256x10240xi32>
    %select_n3A_214 = arith.select %eq3A_211, %broadcast_in_dim3A_213, %select_n3A_200 : vector<256x10240xi1>, vector<256x10240xi32>
    %reduce_min3A_215 = arith.constant dense<2147483647> : vector<256xi32>
    %reduce_min3A_216 = vector.multi_reduction <minsi>, %select_n3A_214, %reduce_min3A_215 [1] : vector<256x10240xi32> to vector<256xi32>
    %broadcast_in_dim3A_217 = vector.shape_cast %reduce_min3A_216 : vector<256xi32> to vector<256x1xi32>
    %and3A_218 = arith.constant 16383 : i32
    %and3A_219 = vector.broadcast %and3A_218 : i32 to vector<256x1xi32>
    %and3A_220 = arith.andi %broadcast_in_dim3A_217, %and3A_219 : vector<256x1xi32>
    %swap3A_221 = arith.constant 0 : index
    %swap3A_222 = arith.constant 13 : index
    %swap3A_223 = vector.load %arg3[%swap3A_221, %swap3A_222] : memref<256x16xi32, #tpu.memory_space<vmem>>, vector<256x1xi32>
    tpu.vector_store %arg3[%swap3A_221, %swap3A_222], %and3A_220 {strides = array<i32>} : memref<256x16xi32, #tpu.memory_space<vmem>>, vector<256x1xi32>,
    %eq3A_224 = vector.broadcast %broadcast_in_dim3A_217 : vector<256x1xi32> to vector<256x10240xi32>
    %eq3A_225 = arith.cmpi eq, %select_n3A_214, %eq3A_224 : vector<256x10240xi32>
    %jit3A_226 = arith.constant 2147483647 : i32
    %broadcast_in_dim3A_227 = vector.broadcast %jit3A_226 : i32 to vector<256x10240xi32>
    %select_n3A_228 = arith.select %eq3A_225, %broadcast_in_dim3A_227, %select_n3A_214 : vector<256x10240xi1>, vector<256x10240xi32>
    %reduce_min3A_229 = arith.constant dense<2147483647> : vector<256xi32>
    %reduce_min3A_230 = vector.multi_reduction <minsi>, %select_n3A_228, %reduce_min3A_229 [1] : vector<256x10240xi32> to vector<256xi32>
    %broadcast_in_dim3A_231 = vector.shape_cast %reduce_min3A_230 : vector<256xi32> to vector<256x1xi32>
    %and3A_232 = arith.constant 16383 : i32
    %and3A_233 = vector.broadcast %and3A_232 : i32 to vector<256x1xi32>
    %and3A_234 = arith.andi %broadcast_in_dim3A_231, %and3A_233 : vector<256x1xi32>
    %swap3A_235 = arith.constant 0 : index
    %swap3A_236 = arith.constant 14 : index
    %swap3A_237 = vector.load %arg3[%swap3A_235, %swap3A_236] : memref<256x16xi32, #tpu.memory_space<vmem>>, vector<256x1xi32>
    tpu.vector_store %arg3[%swap3A_235, %swap3A_236], %and3A_234 {strides = array<i32>} : memref<256x16xi32, #tpu.memory_space<vmem>>, vector<256x1xi32>,
    %eq3A_238 = vector.broadcast %broadcast_in_dim3A_231 : vector<256x1xi32> to vector<256x10240xi32>
    %eq3A_239 = arith.cmpi eq, %select_n3A_228, %eq3A_238 : vector<256x10240xi32>
    %jit3A_240 = arith.constant 2147483647 : i32
    %broadcast_in_dim3A_241 = vector.broadcast %jit3A_240 : i32 to vector<256x10240xi32>
    %select_n3A_242 = arith.select %eq3A_239, %broadcast_in_dim3A_241, %select_n3A_228 : vector<256x10240xi1>, vector<256x10240xi32>
    %reduce_min3A_243 = arith.constant dense<2147483647> : vector<256xi32>
    %reduce_min3A_244 = vector.multi_reduction <minsi>, %select_n3A_242, %reduce_min3A_243 [1] : vector<256x10240xi32> to vector<256xi32>
    %broadcast_in_dim3A_245 = vector.shape_cast %reduce_min3A_244 : vector<256xi32> to vector<256x1xi32>
    %and3A_246 = arith.constant 16383 : i32
    %and3A_247 = vector.broadcast %and3A_246 : i32 to vector<256x1xi32>
    %and3A_248 = arith.andi %broadcast_in_dim3A_245, %and3A_247 : vector<256x1xi32>
    %swap3A_249 = arith.constant 0 : index
    %swap3A_250 = arith.constant 15 : index
    %swap3A_251 = vector.load %arg3[%swap3A_249, %swap3A_250] : memref<256x16xi32, #tpu.memory_space<vmem>>, vector<256x1xi32>
    tpu.vector_store %arg3[%swap3A_249, %swap3A_250], %and3A_248 {strides = array<i32>} : memref<256x16xi32, #tpu.memory_space<vmem>>, vector<256x1xi32>,
    return
  }
  func.func @transform_0(%arg0: i32) -> (i32, i32) {
    %c0_i32 = arith.constant 0 : i32
    %c0_i32_0 = arith.constant 0 : i32
    return %arg0, %c0_i32 : i32, i32
  }
  func.func @transform_1(%arg0: i32) -> (i32, i32) {
    %c0_i32 = arith.constant 0 : i32
    %c0_i32_0 = arith.constant 0 : i32
    %c0_i32_1 = arith.constant 0 : i32
    return %c0_i32, %c0_i32_0 : i32, i32
  }
  func.func @transform_2(%arg0: i32) -> (i32, i32) {
    %c0_i32 = arith.constant 0 : i32
    %c0_i32_0 = arith.constant 0 : i32
    return %arg0, %c0_i32 : i32, i32
  }
}

module attributes {stable_mosaic.version = 14 : i64} {
  func.func @_h1_body(%arg0: memref<2560x256xf32, #tpu.memory_space<vmem>>, %arg1: memref<256x128xf32, #tpu.memory_space<vmem>>, %arg2: memref<1x128xf32, #tpu.memory_space<vmem>>, %arg3: memref<2560x128xf32, #tpu.memory_space<vmem>>) attributes {dimension_semantics = [], scalar_prefetch = 0 : i64, scratch_operands = 0 : i64, tpu.core_type = #tpu.core_type<tc>} {
    %get3A = arith.constant 0 : index
    %get3A_0 = arith.constant 0 : index
    %get3A_1 = vector.load %arg0[%get3A, %get3A_0] : memref<2560x256xf32, #tpu.memory_space<vmem>>, vector<2560x256xf32>
    %get3A_2 = arith.constant 0 : index
    %get3A_3 = arith.constant 0 : index
    %get3A_4 = vector.load %arg1[%get3A_2, %get3A_3] : memref<256x128xf32, #tpu.memory_space<vmem>>, vector<256x128xf32>
    %dot_general3A = arith.constant dense<0.000000e+00> : vector<2560x128xf32>
    %dot_general3A_5 = tpu.matmul %get3A_1, %get3A_4, %dot_general3A {dimension_numbers = #tpu.dot_dimension_numbers<[1], [0], [0], [1], [0, 0, 1, 1], [], []>, transpose_lhs_hint = false} : vector<2560x256xf32>, vector<256x128xf32>, vector<2560x128xf32> -> vector<2560x128xf32>
    %get3A_6 = arith.constant 0 : index
    %get3A_7 = arith.constant 0 : index
    %get3A_8 = vector.load %arg2[%get3A_6, %get3A_7] : memref<1x128xf32, #tpu.memory_space<vmem>>, vector<1x128xf32>
    %add3A = vector.broadcast %get3A_8 : vector<1x128xf32> to vector<2560x128xf32>
    %add3A_9 = arith.addf %dot_general3A_5, %add3A : vector<2560x128xf32>
    %swap3A = arith.constant 0 : index
    %swap3A_10 = arith.constant 0 : index
    %swap3A_11 = vector.load %arg3[%swap3A, %swap3A_10] : memref<2560x128xf32, #tpu.memory_space<vmem>>, vector<2560x128xf32>
    tpu.vector_store %arg3[%swap3A, %swap3A_10], %add3A_9 {strides = array<i32>} : memref<2560x128xf32, #tpu.memory_space<vmem>>, vector<2560x128xf32>,
    return
  }
}

module attributes {stable_mosaic.version = 14 : i64} {
  func.func @_knn1_body(%arg0: i32, %arg1: memref<512x16xf32, #tpu.memory_space<vmem>>, %arg2: memref<16x2560xf32, #tpu.memory_space<vmem>>, %arg3: memref<2560x128xf32, #tpu.memory_space<vmem>>, %arg4: memref<128x128xf32, #tpu.memory_space<vmem>>, %arg5: memref<1x128xf32, #tpu.memory_space<vmem>>, %arg6: memref<128x128xf32, #tpu.memory_space<vmem>>, %arg7: memref<128x128xf32, #tpu.memory_space<vmem>>, %arg8: memref<128x128xf32, #tpu.memory_space<vmem>>, %arg9: memref<512x128xf32, #tpu.memory_space<vmem>>, %arg10: memref<512x128xf32, #tpu.memory_space<vmem>>, %arg11: memref<512x128xf32, #tpu.memory_space<vmem>>, %arg12: memref<512x128xf32, #tpu.memory_space<vmem>>) attributes {dimension_semantics = [#tpu.dimension_semantics<arbitrary>], iteration_bounds = array<i64: 20>, scalar_prefetch = 0 : i64, scratch_operands = 0 : i64, tpu.core_type = #tpu.core_type<tc>, window_params = [{transform_indices = @transform_0, window_bounds = array<i64: 512, 16>}, {pipeline_mode = #tpu.pipeline_mode<synchronous>, transform_indices = @transform_1, window_bounds = array<i64: 16, 2560>}, {pipeline_mode = #tpu.pipeline_mode<synchronous>, transform_indices = @transform_2, window_bounds = array<i64: 2560, 128>}, {pipeline_mode = #tpu.pipeline_mode<synchronous>, transform_indices = @transform_3, window_bounds = array<i64: 128, 128>}, {pipeline_mode = #tpu.pipeline_mode<synchronous>, transform_indices = @transform_4, window_bounds = array<i64: 1, 128>}, {pipeline_mode = #tpu.pipeline_mode<synchronous>, transform_indices = @transform_5, window_bounds = array<i64: 128, 128>}, {pipeline_mode = #tpu.pipeline_mode<synchronous>, transform_indices = @transform_6, window_bounds = array<i64: 128, 128>}, {pipeline_mode = #tpu.pipeline_mode<synchronous>, transform_indices = @transform_7, window_bounds = array<i64: 128, 128>}, {transform_indices = @transform_8, window_bounds = array<i64: 512, 128>}, {transform_indices = @transform_9, window_bounds = array<i64: 512, 128>}, {transform_indices = @transform_10, window_bounds = array<i64: 512, 128>}, {transform_indices = @transform_11, window_bounds = array<i64: 512, 128>}]} {
    %get3A = arith.constant 0 : index
    %get3A_0 = arith.constant 0 : index
    %get3A_1 = vector.load %arg1[%get3A, %get3A_0] : memref<512x16xf32, #tpu.memory_space<vmem>>, vector<512x16xf32>
    %get3A_2 = arith.constant 0 : index
    %get3A_3 = arith.constant 0 : index
    %get3A_4 = vector.load %arg2[%get3A_2, %get3A_3] : memref<16x2560xf32, #tpu.memory_space<vmem>>, vector<16x2560xf32>
    %mul3A = arith.mulf %get3A_1, %get3A_1 : vector<512x16xf32>
    %reduce_sum3A = arith.constant dense<0.000000e+00> : vector<512xf32>
    %reduce_sum3A_5 = vector.multi_reduction <add>, %mul3A, %reduce_sum3A [1] : vector<512x16xf32> to vector<512xf32>
    %broadcast_in_dim3A = vector.shape_cast %reduce_sum3A_5 : vector<512xf32> to vector<512x1xf32>
    %mul3A_6 = arith.mulf %get3A_4, %get3A_4 : vector<16x2560xf32>
    %reduce_sum3A_7 = arith.constant dense<0.000000e+00> : vector<2560xf32>
    %reduce_sum3A_8 = vector.multi_reduction <add>, %mul3A_6, %reduce_sum3A_7 [0] : vector<16x2560xf32> to vector<2560xf32>
    %broadcast_in_dim3A_9 = vector.shape_cast %reduce_sum3A_8 : vector<2560xf32> to vector<1x2560xf32>
    %add3A = vector.broadcast %broadcast_in_dim3A : vector<512x1xf32> to vector<512x2560xf32>
    %add3A_10 = vector.broadcast %broadcast_in_dim3A_9 : vector<1x2560xf32> to vector<512x2560xf32>
    %add3A_11 = arith.addf %add3A, %add3A_10 : vector<512x2560xf32>
    %dot_general3A = arith.constant dense<0.000000e+00> : vector<512x2560xf32>
    %dot_general3A_12 = tpu.matmul %get3A_1, %get3A_4, %dot_general3A {dimension_numbers = #tpu.dot_dimension_numbers<[1], [0], [0], [1], [0, 0, 1, 1], [], []>, transpose_lhs_hint = false} : vector<512x16xf32>, vector<16x2560xf32>, vector<512x2560xf32> -> vector<512x2560xf32>
    %mul3A_13 = arith.constant 2.000000e+00 : f32
    %mul3A_14 = vector.broadcast %mul3A_13 : f32 to vector<512x2560xf32>
    %mul3A_15 = arith.mulf %mul3A_14, %dot_general3A_12 : vector<512x2560xf32>
    %sub3A = arith.subf %add3A_11, %mul3A_15 : vector<512x2560xf32>
    %max3A = arith.constant 0.000000e+00 : f32
    %max3A_16 = vector.broadcast %max3A : f32 to vector<512x2560xf32>
    %max3A_17 = arith.maximumf %sub3A, %max3A_16 : vector<512x2560xf32>
    %iota3A = tpu.iota {dimensions = array<i32: 1>} : vector<512x2560xi32>
    %ge3A = arith.constant 2500 : i32
    %ge3A_18 = vector.broadcast %ge3A : i32 to vector<512x2560xi32>
    %ge3A_19 = arith.cmpi sge, %iota3A, %ge3A_18 : vector<512x2560xi32>
    %jit3A = arith.constant 0x7F800000 : f32
    %broadcast_in_dim3A_20 = vector.broadcast %jit3A : f32 to vector<512x2560xf32>
    %select_n3A = arith.select %ge3A_19, %broadcast_in_dim3A_20, %max3A_17 : vector<512x2560xi1>, vector<512x2560xf32>
    %broadcast_in_dim3A_21 = arith.constant 0.000000e+00 : f32
    %broadcast_in_dim3A_22 = vector.broadcast %broadcast_in_dim3A_21 : f32 to vector<512x2560xf32>
    %reduce_min3A = arith.constant dense<0x7F800000> : vector<512xf32>
    %reduce_min3A_23 = vector.multi_reduction <minimumf>, %select_n3A, %reduce_min3A [1] : vector<512x2560xf32> to vector<512xf32>
    %broadcast_in_dim3A_24 = vector.shape_cast %reduce_min3A_23 : vector<512xf32> to vector<512x1xf32>
    %eq3A = vector.broadcast %broadcast_in_dim3A_24 : vector<512x1xf32> to vector<512x2560xf32>
    %eq3A_25 = arith.cmpf oeq, %select_n3A, %eq3A : vector<512x2560xf32>
    %jit3A_26 = arith.constant 2147483647 : i32
    %broadcast_in_dim3A_27 = vector.broadcast %jit3A_26 : i32 to vector<512x2560xi32>
    %select_n3A_28 = arith.select %eq3A_25, %iota3A, %broadcast_in_dim3A_27 : vector<512x2560xi1>, vector<512x2560xi32>
    %reduce_min3A_29 = arith.constant dense<2147483647> : vector<512xi32>
    %reduce_min3A_30 = vector.multi_reduction <minsi>, %select_n3A_28, %reduce_min3A_29 [1] : vector<512x2560xi32> to vector<512xi32>
    %broadcast_in_dim3A_31 = vector.shape_cast %reduce_min3A_30 : vector<512xi32> to vector<512x1xi32>
    %eq3A_32 = vector.broadcast %broadcast_in_dim3A_31 : vector<512x1xi32> to vector<512x2560xi32>
    %eq3A_33 = arith.cmpi eq, %iota3A, %eq3A_32 : vector<512x2560xi32>
    %max3A_34 = arith.constant 1.000000e-16 : f32
    %max3A_35 = vector.broadcast %max3A_34 : f32 to vector<512x1xf32>
    %max3A_36 = arith.maximumf %broadcast_in_dim3A_24, %max3A_35 : vector<512x1xf32>
    %div3A = arith.constant 1.000000e+00 : f32
    %div3A_37 = vector.broadcast %div3A : f32 to vector<512x1xf32>
    %div3A_38 = arith.divf %div3A_37, %max3A_36 : vector<512x1xf32>
    %jit3A_39 = arith.constant 0.000000e+00 : f32
    %broadcast_in_dim3A_40 = vector.shape_cast %div3A_38 : vector<512x1xf32> to vector<512x1xf32>
    %broadcast_in_dim3A_41 = vector.broadcast %broadcast_in_dim3A_40 : vector<512x1xf32> to vector<512x2560xf32>
    %broadcast_in_dim3A_42 = vector.broadcast %jit3A_39 : f32 to vector<512x2560xf32>
    %select_n3A_43 = arith.select %eq3A_33, %broadcast_in_dim3A_41, %broadcast_in_dim3A_42 : vector<512x2560xi1>, vector<512x2560xf32>
    %add3A_44 = arith.addf %broadcast_in_dim3A_22, %select_n3A_43 : vector<512x2560xf32>
    %jit3A_45 = arith.constant 0x7F800000 : f32
    %broadcast_in_dim3A_46 = vector.broadcast %jit3A_45 : f32 to vector<512x2560xf32>
    %select_n3A_47 = arith.select %eq3A_33, %broadcast_in_dim3A_46, %select_n3A : vector<512x2560xi1>, vector<512x2560xf32>
    %reduce_min3A_48 = arith.constant dense<0x7F800000> : vector<512xf32>
    %reduce_min3A_49 = vector.multi_reduction <minimumf>, %select_n3A_47, %reduce_min3A_48 [1] : vector<512x2560xf32> to vector<512xf32>
    %broadcast_in_dim3A_50 = vector.shape_cast %reduce_min3A_49 : vector<512xf32> to vector<512x1xf32>
    %eq3A_51 = vector.broadcast %broadcast_in_dim3A_50 : vector<512x1xf32> to vector<512x2560xf32>
    %eq3A_52 = arith.cmpf oeq, %select_n3A_47, %eq3A_51 : vector<512x2560xf32>
    %jit3A_53 = arith.constant 2147483647 : i32
    %broadcast_in_dim3A_54 = vector.broadcast %jit3A_53 : i32 to vector<512x2560xi32>
    %select_n3A_55 = arith.select %eq3A_52, %iota3A, %broadcast_in_dim3A_54 : vector<512x2560xi1>, vector<512x2560xi32>
    %reduce_min3A_56 = arith.constant dense<2147483647> : vector<512xi32>
    %reduce_min3A_57 = vector.multi_reduction <minsi>, %select_n3A_55, %reduce_min3A_56 [1] : vector<512x2560xi32> to vector<512xi32>
    %broadcast_in_dim3A_58 = vector.shape_cast %reduce_min3A_57 : vector<512xi32> to vector<512x1xi32>
    %eq3A_59 = vector.broadcast %broadcast_in_dim3A_58 : vector<512x1xi32> to vector<512x2560xi32>
    %eq3A_60 = arith.cmpi eq, %iota3A, %eq3A_59 : vector<512x2560xi32>
    %max3A_61 = arith.constant 1.000000e-16 : f32
    %max3A_62 = vector.broadcast %max3A_61 : f32 to vector<512x1xf32>
    %max3A_63 = arith.maximumf %broadcast_in_dim3A_50, %max3A_62 : vector<512x1xf32>
    %div3A_64 = arith.constant 1.000000e+00 : f32
    %div3A_65 = vector.broadcast %div3A_64 : f32 to vector<512x1xf32>
    %div3A_66 = arith.divf %div3A_65, %max3A_63 : vector<512x1xf32>
    %jit3A_67 = arith.constant 0.000000e+00 : f32
    %broadcast_in_dim3A_68 = vector.shape_cast %div3A_66 : vector<512x1xf32> to vector<512x1xf32>
    %broadcast_in_dim3A_69 = vector.broadcast %broadcast_in_dim3A_68 : vector<512x1xf32> to vector<512x2560xf32>
    %broadcast_in_dim3A_70 = vector.broadcast %jit3A_67 : f32 to vector<512x2560xf32>
    %select_n3A_71 = arith.select %eq3A_60, %broadcast_in_dim3A_69, %broadcast_in_dim3A_70 : vector<512x2560xi1>, vector<512x2560xf32>
    %add3A_72 = arith.addf %add3A_44, %select_n3A_71 : vector<512x2560xf32>
    %jit3A_73 = arith.constant 0x7F800000 : f32
    %broadcast_in_dim3A_74 = vector.broadcast %jit3A_73 : f32 to vector<512x2560xf32>
    %select_n3A_75 = arith.select %eq3A_60, %broadcast_in_dim3A_74, %select_n3A_47 : vector<512x2560xi1>, vector<512x2560xf32>
    %reduce_min3A_76 = arith.constant dense<0x7F800000> : vector<512xf32>
    %reduce_min3A_77 = vector.multi_reduction <minimumf>, %select_n3A_75, %reduce_min3A_76 [1] : vector<512x2560xf32> to vector<512xf32>
    %broadcast_in_dim3A_78 = vector.shape_cast %reduce_min3A_77 : vector<512xf32> to vector<512x1xf32>
    %eq3A_79 = vector.broadcast %broadcast_in_dim3A_78 : vector<512x1xf32> to vector<512x2560xf32>
    %eq3A_80 = arith.cmpf oeq, %select_n3A_75, %eq3A_79 : vector<512x2560xf32>
    %jit3A_81 = arith.constant 2147483647 : i32
    %broadcast_in_dim3A_82 = vector.broadcast %jit3A_81 : i32 to vector<512x2560xi32>
    %select_n3A_83 = arith.select %eq3A_80, %iota3A, %broadcast_in_dim3A_82 : vector<512x2560xi1>, vector<512x2560xi32>
    %reduce_min3A_84 = arith.constant dense<2147483647> : vector<512xi32>
    %reduce_min3A_85 = vector.multi_reduction <minsi>, %select_n3A_83, %reduce_min3A_84 [1] : vector<512x2560xi32> to vector<512xi32>
    %broadcast_in_dim3A_86 = vector.shape_cast %reduce_min3A_85 : vector<512xi32> to vector<512x1xi32>
    %eq3A_87 = vector.broadcast %broadcast_in_dim3A_86 : vector<512x1xi32> to vector<512x2560xi32>
    %eq3A_88 = arith.cmpi eq, %iota3A, %eq3A_87 : vector<512x2560xi32>
    %max3A_89 = arith.constant 1.000000e-16 : f32
    %max3A_90 = vector.broadcast %max3A_89 : f32 to vector<512x1xf32>
    %max3A_91 = arith.maximumf %broadcast_in_dim3A_78, %max3A_90 : vector<512x1xf32>
    %div3A_92 = arith.constant 1.000000e+00 : f32
    %div3A_93 = vector.broadcast %div3A_92 : f32 to vector<512x1xf32>
    %div3A_94 = arith.divf %div3A_93, %max3A_91 : vector<512x1xf32>
    %jit3A_95 = arith.constant 0.000000e+00 : f32
    %broadcast_in_dim3A_96 = vector.shape_cast %div3A_94 : vector<512x1xf32> to vector<512x1xf32>
    %broadcast_in_dim3A_97 = vector.broadcast %broadcast_in_dim3A_96 : vector<512x1xf32> to vector<512x2560xf32>
    %broadcast_in_dim3A_98 = vector.broadcast %jit3A_95 : f32 to vector<512x2560xf32>
    %select_n3A_99 = arith.select %eq3A_88, %broadcast_in_dim3A_97, %broadcast_in_dim3A_98 : vector<512x2560xi1>, vector<512x2560xf32>
    %add3A_100 = arith.addf %add3A_72, %select_n3A_99 : vector<512x2560xf32>
    %get3A_101 = arith.constant 0 : index
    %get3A_102 = arith.constant 0 : index
    %get3A_103 = vector.load %arg3[%get3A_101, %get3A_102] : memref<2560x128xf32, #tpu.memory_space<vmem>>, vector<2560x128xf32>
    %dot_general3A_104 = arith.constant dense<0.000000e+00> : vector<512x128xf32>
    %dot_general3A_105 = tpu.matmul %add3A_100, %get3A_103, %dot_general3A_104 {dimension_numbers = #tpu.dot_dimension_numbers<[1], [0], [0], [1], [0, 0, 1, 1], [], []>, precision = #tpu.contract_precision<fp32>, transpose_lhs_hint = false} : vector<512x2560xf32>, vector<2560x128xf32>, vector<512x128xf32> -> vector<512x128xf32>
    %reduce_sum3A_106 = arith.constant dense<0.000000e+00> : vector<512xf32>
    %reduce_sum3A_107 = vector.multi_reduction <add>, %add3A_100, %reduce_sum3A_106 [1] : vector<512x2560xf32> to vector<512xf32>
    %broadcast_in_dim3A_108 = vector.shape_cast %reduce_sum3A_107 : vector<512xf32> to vector<512x1xf32>
    %div3A_109 = vector.broadcast %broadcast_in_dim3A_108 : vector<512x1xf32> to vector<512x128xf32>
    %div3A_110 = arith.divf %dot_general3A_105, %div3A_109 : vector<512x128xf32>
    %get3A_111 = arith.constant 0 : index
    %get3A_112 = arith.constant 0 : index
    %get3A_113 = vector.load %arg4[%get3A_111, %get3A_112] : memref<128x128xf32, #tpu.memory_space<vmem>>, vector<128x128xf32>
    %dot_general3A_114 = arith.constant dense<0.000000e+00> : vector<512x128xf32>
    %dot_general3A_115 = tpu.matmul %div3A_110, %get3A_113, %dot_general3A_114 {dimension_numbers = #tpu.dot_dimension_numbers<[1], [0], [0], [1], [0, 0, 1, 1], [], []>, transpose_lhs_hint = false} : vector<512x128xf32>, vector<128x128xf32>, vector<512x128xf32> -> vector<512x128xf32>
    %get3A_116 = arith.constant 0 : index
    %get3A_117 = arith.constant 0 : index
    %get3A_118 = vector.load %arg5[%get3A_116, %get3A_117] : memref<1x128xf32, #tpu.memory_space<vmem>>, vector<1x128xf32>
    %add3A_119 = vector.broadcast %get3A_118 : vector<1x128xf32> to vector<512x128xf32>
    %add3A_120 = arith.addf %dot_general3A_115, %add3A_119 : vector<512x128xf32>
    %max3A_121 = arith.constant 0.000000e+00 : f32
    %max3A_122 = vector.broadcast %max3A_121 : f32 to vector<512x128xf32>
    %max3A_123 = arith.maximumf %add3A_120, %max3A_122 : vector<512x128xf32>
    %swap3A = arith.constant 0 : index
    %swap3A_124 = arith.constant 0 : index
    %swap3A_125 = vector.load %arg9[%swap3A, %swap3A_124] : memref<512x128xf32, #tpu.memory_space<vmem>>, vector<512x128xf32>
    tpu.vector_store %arg9[%swap3A, %swap3A_124], %max3A_123 {strides = array<i32>} : memref<512x128xf32, #tpu.memory_space<vmem>>, vector<512x128xf32>,
    %get3A_126 = arith.constant 0 : index
    %get3A_127 = arith.constant 0 : index
    %get3A_128 = vector.load %arg6[%get3A_126, %get3A_127] : memref<128x128xf32, #tpu.memory_space<vmem>>, vector<128x128xf32>
    %dot_general3A_129 = arith.constant dense<0.000000e+00> : vector<512x128xf32>
    %dot_general3A_130 = tpu.matmul %max3A_123, %get3A_128, %dot_general3A_129 {dimension_numbers = #tpu.dot_dimension_numbers<[1], [0], [0], [1], [0, 0, 1, 1], [], []>, transpose_lhs_hint = false} : vector<512x128xf32>, vector<128x128xf32>, vector<512x128xf32> -> vector<512x128xf32>
    %swap3A_131 = arith.constant 0 : index
    %swap3A_132 = arith.constant 0 : index
    %swap3A_133 = vector.load %arg10[%swap3A_131, %swap3A_132] : memref<512x128xf32, #tpu.memory_space<vmem>>, vector<512x128xf32>
    tpu.vector_store %arg10[%swap3A_131, %swap3A_132], %dot_general3A_130 {strides = array<i32>} : memref<512x128xf32, #tpu.memory_space<vmem>>, vector<512x128xf32>,
    %get3A_134 = arith.constant 0 : index
    %get3A_135 = arith.constant 0 : index
    %get3A_136 = vector.load %arg7[%get3A_134, %get3A_135] : memref<128x128xf32, #tpu.memory_space<vmem>>, vector<128x128xf32>
    %dot_general3A_137 = arith.constant dense<0.000000e+00> : vector<512x128xf32>
    %dot_general3A_138 = tpu.matmul %max3A_123, %get3A_136, %dot_general3A_137 {dimension_numbers = #tpu.dot_dimension_numbers<[1], [0], [0], [1], [0, 0, 1, 1], [], []>, transpose_lhs_hint = false} : vector<512x128xf32>, vector<128x128xf32>, vector<512x128xf32> -> vector<512x128xf32>
    %swap3A_139 = arith.constant 0 : index
    %swap3A_140 = arith.constant 0 : index
    %swap3A_141 = vector.load %arg11[%swap3A_139, %swap3A_140] : memref<512x128xf32, #tpu.memory_space<vmem>>, vector<512x128xf32>
    tpu.vector_store %arg11[%swap3A_139, %swap3A_140], %dot_general3A_138 {strides = array<i32>} : memref<512x128xf32, #tpu.memory_space<vmem>>, vector<512x128xf32>,
    %get3A_142 = arith.constant 0 : index
    %get3A_143 = arith.constant 0 : index
    %get3A_144 = vector.load %arg8[%get3A_142, %get3A_143] : memref<128x128xf32, #tpu.memory_space<vmem>>, vector<128x128xf32>
    %dot_general3A_145 = arith.constant dense<0.000000e+00> : vector<512x128xf32>
    %dot_general3A_146 = tpu.matmul %max3A_123, %get3A_144, %dot_general3A_145 {dimension_numbers = #tpu.dot_dimension_numbers<[1], [0], [0], [1], [0, 0, 1, 1], [], []>, transpose_lhs_hint = false} : vector<512x128xf32>, vector<128x128xf32>, vector<512x128xf32> -> vector<512x128xf32>
    %swap3A_147 = arith.constant 0 : index
    %swap3A_148 = arith.constant 0 : index
    %swap3A_149 = vector.load %arg12[%swap3A_147, %swap3A_148] : memref<512x128xf32, #tpu.memory_space<vmem>>, vector<512x128xf32>
    tpu.vector_store %arg12[%swap3A_147, %swap3A_148], %dot_general3A_146 {strides = array<i32>} : memref<512x128xf32, #tpu.memory_space<vmem>>, vector<512x128xf32>,
    return
  }
  func.func @transform_0(%arg0: i32) -> (i32, i32) {
    %c0_i32 = arith.constant 0 : i32
    %c0_i32_0 = arith.constant 0 : i32
    return %arg0, %c0_i32 : i32, i32
  }
  func.func @transform_1(%arg0: i32) -> (i32, i32) {
    %c0_i32 = arith.constant 0 : i32
    %c0_i32_0 = arith.constant 0 : i32
    %c0_i32_1 = arith.constant 0 : i32
    return %c0_i32, %c0_i32_0 : i32, i32
  }
  func.func @transform_2(%arg0: i32) -> (i32, i32) {
    %c0_i32 = arith.constant 0 : i32
    %c0_i32_0 = arith.constant 0 : i32
    %c0_i32_1 = arith.constant 0 : i32
    return %c0_i32, %c0_i32_0 : i32, i32
  }
  func.func @transform_3(%arg0: i32) -> (i32, i32) {
    %c0_i32 = arith.constant 0 : i32
    %c0_i32_0 = arith.constant 0 : i32
    %c0_i32_1 = arith.constant 0 : i32
    return %c0_i32, %c0_i32_0 : i32, i32
  }
  func.func @transform_4(%arg0: i32) -> (i32, i32) {
    %c0_i32 = arith.constant 0 : i32
    %c0_i32_0 = arith.constant 0 : i32
    %c0_i32_1 = arith.constant 0 : i32
    return %c0_i32, %c0_i32_0 : i32, i32
  }
  func.func @transform_5(%arg0: i32) -> (i32, i32) {
    %c0_i32 = arith.constant 0 : i32
    %c0_i32_0 = arith.constant 0 : i32
    %c0_i32_1 = arith.constant 0 : i32
    return %c0_i32, %c0_i32_0 : i32, i32
  }
  func.func @transform_6(%arg0: i32) -> (i32, i32) {
    %c0_i32 = arith.constant 0 : i32
    %c0_i32_0 = arith.constant 0 : i32
    %c0_i32_1 = arith.constant 0 : i32
    return %c0_i32, %c0_i32_0 : i32, i32
  }
  func.func @transform_7(%arg0: i32) -> (i32, i32) {
    %c0_i32 = arith.constant 0 : i32
    %c0_i32_0 = arith.constant 0 : i32
    %c0_i32_1 = arith.constant 0 : i32
    return %c0_i32, %c0_i32_0 : i32, i32
  }
  func.func @transform_8(%arg0: i32) -> (i32, i32) {
    %c0_i32 = arith.constant 0 : i32
    %c0_i32_0 = arith.constant 0 : i32
    return %arg0, %c0_i32 : i32, i32
  }
  func.func @transform_9(%arg0: i32) -> (i32, i32) {
    %c0_i32 = arith.constant 0 : i32
    %c0_i32_0 = arith.constant 0 : i32
    return %arg0, %c0_i32 : i32, i32
  }
  func.func @transform_10(%arg0: i32) -> (i32, i32) {
    %c0_i32 = arith.constant 0 : i32
    %c0_i32_0 = arith.constant 0 : i32
    return %arg0, %c0_i32 : i32, i32
  }
  func.func @transform_11(%arg0: i32) -> (i32, i32) {
    %c0_i32 = arith.constant 0 : i32
    %c0_i32_0 = arith.constant 0 : i32
    return %arg0, %c0_i32 : i32, i32
  }
}

module attributes {stable_mosaic.version = 14 : i64} {
  func.func @_e1_body(%arg0: i32, %arg1: memref<4096x128xf32, #tpu.memory_space<vmem>>, %arg2: memref<256x128xf32, #tpu.memory_space<vmem>>, %arg3: memref<128x128xf32, #tpu.memory_space<vmem>>, %arg4: memref<1x128xf32, #tpu.memory_space<vmem>>, %arg5: memref<1x128xf32, #tpu.memory_space<vmem>>, %arg6: memref<1x128xf32, #tpu.memory_space<vmem>>) attributes {dimension_semantics = [#tpu.dimension_semantics<arbitrary>], iteration_bounds = array<i64: 40>, scalar_prefetch = 0 : i64, scratch_operands = 0 : i64, tpu.core_type = #tpu.core_type<tc>, window_params = [{transform_indices = @transform_0, window_bounds = array<i64: 4096, 128>}, {transform_indices = @transform_1, window_bounds = array<i64: 256, 128>}, {pipeline_mode = #tpu.pipeline_mode<synchronous>, transform_indices = @transform_2, window_bounds = array<i64: 128, 128>}, {pipeline_mode = #tpu.pipeline_mode<synchronous>, transform_indices = @transform_3, window_bounds = array<i64: 1, 128>}, {pipeline_mode = #tpu.pipeline_mode<synchronous>, transform_indices = @transform_4, window_bounds = array<i64: 1, 128>}, {pipeline_mode = #tpu.pipeline_mode<synchronous>, transform_indices = @transform_5, window_bounds = array<i64: 1, 128>}]} {
    %get3A = arith.constant 0 : index
    %get3A_0 = arith.constant 0 : index
    %get3A_1 = vector.load %arg1[%get3A, %get3A_0] : memref<4096x128xf32, #tpu.memory_space<vmem>>, vector<4096x128xf32>
    %get3A_2 = arith.constant 0 : index
    %get3A_3 = arith.constant 0 : index
    %get3A_4 = vector.load %arg2[%get3A_2, %get3A_3] : memref<256x128xf32, #tpu.memory_space<vmem>>, vector<256x128xf32>
    %get3A_5 = arith.constant 0 : index
    %get3A_6 = arith.constant 0 : index
    %get3A_7 = vector.load %arg3[%get3A_5, %get3A_6] : memref<128x128xf32, #tpu.memory_space<vmem>>, vector<128x128xf32>
    %get3A_8 = arith.constant 0 : index
    %get3A_9 = arith.constant 0 : index
    %get3A_10 = vector.load %arg4[%get3A_8, %get3A_9] : memref<1x128xf32, #tpu.memory_space<vmem>>, vector<1x128xf32>
    %broadcast_in_dim3A = vector.shape_cast %get3A_4 : vector<256x128xf32> to vector<256x1x128xf32>
    %broadcast_in_dim3A_11 = vector.shape_cast %broadcast_in_dim3A : vector<256x1x128xf32> to vector<256x1x128xf32>
    %broadcast_in_dim3A_12 = vector.broadcast %broadcast_in_dim3A_11 : vector<256x1x128xf32> to vector<256x16x128xf32>
    %reshape3A = vector.shape_cast %broadcast_in_dim3A_12 : vector<256x16x128xf32> to vector<4096x128xf32>
    %sub3A = arith.subf %reshape3A, %get3A_1 : vector<4096x128xf32>
    %dot_general3A = arith.constant dense<0.000000e+00> : vector<4096x128xf32>
    %dot_general3A_13 = tpu.matmul %sub3A, %get3A_7, %dot_general3A {dimension_numbers = #tpu.dot_dimension_numbers<[1], [0], [0], [1], [0, 0, 1, 1], [], []>, transpose_lhs_hint = false} : vector<4096x128xf32>, vector<128x128xf32>, vector<4096x128xf32> -> vector<4096x128xf32>
    %add3A = vector.broadcast %get3A_10 : vector<1x128xf32> to vector<4096x128xf32>
    %add3A_14 = arith.addf %dot_general3A_13, %add3A : vector<4096x128xf32>
    %iota3A = tpu.iota {dimensions = array<i32: 0>} : vector<4096x1xi32>
    %mul3A = arith.constant 256 : i32
    %mul3A_15 = arith.muli %arg0, %mul3A : i32
    %shift_right_arithmetic3A = arith.constant 4 : i32
    %shift_right_arithmetic3A_16 = vector.broadcast %shift_right_arithmetic3A : i32 to vector<4096x1xi32>
    %shift_right_arithmetic3A_17 = arith.shrsi %iota3A, %shift_right_arithmetic3A_16 : vector<4096x1xi32>
    %add3A_18 = vector.broadcast %mul3A_15 : i32 to vector<4096x1xi32>
    %add3A_19 = arith.addi %add3A_18, %shift_right_arithmetic3A_17 : vector<4096x1xi32>
    %lt3A = arith.constant 10000 : i32
    %lt3A_20 = vector.broadcast %lt3A : i32 to vector<4096x1xi32>
    %lt3A_21 = arith.cmpi slt, %add3A_19, %lt3A_20 : vector<4096x1xi32>
    %eq3A = arith.constant 0 : i32
    %eq3A_22 = arith.cmpi eq, %arg0, %eq3A : i32
    %convert_element_type3A = arith.extui %eq3A_22 : i1 to i32
    %cond3A = arith.constant 0 : i32
    %cond3A_23 = arith.cmpi ne, %convert_element_type3A, %cond3A : i32
    scf.if %cond3A_23 {
      %broadcast_in_dim3A_51 = arith.constant 0.000000e+00 : f32
      %broadcast_in_dim3A_52 = vector.broadcast %broadcast_in_dim3A_51 : f32 to vector<1x128xf32>
      %swap3A_53 = arith.constant 0 : index
      %swap3A_54 = arith.constant 0 : index
      %swap3A_55 = vector.load %arg5[%swap3A_53, %swap3A_54] : memref<1x128xf32, #tpu.memory_space<vmem>>, vector<1x128xf32>
      tpu.vector_store %arg5[%swap3A_53, %swap3A_54], %broadcast_in_dim3A_52 {strides = array<i32>} : memref<1x128xf32, #tpu.memory_space<vmem>>, vector<1x128xf32>,
      %broadcast_in_dim3A_56 = arith.constant 0.000000e+00 : f32
      %broadcast_in_dim3A_57 = vector.broadcast %broadcast_in_dim3A_56 : f32 to vector<1x128xf32>
      %swap3A_58 = arith.constant 0 : index
      %swap3A_59 = arith.constant 0 : index
      %swap3A_60 = vector.load %arg6[%swap3A_58, %swap3A_59] : memref<1x128xf32, #tpu.memory_space<vmem>>, vector<1x128xf32>
      tpu.vector_store %arg6[%swap3A_58, %swap3A_59], %broadcast_in_dim3A_57 {strides = array<i32>} : memref<1x128xf32, #tpu.memory_space<vmem>>, vector<1x128xf32>,
    } else {
    }
    %jit3A = arith.constant 0.000000e+00 : f32
    %broadcast_in_dim3A_24 = vector.shape_cast %lt3A_21 : vector<4096x1xi1> to vector<4096x1xi1>
    %broadcast_in_dim3A_25 = vector.broadcast %broadcast_in_dim3A_24 : vector<4096x1xi1> to vector<4096x128xi1>
    %broadcast_in_dim3A_26 = vector.broadcast %jit3A : f32 to vector<4096x128xf32>
    %select_n3A = arith.select %broadcast_in_dim3A_25, %add3A_14, %broadcast_in_dim3A_26 : vector<4096x128xi1>, vector<4096x128xf32>
    %get3A_27 = arith.constant 0 : index
    %get3A_28 = arith.constant 0 : index
    %get3A_29 = vector.load %arg5[%get3A_27, %get3A_28] : memref<1x128xf32, #tpu.memory_space<vmem>>, vector<1x128xf32>
    %reduce_sum3A = arith.constant dense<0.000000e+00> : vector<128xf32>
    %reduce_sum3A_30 = vector.multi_reduction <add>, %select_n3A, %reduce_sum3A [0] : vector<4096x128xf32> to vector<128xf32>
    %broadcast_in_dim3A_31 = vector.shape_cast %reduce_sum3A_30 : vector<128xf32> to vector<1x128xf32>
    %add3A_32 = arith.addf %get3A_29, %broadcast_in_dim3A_31 : vector<1x128xf32>
    %swap3A = arith.constant 0 : index
    %swap3A_33 = arith.constant 0 : index
    %swap3A_34 = vector.load %arg5[%swap3A, %swap3A_33] : memref<1x128xf32, #tpu.memory_space<vmem>>, vector<1x128xf32>
    tpu.vector_store %arg5[%swap3A, %swap3A_33], %add3A_32 {strides = array<i32>} : memref<1x128xf32, #tpu.memory_space<vmem>>, vector<1x128xf32>,
    %get3A_35 = arith.constant 0 : index
    %get3A_36 = arith.constant 0 : index
    %get3A_37 = vector.load %arg6[%get3A_35, %get3A_36] : memref<1x128xf32, #tpu.memory_space<vmem>>, vector<1x128xf32>
    %mul3A_38 = arith.mulf %add3A_14, %add3A_14 : vector<4096x128xf32>
    %jit3A_39 = arith.constant 0.000000e+00 : f32
    %broadcast_in_dim3A_40 = vector.shape_cast %lt3A_21 : vector<4096x1xi1> to vector<4096x1xi1>
    %broadcast_in_dim3A_41 = vector.broadcast %broadcast_in_dim3A_40 : vector<4096x1xi1> to vector<4096x128xi1>
    %broadcast_in_dim3A_42 = vector.broadcast %jit3A_39 : f32 to vector<4096x128xf32>
    %select_n3A_43 = arith.select %broadcast_in_dim3A_41, %mul3A_38, %broadcast_in_dim3A_42 : vector<4096x128xi1>, vector<4096x128xf32>
    %reduce_sum3A_44 = arith.constant dense<0.000000e+00> : vector<128xf32>
    %reduce_sum3A_45 = vector.multi_reduction <add>, %select_n3A_43, %reduce_sum3A_44 [0] : vector<4096x128xf32> to vector<128xf32>
    %broadcast_in_dim3A_46 = vector.shape_cast %reduce_sum3A_45 : vector<128xf32> to vector<1x128xf32>
    %add3A_47 = arith.addf %get3A_37, %broadcast_in_dim3A_46 : vector<1x128xf32>
    %swap3A_48 = arith.constant 0 : index
    %swap3A_49 = arith.constant 0 : index
    %swap3A_50 = vector.load %arg6[%swap3A_48, %swap3A_49] : memref<1x128xf32, #tpu.memory_space<vmem>>, vector<1x128xf32>
    tpu.vector_store %arg6[%swap3A_48, %swap3A_49], %add3A_47 {strides = array<i32>} : memref<1x128xf32, #tpu.memory_space<vmem>>, vector<1x128xf32>,
    return
  }
  func.func @transform_0(%arg0: i32) -> (i32, i32) {
    %c0_i32 = arith.constant 0 : i32
    %c0_i32_0 = arith.constant 0 : i32
    return %arg0, %c0_i32 : i32, i32
  }
  func.func @transform_1(%arg0: i32) -> (i32, i32) {
    %c0_i32 = arith.constant 0 : i32
    %c0_i32_0 = arith.constant 0 : i32
    return %arg0, %c0_i32 : i32, i32
  }
  func.func @transform_2(%arg0: i32) -> (i32, i32) {
    %c0_i32 = arith.constant 0 : i32
    %c0_i32_0 = arith.constant 0 : i32
    %c0_i32_1 = arith.constant 0 : i32
    return %c0_i32, %c0_i32_0 : i32, i32
  }
  func.func @transform_3(%arg0: i32) -> (i32, i32) {
    %c0_i32 = arith.constant 0 : i32
    %c0_i32_0 = arith.constant 0 : i32
    %c0_i32_1 = arith.constant 0 : i32
    return %c0_i32, %c0_i32_0 : i32, i32
  }
  func.func @transform_4(%arg0: i32) -> (i32, i32) {
    %c0_i32 = arith.constant 0 : i32
    %c0_i32_0 = arith.constant 0 : i32
    %c0_i32_1 = arith.constant 0 : i32
    return %c0_i32, %c0_i32_0 : i32, i32
  }
  func.func @transform_5(%arg0: i32) -> (i32, i32) {
    %c0_i32 = arith.constant 0 : i32
    %c0_i32_0 = arith.constant 0 : i32
    %c0_i32_1 = arith.constant 0 : i32
    return %c0_i32, %c0_i32_0 : i32, i32
  }
}

module attributes {stable_mosaic.version = 14 : i64} {
  func.func @_e2_body(%arg0: i32, %arg1: memref<4096x128xf32, #tpu.memory_space<vmem>>, %arg2: memref<256x128xf32, #tpu.memory_space<vmem>>, %arg3: memref<128x128xf32, #tpu.memory_space<vmem>>, %arg4: memref<1x128xf32, #tpu.memory_space<vmem>>, %arg5: memref<1x128xf32, #tpu.memory_space<vmem>>, %arg6: memref<1x128xf32, #tpu.memory_space<vmem>>, %arg7: memref<128x128xf32, #tpu.memory_space<vmem>>, %arg8: memref<1x128xf32, #tpu.memory_space<vmem>>, %arg9: memref<1x128xf32, #tpu.memory_space<vmem>>, %arg10: memref<1x128xf32, #tpu.memory_space<vmem>>) attributes {dimension_semantics = [#tpu.dimension_semantics<arbitrary>], iteration_bounds = array<i64: 40>, scalar_prefetch = 0 : i64, scratch_operands = 0 : i64, tpu.core_type = #tpu.core_type<tc>, window_params = [{transform_indices = @transform_0, window_bounds = array<i64: 4096, 128>}, {transform_indices = @transform_1, window_bounds = array<i64: 256, 128>}, {pipeline_mode = #tpu.pipeline_mode<synchronous>, transform_indices = @transform_2, window_bounds = array<i64: 128, 128>}, {pipeline_mode = #tpu.pipeline_mode<synchronous>, transform_indices = @transform_3, window_bounds = array<i64: 1, 128>}, {pipeline_mode = #tpu.pipeline_mode<synchronous>, transform_indices = @transform_4, window_bounds = array<i64: 1, 128>}, {pipeline_mode = #tpu.pipeline_mode<synchronous>, transform_indices = @transform_5, window_bounds = array<i64: 1, 128>}, {pipeline_mode = #tpu.pipeline_mode<synchronous>, transform_indices = @transform_6, window_bounds = array<i64: 128, 128>}, {pipeline_mode = #tpu.pipeline_mode<synchronous>, transform_indices = @transform_7, window_bounds = array<i64: 1, 128>}, {pipeline_mode = #tpu.pipeline_mode<synchronous>, transform_indices = @transform_8, window_bounds = array<i64: 1, 128>}, {pipeline_mode = #tpu.pipeline_mode<synchronous>, transform_indices = @transform_9, window_bounds = array<i64: 1, 128>}]} {
    %get3A = arith.constant 0 : index
    %get3A_0 = arith.constant 0 : index
    %get3A_1 = vector.load %arg1[%get3A, %get3A_0] : memref<4096x128xf32, #tpu.memory_space<vmem>>, vector<4096x128xf32>
    %get3A_2 = arith.constant 0 : index
    %get3A_3 = arith.constant 0 : index
    %get3A_4 = vector.load %arg2[%get3A_2, %get3A_3] : memref<256x128xf32, #tpu.memory_space<vmem>>, vector<256x128xf32>
    %get3A_5 = arith.constant 0 : index
    %get3A_6 = arith.constant 0 : index
    %get3A_7 = vector.load %arg3[%get3A_5, %get3A_6] : memref<128x128xf32, #tpu.memory_space<vmem>>, vector<128x128xf32>
    %get3A_8 = arith.constant 0 : index
    %get3A_9 = arith.constant 0 : index
    %get3A_10 = vector.load %arg4[%get3A_8, %get3A_9] : memref<1x128xf32, #tpu.memory_space<vmem>>, vector<1x128xf32>
    %broadcast_in_dim3A = vector.shape_cast %get3A_4 : vector<256x128xf32> to vector<256x1x128xf32>
    %broadcast_in_dim3A_11 = vector.shape_cast %broadcast_in_dim3A : vector<256x1x128xf32> to vector<256x1x128xf32>
    %broadcast_in_dim3A_12 = vector.broadcast %broadcast_in_dim3A_11 : vector<256x1x128xf32> to vector<256x16x128xf32>
    %reshape3A = vector.shape_cast %broadcast_in_dim3A_12 : vector<256x16x128xf32> to vector<4096x128xf32>
    %sub3A = arith.subf %reshape3A, %get3A_1 : vector<4096x128xf32>
    %dot_general3A = arith.constant dense<0.000000e+00> : vector<4096x128xf32>
    %dot_general3A_13 = tpu.matmul %sub3A, %get3A_7, %dot_general3A {dimension_numbers = #tpu.dot_dimension_numbers<[1], [0], [0], [1], [0, 0, 1, 1], [], []>, transpose_lhs_hint = false} : vector<4096x128xf32>, vector<128x128xf32>, vector<4096x128xf32> -> vector<4096x128xf32>
    %add3A = vector.broadcast %get3A_10 : vector<1x128xf32> to vector<4096x128xf32>
    %add3A_14 = arith.addf %dot_general3A_13, %add3A : vector<4096x128xf32>
    %get3A_15 = arith.constant 0 : index
    %get3A_16 = arith.constant 0 : index
    %get3A_17 = vector.load %arg5[%get3A_15, %get3A_16] : memref<1x128xf32, #tpu.memory_space<vmem>>, vector<1x128xf32>
    %get3A_18 = arith.constant 0 : index
    %get3A_19 = arith.constant 0 : index
    %get3A_20 = vector.load %arg6[%get3A_18, %get3A_19] : memref<1x128xf32, #tpu.memory_space<vmem>>, vector<1x128xf32>
    %get3A_21 = arith.constant 0 : index
    %get3A_22 = arith.constant 0 : index
    %get3A_23 = vector.load %arg7[%get3A_21, %get3A_22] : memref<128x128xf32, #tpu.memory_space<vmem>>, vector<128x128xf32>
    %get3A_24 = arith.constant 0 : index
    %get3A_25 = arith.constant 0 : index
    %get3A_26 = vector.load %arg8[%get3A_24, %get3A_25] : memref<1x128xf32, #tpu.memory_space<vmem>>, vector<1x128xf32>
    %mul3A = vector.broadcast %get3A_17 : vector<1x128xf32> to vector<4096x128xf32>
    %mul3A_27 = arith.mulf %add3A_14, %mul3A : vector<4096x128xf32>
    %add3A_28 = vector.broadcast %get3A_20 : vector<1x128xf32> to vector<4096x128xf32>
    %add3A_29 = arith.addf %mul3A_27, %add3A_28 : vector<4096x128xf32>
    %max3A = arith.constant 0.000000e+00 : f32
    %max3A_30 = vector.broadcast %max3A : f32 to vector<4096x128xf32>
    %max3A_31 = arith.maximumf %add3A_29, %max3A_30 : vector<4096x128xf32>
    %dot_general3A_32 = arith.constant dense<0.000000e+00> : vector<4096x128xf32>
    %dot_general3A_33 = tpu.matmul %max3A_31, %get3A_23, %dot_general3A_32 {dimension_numbers = #tpu.dot_dimension_numbers<[1], [0], [0], [1], [0, 0, 1, 1], [], []>, transpose_lhs_hint = false} : vector<4096x128xf32>, vector<128x128xf32>, vector<4096x128xf32> -> vector<4096x128xf32>
    %add3A_34 = vector.broadcast %get3A_26 : vector<1x128xf32> to vector<4096x128xf32>
    %add3A_35 = arith.addf %dot_general3A_33, %add3A_34 : vector<4096x128xf32>
    %iota3A = tpu.iota {dimensions = array<i32: 0>} : vector<4096x1xi32>
    %mul3A_36 = arith.constant 256 : i32
    %mul3A_37 = arith.muli %arg0, %mul3A_36 : i32
    %shift_right_arithmetic3A = arith.constant 4 : i32
    %shift_right_arithmetic3A_38 = vector.broadcast %shift_right_arithmetic3A : i32 to vector<4096x1xi32>
    %shift_right_arithmetic3A_39 = arith.shrsi %iota3A, %shift_right_arithmetic3A_38 : vector<4096x1xi32>
    %add3A_40 = vector.broadcast %mul3A_37 : i32 to vector<4096x1xi32>
    %add3A_41 = arith.addi %add3A_40, %shift_right_arithmetic3A_39 : vector<4096x1xi32>
    %lt3A = arith.constant 10000 : i32
    %lt3A_42 = vector.broadcast %lt3A : i32 to vector<4096x1xi32>
    %lt3A_43 = arith.cmpi slt, %add3A_41, %lt3A_42 : vector<4096x1xi32>
    %eq3A = arith.constant 0 : i32
    %eq3A_44 = arith.cmpi eq, %arg0, %eq3A : i32
    %convert_element_type3A = arith.extui %eq3A_44 : i1 to i32
    %cond3A = arith.constant 0 : i32
    %cond3A_45 = arith.cmpi ne, %convert_element_type3A, %cond3A : i32
    scf.if %cond3A_45 {
      %broadcast_in_dim3A_73 = arith.constant 0.000000e+00 : f32
      %broadcast_in_dim3A_74 = vector.broadcast %broadcast_in_dim3A_73 : f32 to vector<1x128xf32>
      %swap3A_75 = arith.constant 0 : index
      %swap3A_76 = arith.constant 0 : index
      %swap3A_77 = vector.load %arg9[%swap3A_75, %swap3A_76] : memref<1x128xf32, #tpu.memory_space<vmem>>, vector<1x128xf32>
      tpu.vector_store %arg9[%swap3A_75, %swap3A_76], %broadcast_in_dim3A_74 {strides = array<i32>} : memref<1x128xf32, #tpu.memory_space<vmem>>, vector<1x128xf32>,
      %broadcast_in_dim3A_78 = arith.constant 0.000000e+00 : f32
      %broadcast_in_dim3A_79 = vector.broadcast %broadcast_in_dim3A_78 : f32 to vector<1x128xf32>
      %swap3A_80 = arith.constant 0 : index
      %swap3A_81 = arith.constant 0 : index
      %swap3A_82 = vector.load %arg10[%swap3A_80, %swap3A_81] : memref<1x128xf32, #tpu.memory_space<vmem>>, vector<1x128xf32>
      tpu.vector_store %arg10[%swap3A_80, %swap3A_81], %broadcast_in_dim3A_79 {strides = array<i32>} : memref<1x128xf32, #tpu.memory_space<vmem>>, vector<1x128xf32>,
    } else {
    }
    %jit3A = arith.constant 0.000000e+00 : f32
    %broadcast_in_dim3A_46 = vector.shape_cast %lt3A_43 : vector<4096x1xi1> to vector<4096x1xi1>
    %broadcast_in_dim3A_47 = vector.broadcast %broadcast_in_dim3A_46 : vector<4096x1xi1> to vector<4096x128xi1>
    %broadcast_in_dim3A_48 = vector.broadcast %jit3A : f32 to vector<4096x128xf32>
    %select_n3A = arith.select %broadcast_in_dim3A_47, %add3A_35, %broadcast_in_dim3A_48 : vector<4096x128xi1>, vector<4096x128xf32>
    %get3A_49 = arith.constant 0 : index
    %get3A_50 = arith.constant 0 : index
    %get3A_51 = vector.load %arg9[%get3A_49, %get3A_50] : memref<1x128xf32, #tpu.memory_space<vmem>>, vector<1x128xf32>
    %reduce_sum3A = arith.constant dense<0.000000e+00> : vector<128xf32>
    %reduce_sum3A_52 = vector.multi_reduction <add>, %select_n3A, %reduce_sum3A [0] : vector<4096x128xf32> to vector<128xf32>
    %broadcast_in_dim3A_53 = vector.shape_cast %reduce_sum3A_52 : vector<128xf32> to vector<1x128xf32>
    %add3A_54 = arith.addf %get3A_51, %broadcast_in_dim3A_53 : vector<1x128xf32>
    %swap3A = arith.constant 0 : index
    %swap3A_55 = arith.constant 0 : index
    %swap3A_56 = vector.load %arg9[%swap3A, %swap3A_55] : memref<1x128xf32, #tpu.memory_space<vmem>>, vector<1x128xf32>
    tpu.vector_store %arg9[%swap3A, %swap3A_55], %add3A_54 {strides = array<i32>} : memref<1x128xf32, #tpu.memory_space<vmem>>, vector<1x128xf32>,
    %get3A_57 = arith.constant 0 : index
    %get3A_58 = arith.constant 0 : index
    %get3A_59 = vector.load %arg10[%get3A_57, %get3A_58] : memref<1x128xf32, #tpu.memory_space<vmem>>, vector<1x128xf32>
    %mul3A_60 = arith.mulf %add3A_35, %add3A_35 : vector<4096x128xf32>
    %jit3A_61 = arith.constant 0.000000e+00 : f32
    %broadcast_in_dim3A_62 = vector.shape_cast %lt3A_43 : vector<4096x1xi1> to vector<4096x1xi1>
    %broadcast_in_dim3A_63 = vector.broadcast %broadcast_in_dim3A_62 : vector<4096x1xi1> to vector<4096x128xi1>
    %broadcast_in_dim3A_64 = vector.broadcast %jit3A_61 : f32 to vector<4096x128xf32>
    %select_n3A_65 = arith.select %broadcast_in_dim3A_63, %mul3A_60, %broadcast_in_dim3A_64 : vector<4096x128xi1>, vector<4096x128xf32>
    %reduce_sum3A_66 = arith.constant dense<0.000000e+00> : vector<128xf32>
    %reduce_sum3A_67 = vector.multi_reduction <add>, %select_n3A_65, %reduce_sum3A_66 [0] : vector<4096x128xf32> to vector<128xf32>
    %broadcast_in_dim3A_68 = vector.shape_cast %reduce_sum3A_67 : vector<128xf32> to vector<1x128xf32>
    %add3A_69 = arith.addf %get3A_59, %broadcast_in_dim3A_68 : vector<1x128xf32>
    %swap3A_70 = arith.constant 0 : index
    %swap3A_71 = arith.constant 0 : index
    %swap3A_72 = vector.load %arg10[%swap3A_70, %swap3A_71] : memref<1x128xf32, #tpu.memory_space<vmem>>, vector<1x128xf32>
    tpu.vector_store %arg10[%swap3A_70, %swap3A_71], %add3A_69 {strides = array<i32>} : memref<1x128xf32, #tpu.memory_space<vmem>>, vector<1x128xf32>,
    return
  }
  func.func @transform_0(%arg0: i32) -> (i32, i32) {
    %c0_i32 = arith.constant 0 : i32
    %c0_i32_0 = arith.constant 0 : i32
    return %arg0, %c0_i32 : i32, i32
  }
  func.func @transform_1(%arg0: i32) -> (i32, i32) {
    %c0_i32 = arith.constant 0 : i32
    %c0_i32_0 = arith.constant 0 : i32
    return %arg0, %c0_i32 : i32, i32
  }
  func.func @transform_2(%arg0: i32) -> (i32, i32) {
    %c0_i32 = arith.constant 0 : i32
    %c0_i32_0 = arith.constant 0 : i32
    %c0_i32_1 = arith.constant 0 : i32
    return %c0_i32, %c0_i32_0 : i32, i32
  }
  func.func @transform_3(%arg0: i32) -> (i32, i32) {
    %c0_i32 = arith.constant 0 : i32
    %c0_i32_0 = arith.constant 0 : i32
    %c0_i32_1 = arith.constant 0 : i32
    return %c0_i32, %c0_i32_0 : i32, i32
  }
  func.func @transform_4(%arg0: i32) -> (i32, i32) {
    %c0_i32 = arith.constant 0 : i32
    %c0_i32_0 = arith.constant 0 : i32
    %c0_i32_1 = arith.constant 0 : i32
    return %c0_i32, %c0_i32_0 : i32, i32
  }
  func.func @transform_5(%arg0: i32) -> (i32, i32) {
    %c0_i32 = arith.constant 0 : i32
    %c0_i32_0 = arith.constant 0 : i32
    %c0_i32_1 = arith.constant 0 : i32
    return %c0_i32, %c0_i32_0 : i32, i32
  }
  func.func @transform_6(%arg0: i32) -> (i32, i32) {
    %c0_i32 = arith.constant 0 : i32
    %c0_i32_0 = arith.constant 0 : i32
    %c0_i32_1 = arith.constant 0 : i32
    return %c0_i32, %c0_i32_0 : i32, i32
  }
  func.func @transform_7(%arg0: i32) -> (i32, i32) {
    %c0_i32 = arith.constant 0 : i32
    %c0_i32_0 = arith.constant 0 : i32
    %c0_i32_1 = arith.constant 0 : i32
    return %c0_i32, %c0_i32_0 : i32, i32
  }
  func.func @transform_8(%arg0: i32) -> (i32, i32) {
    %c0_i32 = arith.constant 0 : i32
    %c0_i32_0 = arith.constant 0 : i32
    %c0_i32_1 = arith.constant 0 : i32
    return %c0_i32, %c0_i32_0 : i32, i32
  }
  func.func @transform_9(%arg0: i32) -> (i32, i32) {
    %c0_i32 = arith.constant 0 : i32
    %c0_i32_0 = arith.constant 0 : i32
    %c0_i32_1 = arith.constant 0 : i32
    return %c0_i32, %c0_i32_0 : i32, i32
  }
}

module attributes {stable_mosaic.version = 14 : i64} {
  func.func @_e3_body(%arg0: i32, %arg1: memref<4096x128xf32, #tpu.memory_space<vmem>>, %arg2: memref<256x128xf32, #tpu.memory_space<vmem>>, %arg3: memref<4096x128xf32, #tpu.memory_space<vmem>>, %arg4: memref<256x128xf32, #tpu.memory_space<vmem>>, %arg5: memref<128x128xf32, #tpu.memory_space<vmem>>, %arg6: memref<1x128xf32, #tpu.memory_space<vmem>>, %arg7: memref<1x128xf32, #tpu.memory_space<vmem>>, %arg8: memref<1x128xf32, #tpu.memory_space<vmem>>, %arg9: memref<128x128xf32, #tpu.memory_space<vmem>>, %arg10: memref<1x128xf32, #tpu.memory_space<vmem>>, %arg11: memref<1x128xf32, #tpu.memory_space<vmem>>, %arg12: memref<1x128xf32, #tpu.memory_space<vmem>>, %arg13: memref<128x128xf32, #tpu.memory_space<vmem>>, %arg14: memref<1x128xf32, #tpu.memory_space<vmem>>, %arg15: memref<1x128xf32, #tpu.memory_space<vmem>>, %arg16: memref<1x128xf32, #tpu.memory_space<vmem>>) attributes {dimension_semantics = [#tpu.dimension_semantics<arbitrary>], iteration_bounds = array<i64: 40>, scalar_prefetch = 0 : i64, scratch_operands = 0 : i64, tpu.core_type = #tpu.core_type<tc>, window_params = [{transform_indices = @transform_0, window_bounds = array<i64: 4096, 128>}, {transform_indices = @transform_1, window_bounds = array<i64: 256, 128>}, {transform_indices = @transform_2, window_bounds = array<i64: 4096, 128>}, {transform_indices = @transform_3, window_bounds = array<i64: 256, 128>}, {pipeline_mode = #tpu.pipeline_mode<synchronous>, transform_indices = @transform_4, window_bounds = array<i64: 128, 128>}, {pipeline_mode = #tpu.pipeline_mode<synchronous>, transform_indices = @transform_5, window_bounds = array<i64: 1, 128>}, {pipeline_mode = #tpu.pipeline_mode<synchronous>, transform_indices = @transform_6, window_bounds = array<i64: 1, 128>}, {pipeline_mode = #tpu.pipeline_mode<synchronous>, transform_indices = @transform_7, window_bounds = array<i64: 1, 128>}, {pipeline_mode = #tpu.pipeline_mode<synchronous>, transform_indices = @transform_8, window_bounds = array<i64: 128, 128>}, {pipeline_mode = #tpu.pipeline_mode<synchronous>, transform_indices = @transform_9, window_bounds = array<i64: 1, 128>}, {pipeline_mode = #tpu.pipeline_mode<synchronous>, transform_indices = @transform_10, window_bounds = array<i64: 1, 128>}, {pipeline_mode = #tpu.pipeline_mode<synchronous>, transform_indices = @transform_11, window_bounds = array<i64: 1, 128>}, {pipeline_mode = #tpu.pipeline_mode<synchronous>, transform_indices = @transform_12, window_bounds = array<i64: 128, 128>}, {pipeline_mode = #tpu.pipeline_mode<synchronous>, transform_indices = @transform_13, window_bounds = array<i64: 1, 128>}, {pipeline_mode = #tpu.pipeline_mode<synchronous>, transform_indices = @transform_14, window_bounds = array<i64: 1, 128>}, {pipeline_mode = #tpu.pipeline_mode<synchronous>, transform_indices = @transform_15, window_bounds = array<i64: 1, 128>}]} {
    %get3A = arith.constant 0 : index
    %get3A_0 = arith.constant 0 : index
    %get3A_1 = vector.load %arg1[%get3A, %get3A_0] : memref<4096x128xf32, #tpu.memory_space<vmem>>, vector<4096x128xf32>
    %get3A_2 = arith.constant 0 : index
    %get3A_3 = arith.constant 0 : index
    %get3A_4 = vector.load %arg2[%get3A_2, %get3A_3] : memref<256x128xf32, #tpu.memory_space<vmem>>, vector<256x128xf32>
    %get3A_5 = arith.constant 0 : index
    %get3A_6 = arith.constant 0 : index
    %get3A_7 = vector.load %arg5[%get3A_5, %get3A_6] : memref<128x128xf32, #tpu.memory_space<vmem>>, vector<128x128xf32>
    %get3A_8 = arith.constant 0 : index
    %get3A_9 = arith.constant 0 : index
    %get3A_10 = vector.load %arg6[%get3A_8, %get3A_9] : memref<1x128xf32, #tpu.memory_space<vmem>>, vector<1x128xf32>
    %broadcast_in_dim3A = vector.shape_cast %get3A_4 : vector<256x128xf32> to vector<256x1x128xf32>
    %broadcast_in_dim3A_11 = vector.shape_cast %broadcast_in_dim3A : vector<256x1x128xf32> to vector<256x1x128xf32>
    %broadcast_in_dim3A_12 = vector.broadcast %broadcast_in_dim3A_11 : vector<256x1x128xf32> to vector<256x16x128xf32>
    %reshape3A = vector.shape_cast %broadcast_in_dim3A_12 : vector<256x16x128xf32> to vector<4096x128xf32>
    %sub3A = arith.subf %reshape3A, %get3A_1 : vector<4096x128xf32>
    %dot_general3A = arith.constant dense<0.000000e+00> : vector<4096x128xf32>
    %dot_general3A_13 = tpu.matmul %sub3A, %get3A_7, %dot_general3A {dimension_numbers = #tpu.dot_dimension_numbers<[1], [0], [0], [1], [0, 0, 1, 1], [], []>, transpose_lhs_hint = false} : vector<4096x128xf32>, vector<128x128xf32>, vector<4096x128xf32> -> vector<4096x128xf32>
    %add3A = vector.broadcast %get3A_10 : vector<1x128xf32> to vector<4096x128xf32>
    %add3A_14 = arith.addf %dot_general3A_13, %add3A : vector<4096x128xf32>
    %get3A_15 = arith.constant 0 : index
    %get3A_16 = arith.constant 0 : index
    %get3A_17 = vector.load %arg7[%get3A_15, %get3A_16] : memref<1x128xf32, #tpu.memory_space<vmem>>, vector<1x128xf32>
    %get3A_18 = arith.constant 0 : index
    %get3A_19 = arith.constant 0 : index
    %get3A_20 = vector.load %arg8[%get3A_18, %get3A_19] : memref<1x128xf32, #tpu.memory_space<vmem>>, vector<1x128xf32>
    %get3A_21 = arith.constant 0 : index
    %get3A_22 = arith.constant 0 : index
    %get3A_23 = vector.load %arg9[%get3A_21, %get3A_22] : memref<128x128xf32, #tpu.memory_space<vmem>>, vector<128x128xf32>
    %get3A_24 = arith.constant 0 : index
    %get3A_25 = arith.constant 0 : index
    %get3A_26 = vector.load %arg10[%get3A_24, %get3A_25] : memref<1x128xf32, #tpu.memory_space<vmem>>, vector<1x128xf32>
    %mul3A = vector.broadcast %get3A_17 : vector<1x128xf32> to vector<4096x128xf32>
    %mul3A_27 = arith.mulf %add3A_14, %mul3A : vector<4096x128xf32>
    %add3A_28 = vector.broadcast %get3A_20 : vector<1x128xf32> to vector<4096x128xf32>
    %add3A_29 = arith.addf %mul3A_27, %add3A_28 : vector<4096x128xf32>
    %max3A = arith.constant 0.000000e+00 : f32
    %max3A_30 = vector.broadcast %max3A : f32 to vector<4096x128xf32>
    %max3A_31 = arith.maximumf %add3A_29, %max3A_30 : vector<4096x128xf32>
    %dot_general3A_32 = arith.constant dense<0.000000e+00> : vector<4096x128xf32>
    %dot_general3A_33 = tpu.matmul %max3A_31, %get3A_23, %dot_general3A_32 {dimension_numbers = #tpu.dot_dimension_numbers<[1], [0], [0], [1], [0, 0, 1, 1], [], []>, transpose_lhs_hint = false} : vector<4096x128xf32>, vector<128x128xf32>, vector<4096x128xf32> -> vector<4096x128xf32>
    %add3A_34 = vector.broadcast %get3A_26 : vector<1x128xf32> to vector<4096x128xf32>
    %add3A_35 = arith.addf %dot_general3A_33, %add3A_34 : vector<4096x128xf32>
    %get3A_36 = arith.constant 0 : index
    %get3A_37 = arith.constant 0 : index
    %get3A_38 = vector.load %arg11[%get3A_36, %get3A_37] : memref<1x128xf32, #tpu.memory_space<vmem>>, vector<1x128xf32>
    %get3A_39 = arith.constant 0 : index
    %get3A_40 = arith.constant 0 : index
    %get3A_41 = vector.load %arg12[%get3A_39, %get3A_40] : memref<1x128xf32, #tpu.memory_space<vmem>>, vector<1x128xf32>
    %get3A_42 = arith.constant 0 : index
    %get3A_43 = arith.constant 0 : index
    %get3A_44 = vector.load %arg3[%get3A_42, %get3A_43] : memref<4096x128xf32, #tpu.memory_space<vmem>>, vector<4096x128xf32>
    %get3A_45 = arith.constant 0 : index
    %get3A_46 = arith.constant 0 : index
    %get3A_47 = vector.load %arg4[%get3A_45, %get3A_46] : memref<256x128xf32, #tpu.memory_space<vmem>>, vector<256x128xf32>
    %get3A_48 = arith.constant 0 : index
    %get3A_49 = arith.constant 0 : index
    %get3A_50 = vector.load %arg13[%get3A_48, %get3A_49] : memref<128x128xf32, #tpu.memory_space<vmem>>, vector<128x128xf32>
    %get3A_51 = arith.constant 0 : index
    %get3A_52 = arith.constant 0 : index
    %get3A_53 = vector.load %arg14[%get3A_51, %get3A_52] : memref<1x128xf32, #tpu.memory_space<vmem>>, vector<1x128xf32>
    %mul3A_54 = vector.broadcast %get3A_38 : vector<1x128xf32> to vector<4096x128xf32>
    %mul3A_55 = arith.mulf %add3A_35, %mul3A_54 : vector<4096x128xf32>
    %add3A_56 = vector.broadcast %get3A_41 : vector<1x128xf32> to vector<4096x128xf32>
    %add3A_57 = arith.addf %mul3A_55, %add3A_56 : vector<4096x128xf32>
    %max3A_58 = arith.constant 0.000000e+00 : f32
    %max3A_59 = vector.broadcast %max3A_58 : f32 to vector<4096x128xf32>
    %max3A_60 = arith.maximumf %add3A_57, %max3A_59 : vector<4096x128xf32>
    %broadcast_in_dim3A_61 = vector.shape_cast %get3A_47 : vector<256x128xf32> to vector<256x1x128xf32>
    %broadcast_in_dim3A_62 = vector.shape_cast %broadcast_in_dim3A_61 : vector<256x1x128xf32> to vector<256x1x128xf32>
    %broadcast_in_dim3A_63 = vector.broadcast %broadcast_in_dim3A_62 : vector<256x1x128xf32> to vector<256x16x128xf32>
    %reshape3A_64 = vector.shape_cast %broadcast_in_dim3A_63 : vector<256x16x128xf32> to vector<4096x128xf32>
    %sub3A_65 = arith.subf %reshape3A_64, %get3A_44 : vector<4096x128xf32>
    %add3A_66 = arith.addf %sub3A_65, %max3A_60 : vector<4096x128xf32>
    %dot_general3A_67 = arith.constant dense<0.000000e+00> : vector<4096x128xf32>
    %dot_general3A_68 = tpu.matmul %add3A_66, %get3A_50, %dot_general3A_67 {dimension_numbers = #tpu.dot_dimension_numbers<[1], [0], [0], [1], [0, 0, 1, 1], [], []>, transpose_lhs_hint = false} : vector<4096x128xf32>, vector<128x128xf32>, vector<4096x128xf32> -> vector<4096x128xf32>
    %add3A_69 = vector.broadcast %get3A_53 : vector<1x128xf32> to vector<4096x128xf32>
    %add3A_70 = arith.addf %dot_general3A_68, %add3A_69 : vector<4096x128xf32>
    %iota3A = tpu.iota {dimensions = array<i32: 0>} : vector<4096x1xi32>
    %mul3A_71 = arith.constant 256 : i32
    %mul3A_72 = arith.muli %arg0, %mul3A_71 : i32
    %shift_right_arithmetic3A = arith.constant 4 : i32
    %shift_right_arithmetic3A_73 = vector.broadcast %shift_right_arithmetic3A : i32 to vector<4096x1xi32>
    %shift_right_arithmetic3A_74 = arith.shrsi %iota3A, %shift_right_arithmetic3A_73 : vector<4096x1xi32>
    %add3A_75 = vector.broadcast %mul3A_72 : i32 to vector<4096x1xi32>
    %add3A_76 = arith.addi %add3A_75, %shift_right_arithmetic3A_74 : vector<4096x1xi32>
    %lt3A = arith.constant 10000 : i32
    %lt3A_77 = vector.broadcast %lt3A : i32 to vector<4096x1xi32>
    %lt3A_78 = arith.cmpi slt, %add3A_76, %lt3A_77 : vector<4096x1xi32>
    %eq3A = arith.constant 0 : i32
    %eq3A_79 = arith.cmpi eq, %arg0, %eq3A : i32
    %convert_element_type3A = arith.extui %eq3A_79 : i1 to i32
    %cond3A = arith.constant 0 : i32
    %cond3A_80 = arith.cmpi ne, %convert_element_type3A, %cond3A : i32
    scf.if %cond3A_80 {
      %broadcast_in_dim3A_108 = arith.constant 0.000000e+00 : f32
      %broadcast_in_dim3A_109 = vector.broadcast %broadcast_in_dim3A_108 : f32 to vector<1x128xf32>
      %swap3A_110 = arith.constant 0 : index
      %swap3A_111 = arith.constant 0 : index
      %swap3A_112 = vector.load %arg15[%swap3A_110, %swap3A_111] : memref<1x128xf32, #tpu.memory_space<vmem>>, vector<1x128xf32>
      tpu.vector_store %arg15[%swap3A_110, %swap3A_111], %broadcast_in_dim3A_109 {strides = array<i32>} : memref<1x128xf32, #tpu.memory_space<vmem>>, vector<1x128xf32>,
      %broadcast_in_dim3A_113 = arith.constant 0.000000e+00 : f32
      %broadcast_in_dim3A_114 = vector.broadcast %broadcast_in_dim3A_113 : f32 to vector<1x128xf32>
      %swap3A_115 = arith.constant 0 : index
      %swap3A_116 = arith.constant 0 : index
      %swap3A_117 = vector.load %arg16[%swap3A_115, %swap3A_116] : memref<1x128xf32, #tpu.memory_space<vmem>>, vector<1x128xf32>
      tpu.vector_store %arg16[%swap3A_115, %swap3A_116], %broadcast_in_dim3A_114 {strides = array<i32>} : memref<1x128xf32, #tpu.memory_space<vmem>>, vector<1x128xf32>,
    } else {
    }
    %jit3A = arith.constant 0.000000e+00 : f32
    %broadcast_in_dim3A_81 = vector.shape_cast %lt3A_78 : vector<4096x1xi1> to vector<4096x1xi1>
    %broadcast_in_dim3A_82 = vector.broadcast %broadcast_in_dim3A_81 : vector<4096x1xi1> to vector<4096x128xi1>
    %broadcast_in_dim3A_83 = vector.broadcast %jit3A : f32 to vector<4096x128xf32>
    %select_n3A = arith.select %broadcast_in_dim3A_82, %add3A_70, %broadcast_in_dim3A_83 : vector<4096x128xi1>, vector<4096x128xf32>
    %get3A_84 = arith.constant 0 : index
    %get3A_85 = arith.constant 0 : index
    %get3A_86 = vector.load %arg15[%get3A_84, %get3A_85] : memref<1x128xf32, #tpu.memory_space<vmem>>, vector<1x128xf32>
    %reduce_sum3A = arith.constant dense<0.000000e+00> : vector<128xf32>
    %reduce_sum3A_87 = vector.multi_reduction <add>, %select_n3A, %reduce_sum3A [0] : vector<4096x128xf32> to vector<128xf32>
    %broadcast_in_dim3A_88 = vector.shape_cast %reduce_sum3A_87 : vector<128xf32> to vector<1x128xf32>
    %add3A_89 = arith.addf %get3A_86, %broadcast_in_dim3A_88 : vector<1x128xf32>
    %swap3A = arith.constant 0 : index
    %swap3A_90 = arith.constant 0 : index
    %swap3A_91 = vector.load %arg15[%swap3A, %swap3A_90] : memref<1x128xf32, #tpu.memory_space<vmem>>, vector<1x128xf32>
    tpu.vector_store %arg15[%swap3A, %swap3A_90], %add3A_89 {strides = array<i32>} : memref<1x128xf32, #tpu.memory_space<vmem>>, vector<1x128xf32>,
    %get3A_92 = arith.constant 0 : index
    %get3A_93 = arith.constant 0 : index
    %get3A_94 = vector.load %arg16[%get3A_92, %get3A_93] : memref<1x128xf32, #tpu.memory_space<vmem>>, vector<1x128xf32>
    %mul3A_95 = arith.mulf %add3A_70, %add3A_70 : vector<4096x128xf32>
    %jit3A_96 = arith.constant 0.000000e+00 : f32
    %broadcast_in_dim3A_97 = vector.shape_cast %lt3A_78 : vector<4096x1xi1> to vector<4096x1xi1>
    %broadcast_in_dim3A_98 = vector.broadcast %broadcast_in_dim3A_97 : vector<4096x1xi1> to vector<4096x128xi1>
    %broadcast_in_dim3A_99 = vector.broadcast %jit3A_96 : f32 to vector<4096x128xf32>
    %select_n3A_100 = arith.select %broadcast_in_dim3A_98, %mul3A_95, %broadcast_in_dim3A_99 : vector<4096x128xi1>, vector<4096x128xf32>
    %reduce_sum3A_101 = arith.constant dense<0.000000e+00> : vector<128xf32>
    %reduce_sum3A_102 = vector.multi_reduction <add>, %select_n3A_100, %reduce_sum3A_101 [0] : vector<4096x128xf32> to vector<128xf32>
    %broadcast_in_dim3A_103 = vector.shape_cast %reduce_sum3A_102 : vector<128xf32> to vector<1x128xf32>
    %add3A_104 = arith.addf %get3A_94, %broadcast_in_dim3A_103 : vector<1x128xf32>
    %swap3A_105 = arith.constant 0 : index
    %swap3A_106 = arith.constant 0 : index
    %swap3A_107 = vector.load %arg16[%swap3A_105, %swap3A_106] : memref<1x128xf32, #tpu.memory_space<vmem>>, vector<1x128xf32>
    tpu.vector_store %arg16[%swap3A_105, %swap3A_106], %add3A_104 {strides = array<i32>} : memref<1x128xf32, #tpu.memory_space<vmem>>, vector<1x128xf32>,
    return
  }
  func.func @transform_0(%arg0: i32) -> (i32, i32) {
    %c0_i32 = arith.constant 0 : i32
    %c0_i32_0 = arith.constant 0 : i32
    return %arg0, %c0_i32 : i32, i32
  }
  func.func @transform_1(%arg0: i32) -> (i32, i32) {
    %c0_i32 = arith.constant 0 : i32
    %c0_i32_0 = arith.constant 0 : i32
    return %arg0, %c0_i32 : i32, i32
  }
  func.func @transform_2(%arg0: i32) -> (i32, i32) {
    %c0_i32 = arith.constant 0 : i32
    %c0_i32_0 = arith.constant 0 : i32
    return %arg0, %c0_i32 : i32, i32
  }
  func.func @transform_3(%arg0: i32) -> (i32, i32) {
    %c0_i32 = arith.constant 0 : i32
    %c0_i32_0 = arith.constant 0 : i32
    return %arg0, %c0_i32 : i32, i32
  }
  func.func @transform_4(%arg0: i32) -> (i32, i32) {
    %c0_i32 = arith.constant 0 : i32
    %c0_i32_0 = arith.constant 0 : i32
    %c0_i32_1 = arith.constant 0 : i32
    return %c0_i32, %c0_i32_0 : i32, i32
  }
  func.func @transform_5(%arg0: i32) -> (i32, i32) {
    %c0_i32 = arith.constant 0 : i32
    %c0_i32_0 = arith.constant 0 : i32
    %c0_i32_1 = arith.constant 0 : i32
    return %c0_i32, %c0_i32_0 : i32, i32
  }
  func.func @transform_6(%arg0: i32) -> (i32, i32) {
    %c0_i32 = arith.constant 0 : i32
    %c0_i32_0 = arith.constant 0 : i32
    %c0_i32_1 = arith.constant 0 : i32
    return %c0_i32, %c0_i32_0 : i32, i32
  }
  func.func @transform_7(%arg0: i32) -> (i32, i32) {
    %c0_i32 = arith.constant 0 : i32
    %c0_i32_0 = arith.constant 0 : i32
    %c0_i32_1 = arith.constant 0 : i32
    return %c0_i32, %c0_i32_0 : i32, i32
  }
  func.func @transform_8(%arg0: i32) -> (i32, i32) {
    %c0_i32 = arith.constant 0 : i32
    %c0_i32_0 = arith.constant 0 : i32
    %c0_i32_1 = arith.constant 0 : i32
    return %c0_i32, %c0_i32_0 : i32, i32
  }
  func.func @transform_9(%arg0: i32) -> (i32, i32) {
    %c0_i32 = arith.constant 0 : i32
    %c0_i32_0 = arith.constant 0 : i32
    %c0_i32_1 = arith.constant 0 : i32
    return %c0_i32, %c0_i32_0 : i32, i32
  }
  func.func @transform_10(%arg0: i32) -> (i32, i32) {
    %c0_i32 = arith.constant 0 : i32
    %c0_i32_0 = arith.constant 0 : i32
    %c0_i32_1 = arith.constant 0 : i32
    return %c0_i32, %c0_i32_0 : i32, i32
  }
  func.func @transform_11(%arg0: i32) -> (i32, i32) {
    %c0_i32 = arith.constant 0 : i32
    %c0_i32_0 = arith.constant 0 : i32
    %c0_i32_1 = arith.constant 0 : i32
    return %c0_i32, %c0_i32_0 : i32, i32
  }
  func.func @transform_12(%arg0: i32) -> (i32, i32) {
    %c0_i32 = arith.constant 0 : i32
    %c0_i32_0 = arith.constant 0 : i32
    %c0_i32_1 = arith.constant 0 : i32
    return %c0_i32, %c0_i32_0 : i32, i32
  }
  func.func @transform_13(%arg0: i32) -> (i32, i32) {
    %c0_i32 = arith.constant 0 : i32
    %c0_i32_0 = arith.constant 0 : i32
    %c0_i32_1 = arith.constant 0 : i32
    return %c0_i32, %c0_i32_0 : i32, i32
  }
  func.func @transform_14(%arg0: i32) -> (i32, i32) {
    %c0_i32 = arith.constant 0 : i32
    %c0_i32_0 = arith.constant 0 : i32
    %c0_i32_1 = arith.constant 0 : i32
    return %c0_i32, %c0_i32_0 : i32, i32
  }
  func.func @transform_15(%arg0: i32) -> (i32, i32) {
    %c0_i32 = arith.constant 0 : i32
    %c0_i32_0 = arith.constant 0 : i32
    %c0_i32_1 = arith.constant 0 : i32
    return %c0_i32, %c0_i32_0 : i32, i32
  }
}

module attributes {stable_mosaic.version = 14 : i64} {
  func.func @_e4_body(%arg0: i32, %arg1: memref<4096x128xf32, #tpu.memory_space<vmem>>, %arg2: memref<256x128xf32, #tpu.memory_space<vmem>>, %arg3: memref<4096x128xf32, #tpu.memory_space<vmem>>, %arg4: memref<256x128xf32, #tpu.memory_space<vmem>>, %arg5: memref<128x128xf32, #tpu.memory_space<vmem>>, %arg6: memref<1x128xf32, #tpu.memory_space<vmem>>, %arg7: memref<1x128xf32, #tpu.memory_space<vmem>>, %arg8: memref<1x128xf32, #tpu.memory_space<vmem>>, %arg9: memref<128x128xf32, #tpu.memory_space<vmem>>, %arg10: memref<1x128xf32, #tpu.memory_space<vmem>>, %arg11: memref<1x128xf32, #tpu.memory_space<vmem>>, %arg12: memref<1x128xf32, #tpu.memory_space<vmem>>, %arg13: memref<128x128xf32, #tpu.memory_space<vmem>>, %arg14: memref<1x128xf32, #tpu.memory_space<vmem>>, %arg15: memref<1x128xf32, #tpu.memory_space<vmem>>, %arg16: memref<1x128xf32, #tpu.memory_space<vmem>>, %arg17: memref<128x128xf32, #tpu.memory_space<vmem>>, %arg18: memref<1x128xf32, #tpu.memory_space<vmem>>, %arg19: memref<1x128xf32, #tpu.memory_space<vmem>>, %arg20: memref<1x128xf32, #tpu.memory_space<vmem>>) attributes {dimension_semantics = [#tpu.dimension_semantics<arbitrary>], iteration_bounds = array<i64: 40>, scalar_prefetch = 0 : i64, scratch_operands = 0 : i64, tpu.core_type = #tpu.core_type<tc>, window_params = [{transform_indices = @transform_0, window_bounds = array<i64: 4096, 128>}, {transform_indices = @transform_1, window_bounds = array<i64: 256, 128>}, {transform_indices = @transform_2, window_bounds = array<i64: 4096, 128>}, {transform_indices = @transform_3, window_bounds = array<i64: 256, 128>}, {pipeline_mode = #tpu.pipeline_mode<synchronous>, transform_indices = @transform_4, window_bounds = array<i64: 128, 128>}, {pipeline_mode = #tpu.pipeline_mode<synchronous>, transform_indices = @transform_5, window_bounds = array<i64: 1, 128>}, {pipeline_mode = #tpu.pipeline_mode<synchronous>, transform_indices = @transform_6, window_bounds = array<i64: 1, 128>}, {pipeline_mode = #tpu.pipeline_mode<synchronous>, transform_indices = @transform_7, window_bounds = array<i64: 1, 128>}, {pipeline_mode = #tpu.pipeline_mode<synchronous>, transform_indices = @transform_8, window_bounds = array<i64: 128, 128>}, {pipeline_mode = #tpu.pipeline_mode<synchronous>, transform_indices = @transform_9, window_bounds = array<i64: 1, 128>}, {pipeline_mode = #tpu.pipeline_mode<synchronous>, transform_indices = @transform_10, window_bounds = array<i64: 1, 128>}, {pipeline_mode = #tpu.pipeline_mode<synchronous>, transform_indices = @transform_11, window_bounds = array<i64: 1, 128>}, {pipeline_mode = #tpu.pipeline_mode<synchronous>, transform_indices = @transform_12, window_bounds = array<i64: 128, 128>}, {pipeline_mode = #tpu.pipeline_mode<synchronous>, transform_indices = @transform_13, window_bounds = array<i64: 1, 128>}, {pipeline_mode = #tpu.pipeline_mode<synchronous>, transform_indices = @transform_14, window_bounds = array<i64: 1, 128>}, {pipeline_mode = #tpu.pipeline_mode<synchronous>, transform_indices = @transform_15, window_bounds = array<i64: 1, 128>}, {pipeline_mode = #tpu.pipeline_mode<synchronous>, transform_indices = @transform_16, window_bounds = array<i64: 128, 128>}, {pipeline_mode = #tpu.pipeline_mode<synchronous>, transform_indices = @transform_17, window_bounds = array<i64: 1, 128>}, {pipeline_mode = #tpu.pipeline_mode<synchronous>, transform_indices = @transform_18, window_bounds = array<i64: 1, 128>}, {pipeline_mode = #tpu.pipeline_mode<synchronous>, transform_indices = @transform_19, window_bounds = array<i64: 1, 128>}]} {
    %get3A = arith.constant 0 : index
    %get3A_0 = arith.constant 0 : index
    %get3A_1 = vector.load %arg1[%get3A, %get3A_0] : memref<4096x128xf32, #tpu.memory_space<vmem>>, vector<4096x128xf32>
    %get3A_2 = arith.constant 0 : index
    %get3A_3 = arith.constant 0 : index
    %get3A_4 = vector.load %arg2[%get3A_2, %get3A_3] : memref<256x128xf32, #tpu.memory_space<vmem>>, vector<256x128xf32>
    %get3A_5 = arith.constant 0 : index
    %get3A_6 = arith.constant 0 : index
    %get3A_7 = vector.load %arg5[%get3A_5, %get3A_6] : memref<128x128xf32, #tpu.memory_space<vmem>>, vector<128x128xf32>
    %get3A_8 = arith.constant 0 : index
    %get3A_9 = arith.constant 0 : index
    %get3A_10 = vector.load %arg6[%get3A_8, %get3A_9] : memref<1x128xf32, #tpu.memory_space<vmem>>, vector<1x128xf32>
    %broadcast_in_dim3A = vector.shape_cast %get3A_4 : vector<256x128xf32> to vector<256x1x128xf32>
    %broadcast_in_dim3A_11 = vector.shape_cast %broadcast_in_dim3A : vector<256x1x128xf32> to vector<256x1x128xf32>
    %broadcast_in_dim3A_12 = vector.broadcast %broadcast_in_dim3A_11 : vector<256x1x128xf32> to vector<256x16x128xf32>
    %reshape3A = vector.shape_cast %broadcast_in_dim3A_12 : vector<256x16x128xf32> to vector<4096x128xf32>
    %sub3A = arith.subf %reshape3A, %get3A_1 : vector<4096x128xf32>
    %dot_general3A = arith.constant dense<0.000000e+00> : vector<4096x128xf32>
    %dot_general3A_13 = tpu.matmul %sub3A, %get3A_7, %dot_general3A {dimension_numbers = #tpu.dot_dimension_numbers<[1], [0], [0], [1], [0, 0, 1, 1], [], []>, transpose_lhs_hint = false} : vector<4096x128xf32>, vector<128x128xf32>, vector<4096x128xf32> -> vector<4096x128xf32>
    %add3A = vector.broadcast %get3A_10 : vector<1x128xf32> to vector<4096x128xf32>
    %add3A_14 = arith.addf %dot_general3A_13, %add3A : vector<4096x128xf32>
    %get3A_15 = arith.constant 0 : index
    %get3A_16 = arith.constant 0 : index
    %get3A_17 = vector.load %arg7[%get3A_15, %get3A_16] : memref<1x128xf32, #tpu.memory_space<vmem>>, vector<1x128xf32>
    %get3A_18 = arith.constant 0 : index
    %get3A_19 = arith.constant 0 : index
    %get3A_20 = vector.load %arg8[%get3A_18, %get3A_19] : memref<1x128xf32, #tpu.memory_space<vmem>>, vector<1x128xf32>
    %get3A_21 = arith.constant 0 : index
    %get3A_22 = arith.constant 0 : index
    %get3A_23 = vector.load %arg9[%get3A_21, %get3A_22] : memref<128x128xf32, #tpu.memory_space<vmem>>, vector<128x128xf32>
    %get3A_24 = arith.constant 0 : index
    %get3A_25 = arith.constant 0 : index
    %get3A_26 = vector.load %arg10[%get3A_24, %get3A_25] : memref<1x128xf32, #tpu.memory_space<vmem>>, vector<1x128xf32>
    %mul3A = vector.broadcast %get3A_17 : vector<1x128xf32> to vector<4096x128xf32>
    %mul3A_27 = arith.mulf %add3A_14, %mul3A : vector<4096x128xf32>
    %add3A_28 = vector.broadcast %get3A_20 : vector<1x128xf32> to vector<4096x128xf32>
    %add3A_29 = arith.addf %mul3A_27, %add3A_28 : vector<4096x128xf32>
    %max3A = arith.constant 0.000000e+00 : f32
    %max3A_30 = vector.broadcast %max3A : f32 to vector<4096x128xf32>
    %max3A_31 = arith.maximumf %add3A_29, %max3A_30 : vector<4096x128xf32>
    %dot_general3A_32 = arith.constant dense<0.000000e+00> : vector<4096x128xf32>
    %dot_general3A_33 = tpu.matmul %max3A_31, %get3A_23, %dot_general3A_32 {dimension_numbers = #tpu.dot_dimension_numbers<[1], [0], [0], [1], [0, 0, 1, 1], [], []>, transpose_lhs_hint = false} : vector<4096x128xf32>, vector<128x128xf32>, vector<4096x128xf32> -> vector<4096x128xf32>
    %add3A_34 = vector.broadcast %get3A_26 : vector<1x128xf32> to vector<4096x128xf32>
    %add3A_35 = arith.addf %dot_general3A_33, %add3A_34 : vector<4096x128xf32>
    %get3A_36 = arith.constant 0 : index
    %get3A_37 = arith.constant 0 : index
    %get3A_38 = vector.load %arg11[%get3A_36, %get3A_37] : memref<1x128xf32, #tpu.memory_space<vmem>>, vector<1x128xf32>
    %get3A_39 = arith.constant 0 : index
    %get3A_40 = arith.constant 0 : index
    %get3A_41 = vector.load %arg12[%get3A_39, %get3A_40] : memref<1x128xf32, #tpu.memory_space<vmem>>, vector<1x128xf32>
    %get3A_42 = arith.constant 0 : index
    %get3A_43 = arith.constant 0 : index
    %get3A_44 = vector.load %arg3[%get3A_42, %get3A_43] : memref<4096x128xf32, #tpu.memory_space<vmem>>, vector<4096x128xf32>
    %get3A_45 = arith.constant 0 : index
    %get3A_46 = arith.constant 0 : index
    %get3A_47 = vector.load %arg4[%get3A_45, %get3A_46] : memref<256x128xf32, #tpu.memory_space<vmem>>, vector<256x128xf32>
    %get3A_48 = arith.constant 0 : index
    %get3A_49 = arith.constant 0 : index
    %get3A_50 = vector.load %arg13[%get3A_48, %get3A_49] : memref<128x128xf32, #tpu.memory_space<vmem>>, vector<128x128xf32>
    %get3A_51 = arith.constant 0 : index
    %get3A_52 = arith.constant 0 : index
    %get3A_53 = vector.load %arg14[%get3A_51, %get3A_52] : memref<1x128xf32, #tpu.memory_space<vmem>>, vector<1x128xf32>
    %mul3A_54 = vector.broadcast %get3A_38 : vector<1x128xf32> to vector<4096x128xf32>
    %mul3A_55 = arith.mulf %add3A_35, %mul3A_54 : vector<4096x128xf32>
    %add3A_56 = vector.broadcast %get3A_41 : vector<1x128xf32> to vector<4096x128xf32>
    %add3A_57 = arith.addf %mul3A_55, %add3A_56 : vector<4096x128xf32>
    %max3A_58 = arith.constant 0.000000e+00 : f32
    %max3A_59 = vector.broadcast %max3A_58 : f32 to vector<4096x128xf32>
    %max3A_60 = arith.maximumf %add3A_57, %max3A_59 : vector<4096x128xf32>
    %broadcast_in_dim3A_61 = vector.shape_cast %get3A_47 : vector<256x128xf32> to vector<256x1x128xf32>
    %broadcast_in_dim3A_62 = vector.shape_cast %broadcast_in_dim3A_61 : vector<256x1x128xf32> to vector<256x1x128xf32>
    %broadcast_in_dim3A_63 = vector.broadcast %broadcast_in_dim3A_62 : vector<256x1x128xf32> to vector<256x16x128xf32>
    %reshape3A_64 = vector.shape_cast %broadcast_in_dim3A_63 : vector<256x16x128xf32> to vector<4096x128xf32>
    %sub3A_65 = arith.subf %reshape3A_64, %get3A_44 : vector<4096x128xf32>
    %add3A_66 = arith.addf %sub3A_65, %max3A_60 : vector<4096x128xf32>
    %dot_general3A_67 = arith.constant dense<0.000000e+00> : vector<4096x128xf32>
    %dot_general3A_68 = tpu.matmul %add3A_66, %get3A_50, %dot_general3A_67 {dimension_numbers = #tpu.dot_dimension_numbers<[1], [0], [0], [1], [0, 0, 1, 1], [], []>, transpose_lhs_hint = false} : vector<4096x128xf32>, vector<128x128xf32>, vector<4096x128xf32> -> vector<4096x128xf32>
    %add3A_69 = vector.broadcast %get3A_53 : vector<1x128xf32> to vector<4096x128xf32>
    %add3A_70 = arith.addf %dot_general3A_68, %add3A_69 : vector<4096x128xf32>
    %get3A_71 = arith.constant 0 : index
    %get3A_72 = arith.constant 0 : index
    %get3A_73 = vector.load %arg15[%get3A_71, %get3A_72] : memref<1x128xf32, #tpu.memory_space<vmem>>, vector<1x128xf32>
    %get3A_74 = arith.constant 0 : index
    %get3A_75 = arith.constant 0 : index
    %get3A_76 = vector.load %arg16[%get3A_74, %get3A_75] : memref<1x128xf32, #tpu.memory_space<vmem>>, vector<1x128xf32>
    %get3A_77 = arith.constant 0 : index
    %get3A_78 = arith.constant 0 : index
    %get3A_79 = vector.load %arg17[%get3A_77, %get3A_78] : memref<128x128xf32, #tpu.memory_space<vmem>>, vector<128x128xf32>
    %get3A_80 = arith.constant 0 : index
    %get3A_81 = arith.constant 0 : index
    %get3A_82 = vector.load %arg18[%get3A_80, %get3A_81] : memref<1x128xf32, #tpu.memory_space<vmem>>, vector<1x128xf32>
    %mul3A_83 = vector.broadcast %get3A_73 : vector<1x128xf32> to vector<4096x128xf32>
    %mul3A_84 = arith.mulf %add3A_70, %mul3A_83 : vector<4096x128xf32>
    %add3A_85 = vector.broadcast %get3A_76 : vector<1x128xf32> to vector<4096x128xf32>
    %add3A_86 = arith.addf %mul3A_84, %add3A_85 : vector<4096x128xf32>
    %max3A_87 = arith.constant 0.000000e+00 : f32
    %max3A_88 = vector.broadcast %max3A_87 : f32 to vector<4096x128xf32>
    %max3A_89 = arith.maximumf %add3A_86, %max3A_88 : vector<4096x128xf32>
    %dot_general3A_90 = arith.constant dense<0.000000e+00> : vector<4096x128xf32>
    %dot_general3A_91 = tpu.matmul %max3A_89, %get3A_79, %dot_general3A_90 {dimension_numbers = #tpu.dot_dimension_numbers<[1], [0], [0], [1], [0, 0, 1, 1], [], []>, transpose_lhs_hint = false} : vector<4096x128xf32>, vector<128x128xf32>, vector<4096x128xf32> -> vector<4096x128xf32>
    %add3A_92 = vector.broadcast %get3A_82 : vector<1x128xf32> to vector<4096x128xf32>
    %add3A_93 = arith.addf %dot_general3A_91, %add3A_92 : vector<4096x128xf32>
    %iota3A = tpu.iota {dimensions = array<i32: 0>} : vector<4096x1xi32>
    %mul3A_94 = arith.constant 256 : i32
    %mul3A_95 = arith.muli %arg0, %mul3A_94 : i32
    %shift_right_arithmetic3A = arith.constant 4 : i32
    %shift_right_arithmetic3A_96 = vector.broadcast %shift_right_arithmetic3A : i32 to vector<4096x1xi32>
    %shift_right_arithmetic3A_97 = arith.shrsi %iota3A, %shift_right_arithmetic3A_96 : vector<4096x1xi32>
    %add3A_98 = vector.broadcast %mul3A_95 : i32 to vector<4096x1xi32>
    %add3A_99 = arith.addi %add3A_98, %shift_right_arithmetic3A_97 : vector<4096x1xi32>
    %lt3A = arith.constant 10000 : i32
    %lt3A_100 = vector.broadcast %lt3A : i32 to vector<4096x1xi32>
    %lt3A_101 = arith.cmpi slt, %add3A_99, %lt3A_100 : vector<4096x1xi32>
    %eq3A = arith.constant 0 : i32
    %eq3A_102 = arith.cmpi eq, %arg0, %eq3A : i32
    %convert_element_type3A = arith.extui %eq3A_102 : i1 to i32
    %cond3A = arith.constant 0 : i32
    %cond3A_103 = arith.cmpi ne, %convert_element_type3A, %cond3A : i32
    scf.if %cond3A_103 {
      %broadcast_in_dim3A_131 = arith.constant 0.000000e+00 : f32
      %broadcast_in_dim3A_132 = vector.broadcast %broadcast_in_dim3A_131 : f32 to vector<1x128xf32>
      %swap3A_133 = arith.constant 0 : index
      %swap3A_134 = arith.constant 0 : index
      %swap3A_135 = vector.load %arg19[%swap3A_133, %swap3A_134] : memref<1x128xf32, #tpu.memory_space<vmem>>, vector<1x128xf32>
      tpu.vector_store %arg19[%swap3A_133, %swap3A_134], %broadcast_in_dim3A_132 {strides = array<i32>} : memref<1x128xf32, #tpu.memory_space<vmem>>, vector<1x128xf32>,
      %broadcast_in_dim3A_136 = arith.constant 0.000000e+00 : f32
      %broadcast_in_dim3A_137 = vector.broadcast %broadcast_in_dim3A_136 : f32 to vector<1x128xf32>
      %swap3A_138 = arith.constant 0 : index
      %swap3A_139 = arith.constant 0 : index
      %swap3A_140 = vector.load %arg20[%swap3A_138, %swap3A_139] : memref<1x128xf32, #tpu.memory_space<vmem>>, vector<1x128xf32>
      tpu.vector_store %arg20[%swap3A_138, %swap3A_139], %broadcast_in_dim3A_137 {strides = array<i32>} : memref<1x128xf32, #tpu.memory_space<vmem>>, vector<1x128xf32>,
    } else {
    }
    %jit3A = arith.constant 0.000000e+00 : f32
    %broadcast_in_dim3A_104 = vector.shape_cast %lt3A_101 : vector<4096x1xi1> to vector<4096x1xi1>
    %broadcast_in_dim3A_105 = vector.broadcast %broadcast_in_dim3A_104 : vector<4096x1xi1> to vector<4096x128xi1>
    %broadcast_in_dim3A_106 = vector.broadcast %jit3A : f32 to vector<4096x128xf32>
    %select_n3A = arith.select %broadcast_in_dim3A_105, %add3A_93, %broadcast_in_dim3A_106 : vector<4096x128xi1>, vector<4096x128xf32>
    %get3A_107 = arith.constant 0 : index
    %get3A_108 = arith.constant 0 : index
    %get3A_109 = vector.load %arg19[%get3A_107, %get3A_108] : memref<1x128xf32, #tpu.memory_space<vmem>>, vector<1x128xf32>
    %reduce_sum3A = arith.constant dense<0.000000e+00> : vector<128xf32>
    %reduce_sum3A_110 = vector.multi_reduction <add>, %select_n3A, %reduce_sum3A [0] : vector<4096x128xf32> to vector<128xf32>
    %broadcast_in_dim3A_111 = vector.shape_cast %reduce_sum3A_110 : vector<128xf32> to vector<1x128xf32>
    %add3A_112 = arith.addf %get3A_109, %broadcast_in_dim3A_111 : vector<1x128xf32>
    %swap3A = arith.constant 0 : index
    %swap3A_113 = arith.constant 0 : index
    %swap3A_114 = vector.load %arg19[%swap3A, %swap3A_113] : memref<1x128xf32, #tpu.memory_space<vmem>>, vector<1x128xf32>
    tpu.vector_store %arg19[%swap3A, %swap3A_113], %add3A_112 {strides = array<i32>} : memref<1x128xf32, #tpu.memory_space<vmem>>, vector<1x128xf32>,
    %get3A_115 = arith.constant 0 : index
    %get3A_116 = arith.constant 0 : index
    %get3A_117 = vector.load %arg20[%get3A_115, %get3A_116] : memref<1x128xf32, #tpu.memory_space<vmem>>, vector<1x128xf32>
    %mul3A_118 = arith.mulf %add3A_93, %add3A_93 : vector<4096x128xf32>
    %jit3A_119 = arith.constant 0.000000e+00 : f32
    %broadcast_in_dim3A_120 = vector.shape_cast %lt3A_101 : vector<4096x1xi1> to vector<4096x1xi1>
    %broadcast_in_dim3A_121 = vector.broadcast %broadcast_in_dim3A_120 : vector<4096x1xi1> to vector<4096x128xi1>
    %broadcast_in_dim3A_122 = vector.broadcast %jit3A_119 : f32 to vector<4096x128xf32>
    %select_n3A_123 = arith.select %broadcast_in_dim3A_121, %mul3A_118, %broadcast_in_dim3A_122 : vector<4096x128xi1>, vector<4096x128xf32>
    %reduce_sum3A_124 = arith.constant dense<0.000000e+00> : vector<128xf32>
    %reduce_sum3A_125 = vector.multi_reduction <add>, %select_n3A_123, %reduce_sum3A_124 [0] : vector<4096x128xf32> to vector<128xf32>
    %broadcast_in_dim3A_126 = vector.shape_cast %reduce_sum3A_125 : vector<128xf32> to vector<1x128xf32>
    %add3A_127 = arith.addf %get3A_117, %broadcast_in_dim3A_126 : vector<1x128xf32>
    %swap3A_128 = arith.constant 0 : index
    %swap3A_129 = arith.constant 0 : index
    %swap3A_130 = vector.load %arg20[%swap3A_128, %swap3A_129] : memref<1x128xf32, #tpu.memory_space<vmem>>, vector<1x128xf32>
    tpu.vector_store %arg20[%swap3A_128, %swap3A_129], %add3A_127 {strides = array<i32>} : memref<1x128xf32, #tpu.memory_space<vmem>>, vector<1x128xf32>,
    return
  }
  func.func @transform_0(%arg0: i32) -> (i32, i32) {
    %c0_i32 = arith.constant 0 : i32
    %c0_i32_0 = arith.constant 0 : i32
    return %arg0, %c0_i32 : i32, i32
  }
  func.func @transform_1(%arg0: i32) -> (i32, i32) {
    %c0_i32 = arith.constant 0 : i32
    %c0_i32_0 = arith.constant 0 : i32
    return %arg0, %c0_i32 : i32, i32
  }
  func.func @transform_2(%arg0: i32) -> (i32, i32) {
    %c0_i32 = arith.constant 0 : i32
    %c0_i32_0 = arith.constant 0 : i32
    return %arg0, %c0_i32 : i32, i32
  }
  func.func @transform_3(%arg0: i32) -> (i32, i32) {
    %c0_i32 = arith.constant 0 : i32
    %c0_i32_0 = arith.constant 0 : i32
    return %arg0, %c0_i32 : i32, i32
  }
  func.func @transform_4(%arg0: i32) -> (i32, i32) {
    %c0_i32 = arith.constant 0 : i32
    %c0_i32_0 = arith.constant 0 : i32
    %c0_i32_1 = arith.constant 0 : i32
    return %c0_i32, %c0_i32_0 : i32, i32
  }
  func.func @transform_5(%arg0: i32) -> (i32, i32) {
    %c0_i32 = arith.constant 0 : i32
    %c0_i32_0 = arith.constant 0 : i32
    %c0_i32_1 = arith.constant 0 : i32
    return %c0_i32, %c0_i32_0 : i32, i32
  }
  func.func @transform_6(%arg0: i32) -> (i32, i32) {
    %c0_i32 = arith.constant 0 : i32
    %c0_i32_0 = arith.constant 0 : i32
    %c0_i32_1 = arith.constant 0 : i32
    return %c0_i32, %c0_i32_0 : i32, i32
  }
  func.func @transform_7(%arg0: i32) -> (i32, i32) {
    %c0_i32 = arith.constant 0 : i32
    %c0_i32_0 = arith.constant 0 : i32
    %c0_i32_1 = arith.constant 0 : i32
    return %c0_i32, %c0_i32_0 : i32, i32
  }
  func.func @transform_8(%arg0: i32) -> (i32, i32) {
    %c0_i32 = arith.constant 0 : i32
    %c0_i32_0 = arith.constant 0 : i32
    %c0_i32_1 = arith.constant 0 : i32
    return %c0_i32, %c0_i32_0 : i32, i32
  }
  func.func @transform_9(%arg0: i32) -> (i32, i32) {
    %c0_i32 = arith.constant 0 : i32
    %c0_i32_0 = arith.constant 0 : i32
    %c0_i32_1 = arith.constant 0 : i32
    return %c0_i32, %c0_i32_0 : i32, i32
  }
  func.func @transform_10(%arg0: i32) -> (i32, i32) {
    %c0_i32 = arith.constant 0 : i32
    %c0_i32_0 = arith.constant 0 : i32
    %c0_i32_1 = arith.constant 0 : i32
    return %c0_i32, %c0_i32_0 : i32, i32
  }
  func.func @transform_11(%arg0: i32) -> (i32, i32) {
    %c0_i32 = arith.constant 0 : i32
    %c0_i32_0 = arith.constant 0 : i32
    %c0_i32_1 = arith.constant 0 : i32
    return %c0_i32, %c0_i32_0 : i32, i32
  }
  func.func @transform_12(%arg0: i32) -> (i32, i32) {
    %c0_i32 = arith.constant 0 : i32
    %c0_i32_0 = arith.constant 0 : i32
    %c0_i32_1 = arith.constant 0 : i32
    return %c0_i32, %c0_i32_0 : i32, i32
  }
  func.func @transform_13(%arg0: i32) -> (i32, i32) {
    %c0_i32 = arith.constant 0 : i32
    %c0_i32_0 = arith.constant 0 : i32
    %c0_i32_1 = arith.constant 0 : i32
    return %c0_i32, %c0_i32_0 : i32, i32
  }
  func.func @transform_14(%arg0: i32) -> (i32, i32) {
    %c0_i32 = arith.constant 0 : i32
    %c0_i32_0 = arith.constant 0 : i32
    %c0_i32_1 = arith.constant 0 : i32
    return %c0_i32, %c0_i32_0 : i32, i32
  }
  func.func @transform_15(%arg0: i32) -> (i32, i32) {
    %c0_i32 = arith.constant 0 : i32
    %c0_i32_0 = arith.constant 0 : i32
    %c0_i32_1 = arith.constant 0 : i32
    return %c0_i32, %c0_i32_0 : i32, i32
  }
  func.func @transform_16(%arg0: i32) -> (i32, i32) {
    %c0_i32 = arith.constant 0 : i32
    %c0_i32_0 = arith.constant 0 : i32
    %c0_i32_1 = arith.constant 0 : i32
    return %c0_i32, %c0_i32_0 : i32, i32
  }
  func.func @transform_17(%arg0: i32) -> (i32, i32) {
    %c0_i32 = arith.constant 0 : i32
    %c0_i32_0 = arith.constant 0 : i32
    %c0_i32_1 = arith.constant 0 : i32
    return %c0_i32, %c0_i32_0 : i32, i32
  }
  func.func @transform_18(%arg0: i32) -> (i32, i32) {
    %c0_i32 = arith.constant 0 : i32
    %c0_i32_0 = arith.constant 0 : i32
    %c0_i32_1 = arith.constant 0 : i32
    return %c0_i32, %c0_i32_0 : i32, i32
  }
  func.func @transform_19(%arg0: i32) -> (i32, i32) {
    %c0_i32 = arith.constant 0 : i32
    %c0_i32_0 = arith.constant 0 : i32
    %c0_i32_1 = arith.constant 0 : i32
    return %c0_i32, %c0_i32_0 : i32, i32
  }
}

module attributes {stable_mosaic.version = 14 : i64} {
  func.func @_e5_body(%arg0: i32, %arg1: memref<4096x128xf32, #tpu.memory_space<vmem>>, %arg2: memref<256x128xf32, #tpu.memory_space<vmem>>, %arg3: memref<4096x128xf32, #tpu.memory_space<vmem>>, %arg4: memref<256x128xf32, #tpu.memory_space<vmem>>, %arg5: memref<4096x128xf32, #tpu.memory_space<vmem>>, %arg6: memref<256x128xf32, #tpu.memory_space<vmem>>, %arg7: memref<128x128xf32, #tpu.memory_space<vmem>>, %arg8: memref<1x128xf32, #tpu.memory_space<vmem>>, %arg9: memref<1x128xf32, #tpu.memory_space<vmem>>, %arg10: memref<1x128xf32, #tpu.memory_space<vmem>>, %arg11: memref<128x128xf32, #tpu.memory_space<vmem>>, %arg12: memref<1x128xf32, #tpu.memory_space<vmem>>, %arg13: memref<1x128xf32, #tpu.memory_space<vmem>>, %arg14: memref<1x128xf32, #tpu.memory_space<vmem>>, %arg15: memref<128x128xf32, #tpu.memory_space<vmem>>, %arg16: memref<1x128xf32, #tpu.memory_space<vmem>>, %arg17: memref<1x128xf32, #tpu.memory_space<vmem>>, %arg18: memref<1x128xf32, #tpu.memory_space<vmem>>, %arg19: memref<128x128xf32, #tpu.memory_space<vmem>>, %arg20: memref<1x128xf32, #tpu.memory_space<vmem>>, %arg21: memref<1x128xf32, #tpu.memory_space<vmem>>, %arg22: memref<1x128xf32, #tpu.memory_space<vmem>>, %arg23: memref<128x128xf32, #tpu.memory_space<vmem>>, %arg24: memref<1x128xf32, #tpu.memory_space<vmem>>, %arg25: memref<1x128xf32, #tpu.memory_space<vmem>>, %arg26: memref<1x128xf32, #tpu.memory_space<vmem>>, %arg27: memref<256x128xf32, #tpu.memory_space<vmem>>) attributes {dimension_semantics = [#tpu.dimension_semantics<arbitrary>], iteration_bounds = array<i64: 40>, scalar_prefetch = 0 : i64, scratch_operands = 0 : i64, tpu.core_type = #tpu.core_type<tc>, window_params = [{transform_indices = @transform_0, window_bounds = array<i64: 4096, 128>}, {transform_indices = @transform_1, window_bounds = array<i64: 256, 128>}, {transform_indices = @transform_2, window_bounds = array<i64: 4096, 128>}, {transform_indices = @transform_3, window_bounds = array<i64: 256, 128>}, {transform_indices = @transform_4, window_bounds = array<i64: 4096, 128>}, {transform_indices = @transform_5, window_bounds = array<i64: 256, 128>}, {pipeline_mode = #tpu.pipeline_mode<synchronous>, transform_indices = @transform_6, window_bounds = array<i64: 128, 128>}, {pipeline_mode = #tpu.pipeline_mode<synchronous>, transform_indices = @transform_7, window_bounds = array<i64: 1, 128>}, {pipeline_mode = #tpu.pipeline_mode<synchronous>, transform_indices = @transform_8, window_bounds = array<i64: 1, 128>}, {pipeline_mode = #tpu.pipeline_mode<synchronous>, transform_indices = @transform_9, window_bounds = array<i64: 1, 128>}, {pipeline_mode = #tpu.pipeline_mode<synchronous>, transform_indices = @transform_10, window_bounds = array<i64: 128, 128>}, {pipeline_mode = #tpu.pipeline_mode<synchronous>, transform_indices = @transform_11, window_bounds = array<i64: 1, 128>}, {pipeline_mode = #tpu.pipeline_mode<synchronous>, transform_indices = @transform_12, window_bounds = array<i64: 1, 128>}, {pipeline_mode = #tpu.pipeline_mode<synchronous>, transform_indices = @transform_13, window_bounds = array<i64: 1, 128>}, {pipeline_mode = #tpu.pipeline_mode<synchronous>, transform_indices = @transform_14, window_bounds = array<i64: 128, 128>}, {pipeline_mode = #tpu.pipeline_mode<synchronous>, transform_indices = @transform_15, window_bounds = array<i64: 1, 128>}, {pipeline_mode = #tpu.pipeline_mode<synchronous>, transform_indices = @transform_16, window_bounds = array<i64: 1, 128>}, {pipeline_mode = #tpu.pipeline_mode<synchronous>, transform_indices = @transform_17, window_bounds = array<i64: 1, 128>}, {pipeline_mode = #tpu.pipeline_mode<synchronous>, transform_indices = @transform_18, window_bounds = array<i64: 128, 128>}, {pipeline_mode = #tpu.pipeline_mode<synchronous>, transform_indices = @transform_19, window_bounds = array<i64: 1, 128>}, {pipeline_mode = #tpu.pipeline_mode<synchronous>, transform_indices = @transform_20, window_bounds = array<i64: 1, 128>}, {pipeline_mode = #tpu.pipeline_mode<synchronous>, transform_indices = @transform_21, window_bounds = array<i64: 1, 128>}, {pipeline_mode = #tpu.pipeline_mode<synchronous>, transform_indices = @transform_22, window_bounds = array<i64: 128, 128>}, {pipeline_mode = #tpu.pipeline_mode<synchronous>, transform_indices = @transform_23, window_bounds = array<i64: 1, 128>}, {pipeline_mode = #tpu.pipeline_mode<synchronous>, transform_indices = @transform_24, window_bounds = array<i64: 1, 128>}, {pipeline_mode = #tpu.pipeline_mode<synchronous>, transform_indices = @transform_25, window_bounds = array<i64: 1, 128>}, {transform_indices = @transform_26, window_bounds = array<i64: 256, 128>}]} {
    %get3A = arith.constant 0 : index
    %get3A_0 = arith.constant 0 : index
    %get3A_1 = vector.load %arg1[%get3A, %get3A_0] : memref<4096x128xf32, #tpu.memory_space<vmem>>, vector<4096x128xf32>
    %get3A_2 = arith.constant 0 : index
    %get3A_3 = arith.constant 0 : index
    %get3A_4 = vector.load %arg2[%get3A_2, %get3A_3] : memref<256x128xf32, #tpu.memory_space<vmem>>, vector<256x128xf32>
    %get3A_5 = arith.constant 0 : index
    %get3A_6 = arith.constant 0 : index
    %get3A_7 = vector.load %arg7[%get3A_5, %get3A_6] : memref<128x128xf32, #tpu.memory_space<vmem>>, vector<128x128xf32>
    %get3A_8 = arith.constant 0 : index
    %get3A_9 = arith.constant 0 : index
    %get3A_10 = vector.load %arg8[%get3A_8, %get3A_9] : memref<1x128xf32, #tpu.memory_space<vmem>>, vector<1x128xf32>
    %broadcast_in_dim3A = vector.shape_cast %get3A_4 : vector<256x128xf32> to vector<256x1x128xf32>
    %broadcast_in_dim3A_11 = vector.shape_cast %broadcast_in_dim3A : vector<256x1x128xf32> to vector<256x1x128xf32>
    %broadcast_in_dim3A_12 = vector.broadcast %broadcast_in_dim3A_11 : vector<256x1x128xf32> to vector<256x16x128xf32>
    %reshape3A = vector.shape_cast %broadcast_in_dim3A_12 : vector<256x16x128xf32> to vector<4096x128xf32>
    %sub3A = arith.subf %reshape3A, %get3A_1 : vector<4096x128xf32>
    %dot_general3A = arith.constant dense<0.000000e+00> : vector<4096x128xf32>
    %dot_general3A_13 = tpu.matmul %sub3A, %get3A_7, %dot_general3A {dimension_numbers = #tpu.dot_dimension_numbers<[1], [0], [0], [1], [0, 0, 1, 1], [], []>, transpose_lhs_hint = false} : vector<4096x128xf32>, vector<128x128xf32>, vector<4096x128xf32> -> vector<4096x128xf32>
    %add3A = vector.broadcast %get3A_10 : vector<1x128xf32> to vector<4096x128xf32>
    %add3A_14 = arith.addf %dot_general3A_13, %add3A : vector<4096x128xf32>
    %get3A_15 = arith.constant 0 : index
    %get3A_16 = arith.constant 0 : index
    %get3A_17 = vector.load %arg9[%get3A_15, %get3A_16] : memref<1x128xf32, #tpu.memory_space<vmem>>, vector<1x128xf32>
    %get3A_18 = arith.constant 0 : index
    %get3A_19 = arith.constant 0 : index
    %get3A_20 = vector.load %arg10[%get3A_18, %get3A_19] : memref<1x128xf32, #tpu.memory_space<vmem>>, vector<1x128xf32>
    %get3A_21 = arith.constant 0 : index
    %get3A_22 = arith.constant 0 : index
    %get3A_23 = vector.load %arg11[%get3A_21, %get3A_22] : memref<128x128xf32, #tpu.memory_space<vmem>>, vector<128x128xf32>
    %get3A_24 = arith.constant 0 : index
    %get3A_25 = arith.constant 0 : index
    %get3A_26 = vector.load %arg12[%get3A_24, %get3A_25] : memref<1x128xf32, #tpu.memory_space<vmem>>, vector<1x128xf32>
    %mul3A = vector.broadcast %get3A_17 : vector<1x128xf32> to vector<4096x128xf32>
    %mul3A_27 = arith.mulf %add3A_14, %mul3A : vector<4096x128xf32>
    %add3A_28 = vector.broadcast %get3A_20 : vector<1x128xf32> to vector<4096x128xf32>
    %add3A_29 = arith.addf %mul3A_27, %add3A_28 : vector<4096x128xf32>
    %max3A = arith.constant 0.000000e+00 : f32
    %max3A_30 = vector.broadcast %max3A : f32 to vector<4096x128xf32>
    %max3A_31 = arith.maximumf %add3A_29, %max3A_30 : vector<4096x128xf32>
    %dot_general3A_32 = arith.constant dense<0.000000e+00> : vector<4096x128xf32>
    %dot_general3A_33 = tpu.matmul %max3A_31, %get3A_23, %dot_general3A_32 {dimension_numbers = #tpu.dot_dimension_numbers<[1], [0], [0], [1], [0, 0, 1, 1], [], []>, transpose_lhs_hint = false} : vector<4096x128xf32>, vector<128x128xf32>, vector<4096x128xf32> -> vector<4096x128xf32>
    %add3A_34 = vector.broadcast %get3A_26 : vector<1x128xf32> to vector<4096x128xf32>
    %add3A_35 = arith.addf %dot_general3A_33, %add3A_34 : vector<4096x128xf32>
    %get3A_36 = arith.constant 0 : index
    %get3A_37 = arith.constant 0 : index
    %get3A_38 = vector.load %arg13[%get3A_36, %get3A_37] : memref<1x128xf32, #tpu.memory_space<vmem>>, vector<1x128xf32>
    %get3A_39 = arith.constant 0 : index
    %get3A_40 = arith.constant 0 : index
    %get3A_41 = vector.load %arg14[%get3A_39, %get3A_40] : memref<1x128xf32, #tpu.memory_space<vmem>>, vector<1x128xf32>
    %get3A_42 = arith.constant 0 : index
    %get3A_43 = arith.constant 0 : index
    %get3A_44 = vector.load %arg3[%get3A_42, %get3A_43] : memref<4096x128xf32, #tpu.memory_space<vmem>>, vector<4096x128xf32>
    %get3A_45 = arith.constant 0 : index
    %get3A_46 = arith.constant 0 : index
    %get3A_47 = vector.load %arg4[%get3A_45, %get3A_46] : memref<256x128xf32, #tpu.memory_space<vmem>>, vector<256x128xf32>
    %get3A_48 = arith.constant 0 : index
    %get3A_49 = arith.constant 0 : index
    %get3A_50 = vector.load %arg15[%get3A_48, %get3A_49] : memref<128x128xf32, #tpu.memory_space<vmem>>, vector<128x128xf32>
    %get3A_51 = arith.constant 0 : index
    %get3A_52 = arith.constant 0 : index
    %get3A_53 = vector.load %arg16[%get3A_51, %get3A_52] : memref<1x128xf32, #tpu.memory_space<vmem>>, vector<1x128xf32>
    %mul3A_54 = vector.broadcast %get3A_38 : vector<1x128xf32> to vector<4096x128xf32>
    %mul3A_55 = arith.mulf %add3A_35, %mul3A_54 : vector<4096x128xf32>
    %add3A_56 = vector.broadcast %get3A_41 : vector<1x128xf32> to vector<4096x128xf32>
    %add3A_57 = arith.addf %mul3A_55, %add3A_56 : vector<4096x128xf32>
    %max3A_58 = arith.constant 0.000000e+00 : f32
    %max3A_59 = vector.broadcast %max3A_58 : f32 to vector<4096x128xf32>
    %max3A_60 = arith.maximumf %add3A_57, %max3A_59 : vector<4096x128xf32>
    %broadcast_in_dim3A_61 = vector.shape_cast %get3A_47 : vector<256x128xf32> to vector<256x1x128xf32>
    %broadcast_in_dim3A_62 = vector.shape_cast %broadcast_in_dim3A_61 : vector<256x1x128xf32> to vector<256x1x128xf32>
    %broadcast_in_dim3A_63 = vector.broadcast %broadcast_in_dim3A_62 : vector<256x1x128xf32> to vector<256x16x128xf32>
    %reshape3A_64 = vector.shape_cast %broadcast_in_dim3A_63 : vector<256x16x128xf32> to vector<4096x128xf32>
    %sub3A_65 = arith.subf %reshape3A_64, %get3A_44 : vector<4096x128xf32>
    %add3A_66 = arith.addf %sub3A_65, %max3A_60 : vector<4096x128xf32>
    %dot_general3A_67 = arith.constant dense<0.000000e+00> : vector<4096x128xf32>
    %dot_general3A_68 = tpu.matmul %add3A_66, %get3A_50, %dot_general3A_67 {dimension_numbers = #tpu.dot_dimension_numbers<[1], [0], [0], [1], [0, 0, 1, 1], [], []>, transpose_lhs_hint = false} : vector<4096x128xf32>, vector<128x128xf32>, vector<4096x128xf32> -> vector<4096x128xf32>
    %add3A_69 = vector.broadcast %get3A_53 : vector<1x128xf32> to vector<4096x128xf32>
    %add3A_70 = arith.addf %dot_general3A_68, %add3A_69 : vector<4096x128xf32>
    %get3A_71 = arith.constant 0 : index
    %get3A_72 = arith.constant 0 : index
    %get3A_73 = vector.load %arg17[%get3A_71, %get3A_72] : memref<1x128xf32, #tpu.memory_space<vmem>>, vector<1x128xf32>
    %get3A_74 = arith.constant 0 : index
    %get3A_75 = arith.constant 0 : index
    %get3A_76 = vector.load %arg18[%get3A_74, %get3A_75] : memref<1x128xf32, #tpu.memory_space<vmem>>, vector<1x128xf32>
    %get3A_77 = arith.constant 0 : index
    %get3A_78 = arith.constant 0 : index
    %get3A_79 = vector.load %arg19[%get3A_77, %get3A_78] : memref<128x128xf32, #tpu.memory_space<vmem>>, vector<128x128xf32>
    %get3A_80 = arith.constant 0 : index
    %get3A_81 = arith.constant 0 : index
    %get3A_82 = vector.load %arg20[%get3A_80, %get3A_81] : memref<1x128xf32, #tpu.memory_space<vmem>>, vector<1x128xf32>
    %mul3A_83 = vector.broadcast %get3A_73 : vector<1x128xf32> to vector<4096x128xf32>
    %mul3A_84 = arith.mulf %add3A_70, %mul3A_83 : vector<4096x128xf32>
    %add3A_85 = vector.broadcast %get3A_76 : vector<1x128xf32> to vector<4096x128xf32>
    %add3A_86 = arith.addf %mul3A_84, %add3A_85 : vector<4096x128xf32>
    %max3A_87 = arith.constant 0.000000e+00 : f32
    %max3A_88 = vector.broadcast %max3A_87 : f32 to vector<4096x128xf32>
    %max3A_89 = arith.maximumf %add3A_86, %max3A_88 : vector<4096x128xf32>
    %dot_general3A_90 = arith.constant dense<0.000000e+00> : vector<4096x128xf32>
    %dot_general3A_91 = tpu.matmul %max3A_89, %get3A_79, %dot_general3A_90 {dimension_numbers = #tpu.dot_dimension_numbers<[1], [0], [0], [1], [0, 0, 1, 1], [], []>, transpose_lhs_hint = false} : vector<4096x128xf32>, vector<128x128xf32>, vector<4096x128xf32> -> vector<4096x128xf32>
    %add3A_92 = vector.broadcast %get3A_82 : vector<1x128xf32> to vector<4096x128xf32>
    %add3A_93 = arith.addf %dot_general3A_91, %add3A_92 : vector<4096x128xf32>
    %get3A_94 = arith.constant 0 : index
    %get3A_95 = arith.constant 0 : index
    %get3A_96 = vector.load %arg21[%get3A_94, %get3A_95] : memref<1x128xf32, #tpu.memory_space<vmem>>, vector<1x128xf32>
    %mul3A_97 = vector.broadcast %get3A_96 : vector<1x128xf32> to vector<4096x128xf32>
    %mul3A_98 = arith.mulf %add3A_93, %mul3A_97 : vector<4096x128xf32>
    %get3A_99 = arith.constant 0 : index
    %get3A_100 = arith.constant 0 : index
    %get3A_101 = vector.load %arg22[%get3A_99, %get3A_100] : memref<1x128xf32, #tpu.memory_space<vmem>>, vector<1x128xf32>
    %add3A_102 = vector.broadcast %get3A_101 : vector<1x128xf32> to vector<4096x128xf32>
    %add3A_103 = arith.addf %mul3A_98, %add3A_102 : vector<4096x128xf32>
    %max3A_104 = arith.constant 0.000000e+00 : f32
    %max3A_105 = vector.broadcast %max3A_104 : f32 to vector<4096x128xf32>
    %max3A_106 = arith.maximumf %add3A_103, %max3A_105 : vector<4096x128xf32>
    %reshape3A_107 = vector.shape_cast %max3A_106 : vector<4096x128xf32> to vector<256x16x128xf32>
    %reduce_max3A = arith.constant dense<0xFF800000> : vector<256x128xf32>
    %reduce_max3A_108 = vector.multi_reduction <maximumf>, %reshape3A_107, %reduce_max3A [1] : vector<256x16x128xf32> to vector<256x128xf32>
    %broadcast_in_dim3A_109 = vector.shape_cast %reduce_max3A_108 : vector<256x128xf32> to vector<256x1x128xf32>
    %sub3A_110 = vector.broadcast %broadcast_in_dim3A_109 : vector<256x1x128xf32> to vector<256x16x128xf32>
    %sub3A_111 = arith.subf %reshape3A_107, %sub3A_110 : vector<256x16x128xf32>
    %exp3A = math.exp %sub3A_111 : vector<256x16x128xf32>
    %reduce_sum3A = arith.constant dense<0.000000e+00> : vector<256x128xf32>
    %reduce_sum3A_112 = vector.multi_reduction <add>, %exp3A, %reduce_sum3A [1] : vector<256x16x128xf32> to vector<256x128xf32>
    %broadcast_in_dim3A_113 = vector.shape_cast %reduce_sum3A_112 : vector<256x128xf32> to vector<256x1x128xf32>
    %add3A_114 = arith.constant 1.000000e-16 : f32
    %add3A_115 = vector.broadcast %add3A_114 : f32 to vector<256x1x128xf32>
    %add3A_116 = arith.addf %broadcast_in_dim3A_113, %add3A_115 : vector<256x1x128xf32>
    %div3A = vector.broadcast %add3A_116 : vector<256x1x128xf32> to vector<256x16x128xf32>
    %div3A_117 = arith.divf %exp3A, %div3A : vector<256x16x128xf32>
    %get3A_118 = arith.constant 0 : index
    %get3A_119 = arith.constant 0 : index
    %get3A_120 = vector.load %arg5[%get3A_118, %get3A_119] : memref<4096x128xf32, #tpu.memory_space<vmem>>, vector<4096x128xf32>
    %add3A_121 = arith.addf %get3A_120, %max3A_60 : vector<4096x128xf32>
    %reshape3A_122 = vector.shape_cast %add3A_121 : vector<4096x128xf32> to vector<256x16x128xf32>
    %mul3A_123 = arith.mulf %div3A_117, %reshape3A_122 : vector<256x16x128xf32>
    %reduce_sum3A_124 = arith.constant dense<0.000000e+00> : vector<256x128xf32>
    %reduce_sum3A_125 = vector.multi_reduction <add>, %mul3A_123, %reduce_sum3A_124 [1] : vector<256x16x128xf32> to vector<256x128xf32>
    %get3A_126 = arith.constant 0 : index
    %get3A_127 = arith.constant 0 : index
    %get3A_128 = vector.load %arg23[%get3A_126, %get3A_127] : memref<128x128xf32, #tpu.memory_space<vmem>>, vector<128x128xf32>
    %dot_general3A_129 = arith.constant dense<0.000000e+00> : vector<256x128xf32>
    %dot_general3A_130 = tpu.matmul %reduce_sum3A_125, %get3A_128, %dot_general3A_129 {dimension_numbers = #tpu.dot_dimension_numbers<[1], [0], [0], [1], [0, 0, 1, 1], [], []>, transpose_lhs_hint = false} : vector<256x128xf32>, vector<128x128xf32>, vector<256x128xf32> -> vector<256x128xf32>
    %get3A_131 = arith.constant 0 : index
    %get3A_132 = arith.constant 0 : index
    %get3A_133 = vector.load %arg24[%get3A_131, %get3A_132] : memref<1x128xf32, #tpu.memory_space<vmem>>, vector<1x128xf32>
    %add3A_134 = vector.broadcast %get3A_133 : vector<1x128xf32> to vector<256x128xf32>
    %add3A_135 = arith.addf %dot_general3A_130, %add3A_134 : vector<256x128xf32>
    %max3A_136 = arith.constant 0.000000e+00 : f32
    %max3A_137 = vector.broadcast %max3A_136 : f32 to vector<256x128xf32>
    %max3A_138 = arith.maximumf %add3A_135, %max3A_137 : vector<256x128xf32>
    %get3A_139 = arith.constant 0 : index
    %get3A_140 = arith.constant 0 : index
    %get3A_141 = vector.load %arg6[%get3A_139, %get3A_140] : memref<256x128xf32, #tpu.memory_space<vmem>>, vector<256x128xf32>
    %add3A_142 = arith.addf %max3A_138, %get3A_141 : vector<256x128xf32>
    %reduce_sum3A_143 = arith.constant dense<0.000000e+00> : vector<256xf32>
    %reduce_sum3A_144 = vector.multi_reduction <add>, %add3A_142, %reduce_sum3A_143 [1] : vector<256x128xf32> to vector<256xf32>
    %broadcast_in_dim3A_145 = vector.shape_cast %reduce_sum3A_144 : vector<256xf32> to vector<256x1xf32>
    %div3A_146 = arith.constant 1.280000e+02 : f32
    %div3A_147 = vector.broadcast %div3A_146 : f32 to vector<256x1xf32>
    %div3A_148 = arith.divf %broadcast_in_dim3A_145, %div3A_147 : vector<256x1xf32>
    %sub3A_149 = vector.broadcast %div3A_148 : vector<256x1xf32> to vector<256x128xf32>
    %sub3A_150 = arith.subf %add3A_142, %sub3A_149 : vector<256x128xf32>
    %sub3A_151 = vector.broadcast %div3A_148 : vector<256x1xf32> to vector<256x128xf32>
    %sub3A_152 = arith.subf %add3A_142, %sub3A_151 : vector<256x128xf32>
    %mul3A_153 = arith.mulf %sub3A_150, %sub3A_152 : vector<256x128xf32>
    %reduce_sum3A_154 = arith.constant dense<0.000000e+00> : vector<256xf32>
    %reduce_sum3A_155 = vector.multi_reduction <add>, %mul3A_153, %reduce_sum3A_154 [1] : vector<256x128xf32> to vector<256xf32>
    %broadcast_in_dim3A_156 = vector.shape_cast %reduce_sum3A_155 : vector<256xf32> to vector<256x1xf32>
    %div3A_157 = arith.constant 1.280000e+02 : f32
    %div3A_158 = vector.broadcast %div3A_157 : f32 to vector<256x1xf32>
    %div3A_159 = arith.divf %broadcast_in_dim3A_156, %div3A_158 : vector<256x1xf32>
    %sub3A_160 = vector.broadcast %div3A_148 : vector<256x1xf32> to vector<256x128xf32>
    %sub3A_161 = arith.subf %add3A_142, %sub3A_160 : vector<256x128xf32>
    %add3A_162 = arith.constant 9.99999974E-6 : f32
    %add3A_163 = vector.broadcast %add3A_162 : f32 to vector<256x1xf32>
    %add3A_164 = arith.addf %div3A_159, %add3A_163 : vector<256x1xf32>
    %sqrt3A = math.sqrt %add3A_164 : vector<256x1xf32>
    %div3A_165 = vector.broadcast %sqrt3A : vector<256x1xf32> to vector<256x128xf32>
    %div3A_166 = arith.divf %sub3A_161, %div3A_165 : vector<256x128xf32>
    %get3A_167 = arith.constant 0 : index
    %get3A_168 = arith.constant 0 : index
    %get3A_169 = vector.load %arg25[%get3A_167, %get3A_168] : memref<1x128xf32, #tpu.memory_space<vmem>>, vector<1x128xf32>
    %mul3A_170 = vector.broadcast %get3A_169 : vector<1x128xf32> to vector<256x128xf32>
    %mul3A_171 = arith.mulf %div3A_166, %mul3A_170 : vector<256x128xf32>
    %get3A_172 = arith.constant 0 : index
    %get3A_173 = arith.constant 0 : index
    %get3A_174 = vector.load %arg26[%get3A_172, %get3A_173] : memref<1x128xf32, #tpu.memory_space<vmem>>, vector<1x128xf32>
    %add3A_175 = vector.broadcast %get3A_174 : vector<1x128xf32> to vector<256x128xf32>
    %add3A_176 = arith.addf %mul3A_171, %add3A_175 : vector<256x128xf32>
    %swap3A = arith.constant 0 : index
    %swap3A_177 = arith.constant 0 : index
    %swap3A_178 = vector.load %arg27[%swap3A, %swap3A_177] : memref<256x128xf32, #tpu.memory_space<vmem>>, vector<256x128xf32>
    tpu.vector_store %arg27[%swap3A, %swap3A_177], %add3A_176 {strides = array<i32>} : memref<256x128xf32, #tpu.memory_space<vmem>>, vector<256x128xf32>,
    return
  }
  func.func @transform_0(%arg0: i32) -> (i32, i32) {
    %c0_i32 = arith.constant 0 : i32
    %c0_i32_0 = arith.constant 0 : i32
    return %arg0, %c0_i32 : i32, i32
  }
  func.func @transform_1(%arg0: i32) -> (i32, i32) {
    %c0_i32 = arith.constant 0 : i32
    %c0_i32_0 = arith.constant 0 : i32
    return %arg0, %c0_i32 : i32, i32
  }
  func.func @transform_2(%arg0: i32) -> (i32, i32) {
    %c0_i32 = arith.constant 0 : i32
    %c0_i32_0 = arith.constant 0 : i32
    return %arg0, %c0_i32 : i32, i32
  }
  func.func @transform_3(%arg0: i32) -> (i32, i32) {
    %c0_i32 = arith.constant 0 : i32
    %c0_i32_0 = arith.constant 0 : i32
    return %arg0, %c0_i32 : i32, i32
  }
  func.func @transform_4(%arg0: i32) -> (i32, i32) {
    %c0_i32 = arith.constant 0 : i32
    %c0_i32_0 = arith.constant 0 : i32
    return %arg0, %c0_i32 : i32, i32
  }
  func.func @transform_5(%arg0: i32) -> (i32, i32) {
    %c0_i32 = arith.constant 0 : i32
    %c0_i32_0 = arith.constant 0 : i32
    return %arg0, %c0_i32 : i32, i32
  }
  func.func @transform_6(%arg0: i32) -> (i32, i32) {
    %c0_i32 = arith.constant 0 : i32
    %c0_i32_0 = arith.constant 0 : i32
    %c0_i32_1 = arith.constant 0 : i32
    return %c0_i32, %c0_i32_0 : i32, i32
  }
  func.func @transform_7(%arg0: i32) -> (i32, i32) {
    %c0_i32 = arith.constant 0 : i32
    %c0_i32_0 = arith.constant 0 : i32
    %c0_i32_1 = arith.constant 0 : i32
    return %c0_i32, %c0_i32_0 : i32, i32
  }
  func.func @transform_8(%arg0: i32) -> (i32, i32) {
    %c0_i32 = arith.constant 0 : i32
    %c0_i32_0 = arith.constant 0 : i32
    %c0_i32_1 = arith.constant 0 : i32
    return %c0_i32, %c0_i32_0 : i32, i32
  }
  func.func @transform_9(%arg0: i32) -> (i32, i32) {
    %c0_i32 = arith.constant 0 : i32
    %c0_i32_0 = arith.constant 0 : i32
    %c0_i32_1 = arith.constant 0 : i32
    return %c0_i32, %c0_i32_0 : i32, i32
  }
  func.func @transform_10(%arg0: i32) -> (i32, i32) {
    %c0_i32 = arith.constant 0 : i32
    %c0_i32_0 = arith.constant 0 : i32
    %c0_i32_1 = arith.constant 0 : i32
    return %c0_i32, %c0_i32_0 : i32, i32
  }
  func.func @transform_11(%arg0: i32) -> (i32, i32) {
    %c0_i32 = arith.constant 0 : i32
    %c0_i32_0 = arith.constant 0 : i32
    %c0_i32_1 = arith.constant 0 : i32
    return %c0_i32, %c0_i32_0 : i32, i32
  }
  func.func @transform_12(%arg0: i32) -> (i32, i32) {
    %c0_i32 = arith.constant 0 : i32
    %c0_i32_0 = arith.constant 0 : i32
    %c0_i32_1 = arith.constant 0 : i32
    return %c0_i32, %c0_i32_0 : i32, i32
  }
  func.func @transform_13(%arg0: i32) -> (i32, i32) {
    %c0_i32 = arith.constant 0 : i32
    %c0_i32_0 = arith.constant 0 : i32
    %c0_i32_1 = arith.constant 0 : i32
    return %c0_i32, %c0_i32_0 : i32, i32
  }
  func.func @transform_14(%arg0: i32) -> (i32, i32) {
    %c0_i32 = arith.constant 0 : i32
    %c0_i32_0 = arith.constant 0 : i32
    %c0_i32_1 = arith.constant 0 : i32
    return %c0_i32, %c0_i32_0 : i32, i32
  }
  func.func @transform_15(%arg0: i32) -> (i32, i32) {
    %c0_i32 = arith.constant 0 : i32
    %c0_i32_0 = arith.constant 0 : i32
    %c0_i32_1 = arith.constant 0 : i32
    return %c0_i32, %c0_i32_0 : i32, i32
  }
  func.func @transform_16(%arg0: i32) -> (i32, i32) {
    %c0_i32 = arith.constant 0 : i32
    %c0_i32_0 = arith.constant 0 : i32
    %c0_i32_1 = arith.constant 0 : i32
    return %c0_i32, %c0_i32_0 : i32, i32
  }
  func.func @transform_17(%arg0: i32) -> (i32, i32) {
    %c0_i32 = arith.constant 0 : i32
    %c0_i32_0 = arith.constant 0 : i32
    %c0_i32_1 = arith.constant 0 : i32
    return %c0_i32, %c0_i32_0 : i32, i32
  }
  func.func @transform_18(%arg0: i32) -> (i32, i32) {
    %c0_i32 = arith.constant 0 : i32
    %c0_i32_0 = arith.constant 0 : i32
    %c0_i32_1 = arith.constant 0 : i32
    return %c0_i32, %c0_i32_0 : i32, i32
  }
  func.func @transform_19(%arg0: i32) -> (i32, i32) {
    %c0_i32 = arith.constant 0 : i32
    %c0_i32_0 = arith.constant 0 : i32
    %c0_i32_1 = arith.constant 0 : i32
    return %c0_i32, %c0_i32_0 : i32, i32
  }
  func.func @transform_20(%arg0: i32) -> (i32, i32) {
    %c0_i32 = arith.constant 0 : i32
    %c0_i32_0 = arith.constant 0 : i32
    %c0_i32_1 = arith.constant 0 : i32
    return %c0_i32, %c0_i32_0 : i32, i32
  }
  func.func @transform_21(%arg0: i32) -> (i32, i32) {
    %c0_i32 = arith.constant 0 : i32
    %c0_i32_0 = arith.constant 0 : i32
    %c0_i32_1 = arith.constant 0 : i32
    return %c0_i32, %c0_i32_0 : i32, i32
  }
  func.func @transform_22(%arg0: i32) -> (i32, i32) {
    %c0_i32 = arith.constant 0 : i32
    %c0_i32_0 = arith.constant 0 : i32
    %c0_i32_1 = arith.constant 0 : i32
    return %c0_i32, %c0_i32_0 : i32, i32
  }
  func.func @transform_23(%arg0: i32) -> (i32, i32) {
    %c0_i32 = arith.constant 0 : i32
    %c0_i32_0 = arith.constant 0 : i32
    %c0_i32_1 = arith.constant 0 : i32
    return %c0_i32, %c0_i32_0 : i32, i32
  }
  func.func @transform_24(%arg0: i32) -> (i32, i32) {
    %c0_i32 = arith.constant 0 : i32
    %c0_i32_0 = arith.constant 0 : i32
    %c0_i32_1 = arith.constant 0 : i32
    return %c0_i32, %c0_i32_0 : i32, i32
  }
  func.func @transform_25(%arg0: i32) -> (i32, i32) {
    %c0_i32 = arith.constant 0 : i32
    %c0_i32_0 = arith.constant 0 : i32
    %c0_i32_1 = arith.constant 0 : i32
    return %c0_i32, %c0_i32_0 : i32, i32
  }
  func.func @transform_26(%arg0: i32) -> (i32, i32) {
    %c0_i32 = arith.constant 0 : i32
    %c0_i32_0 = arith.constant 0 : i32
    return %arg0, %c0_i32 : i32, i32
  }
}

</mosaic_0001>

<sc_bundles>
// kernel: kernel.11.cloned.1.call-start
scs
__scs_entry_jumppad:
0x0: {  	(pc) =	sbr.rel $0x88, $3  }
0x1: {  	(tag) =	ssettag $0x0;
	lr =	simm.s32 $0x1  }
0x2: {  	[smem:$0x3F83] =	sst lr;
	_ =	strace $0xD0000000  }
0x3: {  	_ = 	snop  }
0x4: {  	_ = 	snop  }
0x5: {  	_ = 	snop  }
0x6: {  	_ = 	snop  }
0x7: {  	_ = 	snop  }
__scs_overlays_trampoline_lowered:
0x8: {  	[smem:$0x3F92] =	sst s0  }
0x9: {  	[smem:$0x3F93] =	sst s1  }
0xa: {  	[smem:$0x3F94] =	sst s2  }
0xb: {  	[smem:$0x3F95] =	sst s3  }
0xc: {  	[smem:$0x3F96] =	sst s4  }
0xd: {  	[smem:$0x3F97] =	sst s5  }
0xe: {  	[smem:$0x3F98] =	sst s6  }
0xf: {  	[smem:$0x3F99] =	sst s7  }
0x10: {  	[smem:$0x3F9A] =	sst s8  }
0x11: {  	[smem:$0x3F9B] =	sst s9;
	s0 =	simm.s32 @!p0 $0x0  }
0x12: {  	s1 =	sld [smem:$0x3F81];
	s0 =	simm.s32 @p0 $0x1  }
0x13: {  	[smem:$0x3F9C] =	sst s0;
	s0 =	simm.s32 @!p1 $0x0  }
0x14: {  	s2 =	sld [smem:$0x3F80];
	s0 =	simm.s32 @p1 $0x1  }
0x15: {  	[smem:$0x3F9D] =	sst s0;
	s0 =	simm.s32 @!p2 $0x0  }
0x16: {  	s3 =	sld [smem:$0x3FDB];
	s0 =	simm.s32 @p2 $0x1  }
0x17: {  	s4 =	simm.s32 $0x1BF5;
	[smem:$0x3F9F] =	sst s0  }
0x18: {  	s0 =	sld [smem:$0x3F82];
	_ =	swait.ge [sflag:s4], $0x0  }
0x19: {  	s7 =	sld [smem:$0x3F83]  }
0x1a: {  	s8 =	sadd.s32 $0xFFFFE003, lr  }
0x1b: {  	s9 =	sadd.s32 $0xFFFFFEF7, lr;
	s5 =	simm.s32 $0xFFFFFFFF;
	p2 =	slt.u32 s8, $0xFFFFF086  }
0x1c: {  	p1 =	slt.u32 s9, $0xF7A;
	s5 =	simm.s32 @!p2 $0x0  }
0x1d: {  	s5 =	simm.s32 @p1 $0x1;
	p0 =	seq.s32 s7, s2  }
0x1e: {  	s7 =	smul.u32 @!p0 $0xF7A, s2;
	p2 =	seq.s32 @!p0 s5, $0x0  }
0x1f: {  	s9 =	smul.u32 $0xF7A, s1;
	s8 =	simm.s32 @!p0 $0x1BF5;
	p2 =	por !p2, p0  }
0x20: {  	[sflag:s8] =	ssyncset.s32 @!p0 $0xFFFFF086;
	s6 =	sadd.s32 @!p0 s3, s7;
	s7 =	simm.s32 @!p0 $0x108  }
0x21: {  	s3 =	sadd.s32 s3, s9;
	s6 =	sadd.s32 @!p0 $0x88, s6;
	s7 =	simm.s32 @p2 $0x1082  }
0x22: {  	[simem:s7], [sflag:s8] =	dma.local @!p0 [hbm:s6], $0xF7A  }
0x23: {  	s9 =	sor.u32 $0xD0000000, s2;
	s6 =	simm.s32 $0x108;
	_ =	swait.ge @!p0 [sflag:s8], $0x0  }
0x24: {  	s3 =	sadd.s32 $0x88, s3;
	s6 =	simm.s32 @!p1 $0x1082;
	[sflag:s4] =	ssyncset.s32 $0xFFFFF086  }
0x25: {  	[simem:s6], [sflag:s4] =	dma.local [hbm:s3], $0xF7A  }
0x26: {  	[smem:$0x3F83] =	sst s1;
	(tag) =	ssettag s2;
	_ =	strace s9  }
0x27: {  	s1 =	sld [smem:$0x3F93]  }
0x28: {  	s2 =	sld [smem:$0x3F94]  }
0x29: {  	s4 =	sld [smem:$0x3F96]  }
0x2a: {  	p0 =	seq.s32 s5, $0x0;
	s5 =	sld [smem:$0x3F97]  }
0x2b: {  	s6 =	sld [smem:$0x3F98]  }
0x2c: {  	s7 =	sld [smem:$0x3F99]  }
0x2d: {  	s3 =	simm.s32 $0x108;
	s8 =	sld [smem:$0x3F9A]  }
0x2e: {  	s3 =	simm.s32 @!p0 $0x1082;
	s9 =	sld [smem:$0x3F9B]  }
0x2f: {  	lr =	sadd.s32 s0, s3;
	s0 =	sld [smem:$0x3F92]  }
0x30: {  	s3 =	sld [smem:$0x3F95]  }
0x31: {  	[smem:$0x3F9E] =	sst s10  }
0x32: {  	s10 =	sld [smem:$0x3F9C];
	_ =	sdelay $0x3  }
0x33: {  	p0 =	seq.s32 s10, $0x1;
	s10 =	sld [smem:$0x3F9E];
	_ =	sdelay $0x3  }
0x34: {  	[smem:$0x3F9E] =	sst s10  }
0x35: {  	s10 =	sld [smem:$0x3F9D];
	_ =	sdelay $0x3  }
0x36: {  	p1 =	seq.s32 s10, $0x1;
	s10 =	sld [smem:$0x3F9E];
	_ =	sdelay $0x3  }
0x37: {  	[smem:$0x3F9E] =	sst s10  }
0x38: {  	s10 =	sld [smem:$0x3F9F]  }
0x39: {  	_ = 	snop;
	(pc) =	sbr.ind lr, $3  }
0x3a: {  	_ = 	snop  }
0x3b: {  	_ = 	snop  }
0x3c: {  	p2 =	seq.s32 s10, $0x1;
	s10 =	sld [smem:$0x3F9E]  }
0x3d: {  	_ =	shalt  }
0x3e: {  	_ =	shalt  }
0x3f: {  	_ =	shalt  }
0x40: {  	_ =	shalt  }
0x41: {  	_ =	shalt  }
0x42: {  	_ =	shalt  }
0x43: {  	_ =	shalt  }
0x44: {  	_ =	shalt  }
0x45: {  	_ =	shalt  }
0x46: {  	_ =	shalt  }
0x47: {  	_ =	shalt  }
0x48: {  	_ =	shalt  }
0x49: {  	_ =	shalt  }
0x4a: {  	_ =	shalt  }
0x4b: {  	_ =	shalt  }
0x4c: {  	_ =	shalt  }
0x4d: {  	_ =	shalt  }
0x4e: {  	_ =	shalt  }
0x4f: {  	_ =	shalt  }
0x50: {  	_ =	shalt  }
0x51: {  	_ =	shalt  }
0x52: {  	_ =	shalt  }
0x53: {  	_ =	shalt  }
0x54: {  	_ =	shalt  }
0x55: {  	_ =	shalt  }
0x56: {  	_ =	shalt  }
0x57: {  	_ =	shalt  }
0x58: {  	_ =	shalt  }
0x59: {  	_ =	shalt  }
0x5a: {  	_ =	shalt  }
0x5b: {  	_ =	shalt  }
0x5c: {  	_ =	shalt  }
0x5d: {  	_ =	shalt  }
0x5e: {  	_ =	shalt  }
0x5f: {  	_ =	shalt  }
0x60: {  	_ =	shalt  }
0x61: {  	_ =	shalt  }
0x62: {  	_ =	shalt  }
0x63: {  	_ =	shalt  }
0x64: {  	_ =	shalt  }
0x65: {  	_ =	shalt  }
0x66: {  	_ =	shalt  }
0x67: {  	_ =	shalt  }
0x68: {  	_ =	shalt  }
0x69: {  	_ =	shalt  }
0x6a: {  	_ =	shalt  }
0x6b: {  	_ =	shalt  }
0x6c: {  	_ =	shalt  }
0x6d: {  	_ =	shalt  }
0x6e: {  	_ =	shalt  }
0x6f: {  	_ =	shalt  }
0x70: {  	_ =	shalt  }
0x71: {  	_ =	shalt  }
0x72: {  	_ =	shalt  }
0x73: {  	_ =	shalt  }
0x74: {  	_ =	shalt  }
0x75: {  	_ =	shalt  }
0x76: {  	_ =	shalt  }
0x77: {  	_ =	shalt  }
0x78: {  	_ =	shalt  }
0x79: {  	_ =	shalt  }
0x7a: {  	_ =	shalt  }
0x7b: {  	_ =	shalt  }
0x7c: {  	_ =	shalt  }
0x7d: {  	_ =	shalt  }
0x7e: {  	_ =	shalt  }
0x7f: {  	_ =	shalt  }
0x80: {  	_ =	shalt  }
0x81: {  	_ =	shalt  }
0x82: {  	_ =	shalt  }
0x83: {  	_ =	shalt  }
0x84: {  	_ =	shalt  }
0x85: {  	_ =	shalt  }
0x86: {  	_ =	shalt  }
0x87: {  	_ =	shalt  }
.Lfunc_end0:
.L_simem_size_0:
called_computation_lowered:
.L_overlay_start_0:
0x88: {  	s2 =	sld [smem:$0x3FD9]  }
0x89: {  	s3 =	sld [smem:$0x3FFE];
	_ =	sdelay $0x1  }
0x8a: {  	s1 =	srdreg.scid  }
0x8b: {  	s0 =	sand.u32 $0x1, s1  }
0x8c: {  	s17 =	sshll.u32 s0, $0xA;
	s2 =	sadd.s32 s3, s2  }
0x8d: {  	s2 =	sadd.s32 s2, s17  }
0x8e: {  	[smem:$0x3FAA] =	sst s2  }
0x8f: {  	_ = 	snop  }
0x90: {  	s2 =	sld [smem:$0x3FD0];
	(tm) =	ssettm $0x1  }
0x91: {  	s18 =	sld [smem:$0x3FFB];
	_ =	sdelay $0x3  }
0x92: {  	_ =	strace s18  }
0x93: {  	s3 =	sld [smem:$0x3FFC];
	_ =	sdelay $0x3  }
0x94: {  	_ =	strace s3  }
0x95: {  	s3 =	sld [smem:$0x3FFD];
	_ =	sdelay $0x3  }
0x96: {  	_ =	strace s3  }
0x97: {  	_ =	strace $0x8FFFFFFF  }
0x98: {  	s19 =	sld [smem:$0x3FDB];
	_ =	sdelay $0x1  }
0x99: {  	s4 =	simm.s32 $_scs_section_size  }
0x9a: {  	s5 =	simm.s32 $_size__tile_overlayer_lowered;
	s6 =	simm.s32 $_tile_overlayer_lowered  }
0x9b: {  	s22 =	simm.s32 $0x1BFF;
	s21 =	sshll.u32 s6, $0x1;
	s3 =	sadd.s32 s4, s19  }
0x9c: {  	s7 =	simm.s32 $0x0;
	s20 =	sshll.u32 s5, $0x1;
	s5 =	sadd.s32 s21, s3  }
0x9d: {  	[timem:s7], [sflag:s22] =	dma.local [hbm:s5], s20  }
0x9e: {  	_ =	swait.ge [sflag:s22], s20  }
0x9f: {  	s4 =	ssub.s32 $0x0, s20;
	[sflag:s22] =	ssyncset.done $0x0  }
0xa0: {  	[sflag:s22] =	ssyncadd.s32 s4;
	_ =	sdelay $0x1  }
0xa1: {  	s23 =	simm.s32 $0x1B8B  }
0xa2: {  	_ =	swait.ge [sflag:s23], $0x1  }
0xa3: {  	[sflag:s23] =	ssyncset.done $0x0  }
0xa4: {  	s25 =	simm.s32 $0x1B8E;
	s24 =	sld [smem:$0x3FFE];
	[sflag:s23] =	ssyncadd.s32 $0xFFFFFFFF  }
0xa5: {  	s26 =	simm.s32 $execute0_lowered;
	[smem:$0x3FD2] =	sst s25  }
0xa6: {  	s5 =	sshll.u32 s26, $0x1;
	_ =	strace $0x80000046;
	[dreg:$0x1] =	wrdreg $0xFFFFFFFF  }
0xa7: {  	s28 =	simm.s32 $_size_execute0_lowered;
	s3 =	sadd.s32 s3, s5;
	[dreg:$0x0] =	wrdreg $0x0  }
0xa8: {  	s5 =	sshll.u32 s28, $0x1;
	[dreg:$0x2] =	wrdreg s3  }
0xa9: {  	[dreg:$0x3] =	wrdreg s5  }
0xaa: {  	[dreg:$0x4] =	wrdreg $0xC0  }
0xab: {  	_ =	task [dreg:s7], $0x5FFFF  }
0xac: {  	[dreg:$0x1] =	wrdreg $0xFFFFFFFF  }
0xad: {  	[dreg:$0x0] =	wrdreg $0x60  }
0xae: {  	[dreg:$0x2] =	wrdreg s24  }
0xaf: {  	[dreg:$0x3] =	wrdreg s2  }
0xb0: {  	[dreg:$0x4] =	wrdreg $0x9  }
0xb1: {  	_ =	task.clear_ibuf [dreg:s7], $0x5FFFF;
	_ =	strace $0x90000046  }
0xb2: {  	s29 =	simm.s32 $0x9;
	_ =	strace $0x80000053  }
0xb3: {  	_ =	swait.ge [sflag:s29], $0x1  }
0xb4: {  	[sflag:s29] =	ssyncadd.s32 $0xFFFFFFFF  }
0xb5: {  	_ =	strace $0x90000053  }
0xb6: {  	_ =	sfence  }
0xb7: {  	s30 =	sld [smem:$0x0];
	_ =	sdelay $0x2  }
0xb8: {  	s31 =	sshll.u32 s1, $0xD;
	s1 =	sshrl.u32 s1, $0x2  }
0xb9: {  	s3 =	sand.u32 $0x4000, s31;
	s1 =	sadd.s32 s1, s30  }
0xba: {  	s0 =	sor.u32 s3, s0;
	s1 =	sshll.u32 s1, $0x11  }
0xbb: {  	s0 =	sor.u32 s1, s0  }
0xbc: {  	s0 =	sadd.s32 $0x8F2B, s0  }
0xbd: {  	[sflag:s0] =	ssyncadd.remote.s32 $0x1  }
0xbe: {  	_ =	sfence.sel $0xFFFF  }
0xbf: {  	[dreg:$0x0] =	wrdreg $0xFFFFFFFF;
	(pc) =	sbr.abs _section_cstart, $3  }
0xc0: {  	[dreg:$0x1] =	wrdreg $0xFFFFFFFF  }
0xc1: {  	_ =	task.clear_ibuf [dreg:s7], $0x2FFFF;
	_ =	strace $0x9FFFFFFF  }
0xc2: {  	(tm) =	ssettm $0x7FFFFFFF  }
0xc3: {  	_ =	shalt  }
tec
execute0_lowered:
.L_overlay_start_1:
0x0: {  	(tag) =	ssettag $0x1  }
0x1: {  	s0 =	rddreg [dreg:$0x0]  }
0x2: {  	s1 =	rddreg [dreg:$0x1];
	s2 =	simm.s32 $0x0  }
0x3: {  	s3 =	srdreg.scid;
	s8 =	stileid.u32;
	s13 =	simm.s32 $0x80  }
0x4: {  	s14 =	simm.s32 $0x9;
	s15 =	simm.s32 $0x0;
	s3 =	sand.u32 $0x1, s3  }
0x5: {  	[smem:$0x7FF] =	sst s2;
	s4 =	sadd.s32 $0x6E00, s0;
	s7 =	sshll.u32 s3, $0x4  }
0x6: {  	s5 =	sadd.s32 $0x2EE00, s0;
	s6 =	sadd.s32 $0x56E00, s0;
	s10 =	sor.u32 s8, s7  }
0x7: {  	s9 =	sadd.s32 $0x5A6E00, s0;
	s3 =	ssub.s32 $0x2, s3;
	s12 =	smul.u32 $0x280, s10  }
0x8: {  	_ =	strace $0x80000047;
	s7 =	sadd.s32 $0xA6E00, s0;
	s11 =	sshrl.u32 s3, $0x1  }
0x9: {  	s8 =	sadd.s32 $0x326E00, s0;
	s30 =	ssub.s32 s3, s11;
	s31 =	sadd.s32 s1, s12  }
0xa: {  	s10 =	smul.u32 $0x28, s10;
	s12 =	smax.u32 s30, $0x1;
	[dreg:$0x3] =	wrdreg s31  }
.LBB2_1:
0xb: {  	_ =	strace $0x80000048  }
0xc: {  	s17 =	simm.s32 $0x28;
	s26 =	simm.s32 $0x0;
	s16 =	simm.s32 $0x0  }
0xd: {  	s18 =	simm.s32 $0x0;
	s23 =	simm.s32 $0x0;
	s19 =	simm.s32 $0x0  }
0xe: {  	s24 =	simm.s32 $0x0;
	s20 =	simm.s32 $0x0;
	s0 =	rddreg [dreg:$0x3]  }
0xf: {  	[tilespmem:s2], [sflag:$0x1] =	stream.linear.gather [hbm4b:s0+s2], $0x80, $0x200038;
	[tilespmem:$0x18100] =	vst v63  }
0x10: {  	s21 =	simm.s32 $0x0;
	s22 =	simm.s32 $0x1;
	_ =	strace $0x90000048  }
.LBB2_2:
0x11: {  	s25 =	sadd.s32 $0x1, s26  }
0x12: {  	p0 =	seq.s32 s25, $0x28  }
0x13: {  	s25 =	simm.s32 @p0 $0x0  }
0x14: {  	p1 =	sne.s32 s17, $0x1;
	p0 =	sne.s32 s26, s25  }
0x15: {  	p0 =	por !p1, !p0  }
0x16: {  	p0 =	por !p0, !p0  }
0x17: {  	s0 =	sadd.s32 @p0 s10, s25  }
0x18: {  	s3 =	sand.u32 @p0 $0x1, s22;
	s0 =	sshll.u32 @p0 s0, $0x4  }
0x19: {  	_ =	strace @p0 $0x80000049;
	s28 =	simm.s32 @p0 $0x0;
	s0 =	sand.u32 @p0 $0x1FFFFFF0, s0  }
0x1a: {  	s11 =	sshll.u32 @p0 s3, $0x7;
	s3 =	sadd.s32 @p0 $0x1, s3;
	s0 =	sadd.s32 @p0 s1, s0  }
0x1b: {  	[tilespmem:s11], [sflag:s3] =	stream.linear.gather @p0 [hbm4b:s0+s28], $0x80, $0x200038;
	[tilespmem:$0x18100] =	vst v63  }
0x1c: {  	s11 =	sand.u32 $0x1, s21;
	_ =	strace @p0 $0x90000049  }
0x1d: {  	s0 =	sadd.s32 $0x1, s11;
	_ =	strace $0x8000004A  }
0x1e: {  	_ =	swait.ge [sflag:s0], $0x80  }
0x1f: {  	[sflag:s0] =	ssyncset.done $0x0  }
0x20: {  	s29 =	sand.u32 $0x1, s20;
	[sflag:s0] =	ssyncadd.s32 $0xFFFFFF80  }
0x21: {  	s30 =	sshll.u32 s21, $0x7;
	s28 =	sshll.u32 s29, $0xE;
	_ =	strace $0x9000004A  }
0x22: {  	s31 =	sor.u32 $0x100, s28;
	s28 =	sand.u32 $0x80, s30;
	_ =	strace $0x8000004B  }
0x23: {  	[tilespmem:s31], [sflag:$0x9] =	stream.indirect.gather [hbm4b:s4+s13], $0x80, s28, s13, $0x2000b8;
	[tilespmem:$0x18100] =	vst v63  }
0x24: {  	s30 =	sand.u32 $0x1, s19;
	_ =	swait.ge [sflag:s14], $0x4000  }
0x25: {  	s11 =	sshll.u32 s30, $0xE;
	[sflag:s14] =	ssyncset.done $0x0  }
0x26: {  	s3 =	sor.u32 $0x8100, s11;
	[sflag:s14] =	ssyncadd.s32 $0xFFFFC000  }
0x27: {  	[tilespmem:s3], [sflag:$0x9] =	stream.indirect.gather [hbm4b:s5+s13], $0x80, s28, s13, $0x2000b8;
	[tilespmem:$0x18100] =	vst v63  }
0x28: {  	s0 =	sand.u32 $0x1, s18;
	_ =	swait.ge [sflag:s14], $0x4000  }
0x29: {  	p1 =	seq.s32 s17, $0x1;
	s11 =	sshll.u32 s0, $0xE;
	[sflag:s14] =	ssyncset.done $0x0  }
0x2a: {  	p2 =	seq.s32 @!p1 s26, s25;
	s11 =	sor.u32 $0x10100, s11;
	[sflag:s14] =	ssyncadd.s32 $0xFFFFC000  }
0x2b: {  	[tilespmem:s11], [sflag:$0x9] =	stream.indirect.gather [hbm4b:s6+s13], $0x80, s28, s13, $0x2000b8;
	[tilespmem:$0x18100] =	vst v63  }
0x2c: {  	p1 =	por p1, !p2;
	_ =	swait.ge [sflag:s14], $0x4000  }
0x2d: {  	s26 =	sadd.s32 @p1 s10, s26;
	[sflag:s14] =	ssyncset.done $0x0  }
0x2e: {  	s26 =	sshll.u32 @p1 s26, $0xB;
	[sflag:s14] =	ssyncadd.s32 $0xFFFFC000  }
0x2f: {  	s26 =	sand.u32 @p1 $0x1FFFF800, s26;
	s28 =	simm.s32 $0x0;
	_ =	strace $0x9000004B  }
0x30: {  	s28 =	sadd.s32 @p1 $0x3, s29;
	s29 =	sadd.s32 @p1 s7, s26;
	_ =	strace @p1 $0x8000004C  }
0x31: {  	[hbm4b:s29+s2] =	stream.linear.scatter @p1 [tilespmem:s31], [sflag:s28], $0x4000, $0x200038;
	[tilespmem:$0x18100] =	vst v63  }
0x32: {  	_ =	strace @p1 $0x9000004C  }
0x33: {  	s28 =	sadd.s32 @p1 $0x5, s30;
	s29 =	sadd.s32 @p1 s8, s26;
	_ =	strace @p1 $0x8000004D  }
0x34: {  	[hbm4b:s29+s2] =	stream.linear.scatter @p1 [tilespmem:s3], [sflag:s28], $0x4000, $0x200038;
	[tilespmem:$0x18100] =	vst v63  }
0x35: {  	s20 =	sadd.s32 @p1 $0x1, s20;
	s19 =	sadd.s32 @p1 $0x1, s19;
	_ =	strace @p1 $0x9000004D  }
0x36: {  	s0 =	sadd.s32 @p1 $0x7, s0;
	s3 =	sadd.s32 @p1 s9, s26;
	_ =	strace @p1 $0x8000004E  }
0x37: {  	[hbm4b:s3+s2] =	stream.linear.scatter @p1 [tilespmem:s11], [sflag:s0], $0x4000, $0x200038;
	[tilespmem:$0x18100] =	vst v63  }
0x38: {  	s28 =	simm.s32 @p1 $0x1;
	_ =	strace @p1 $0x9000004E;
	p1 =	seq.s32 s17, $0x28  }
0x39: {  	s0 =	sand.u32 @!p1 $0x1, s24  }
0x3a: {  	_ =	strace @!p1 $0x8000004F;
	s0 =	sadd.s32 @!p1 $0x3, s0  }
0x3b: {  	_ =	swait.ge @!p1 [sflag:s0], $0x4000  }
0x3c: {  	[sflag:s0] =	ssyncset.done @!p1 $0x0  }
0x3d: {  	[sflag:s0] =	ssyncadd.s32 @!p1 $0xFFFFC000  }
0x3e: {  	s0 =	sand.u32 @!p1 $0x1, s23;
	_ =	strace @!p1 $0x9000004F  }
0x3f: {  	s0 =	sadd.s32 @!p1 $0x5, s0;
	_ =	strace @!p1 $0x80000050  }
0x40: {  	s26 =	smov.u32 s25;
	_ =	swait.ge @!p1 [sflag:s0], $0x4000  }
0x41: {  	s18 =	sadd.s32 s18, s28;
	s3 =	simm.s32 $0x1;
	[sflag:s0] =	ssyncset.done @!p1 $0x0  }
0x42: {  	s21 =	sadd.s32 s21, s28;
	s3 =	simm.s32 @!p0 $0x0;
	[sflag:s0] =	ssyncadd.s32 @!p1 $0xFFFFC000  }
0x43: {  	s17 =	sadd.s32 $0xFFFFFFFF, s17;
	s0 =	sand.u32 @!p1 $0x1, s16;
	_ =	strace @!p1 $0x90000050  }
0x44: {  	p0 =	sne.s32 s17, $0x0;
	s0 =	sadd.s32 @!p1 $0x7, s0;
	_ =	strace @!p1 $0x80000051  }
.Ltmp0:
0x45: {  	s22 =	sadd.s32 s3, s22;
	_ =	swait.ge @!p1 [sflag:s0], $0x4000;
	(pc) =	sbr.rel @p0 .LBB2_2-.Ltmp0, $4  }
0x46: {  	s3 =	sadd.s32 @!p1 $0x1, s24;
	s11 =	simm.s32 @!p1 $0x1;
	[sflag:s0] =	ssyncset.done @!p1 $0x0  }
0x47: {  	s3 =	smov.u32 @p1 s24;
	[sflag:s0] =	ssyncadd.s32 @!p1 $0xFFFFC000;
	s0 =	sadd.s32 @!p1 $0x1, s23  }
0x48: {  	s11 =	simm.s32 @p1 $0x0;
	s24 =	smov.u32 s3;
	s0 =	smov.u32 @p1 s23  }
0x49: {  	s16 =	sadd.s32 s16, s11;
	_ =	strace @!p1 $0x90000051;
	s23 =	smov.u32 s0  }
0x4a: {  	s3 =	sand.u32 $0x1, s3  }
0x4b: {  	_ =	strace $0x80000052;
	s3 =	sadd.s32 $0x3, s3  }
0x4c: {  	_ =	swait.ge [sflag:s3], $0x4000  }
0x4d: {  	s0 =	sand.u32 $0x1, s0;
	[sflag:s3] =	ssyncset.done $0x0  }
0x4e: {  	s0 =	sadd.s32 $0x5, s0;
	[sflag:s3] =	ssyncadd.s32 $0xFFFFC000  }
0x4f: {  	s15 =	sadd.s32 $0x1, s15;
	_ =	swait.ge [sflag:s0], $0x4000  }
0x50: {  	s30 =	sand.u32 $0x1, s16;
	p0 =	sne.s32 s15, s12;
	[sflag:s0] =	ssyncset.done $0x0  }
.Ltmp1:
0x51: {  	s31 =	sadd.s32 $0x7, s30;
	[sflag:s0] =	ssyncadd.s32 $0xFFFFC000;
	(pc) =	sbr.rel @p0 .LBB2_1-.Ltmp1, $4  }
0x52: {  	_ =	swait.ge [sflag:s31], $0x4000  }
0x53: {  	[sflag:s31] =	ssyncset.done $0x0  }
0x54: {  	[sflag:s31] =	ssyncadd.s32 $0xFFFFC000  }
0x55: {  	_ =	strace $0x90000052  }
0x56: {  	_ =	sfence.sel $0x180000  }
0x57: {  	[bflag:$0x0] =	sbarrier.arrive $0xFFFF  }
0x58: {  	_ =	strace $0x90000047  }
0x59: {  	s0 =	stileid.u32;
	[bflag:$0x2] =	sbarrier.arrive $0xFFFF  }
0x5a: {  	p0 =	sne.s32 s0, $0x0;
	s0 =	rddreg [dreg:$0x2]  }
0x5b: {  	s0 =	sadd.s32 @!p0 $0x100000, s0  }
0x5c: {  	[sflag:s0] =	ssyncadd.tile.s32 @!p0 $0x1;
	_ =	shalt  }
.Lfunc_end2:
_tile_overlayer_lowered:
.L_overlay_start_2:
0x5d: {  	(tag) =	ssettag $0x2  }
0x5e: {  	s0 =	rddreg [dreg:$0x0];
	s2 =	stileid.u32  }
0x5f: {  	s1 =	rddreg [dreg:$0x1];
	p0 =	sne.s32 s2, $0x0  }
0x60: {  	s3 =	rddreg [dreg:$0x2];
	[bflag:$0x3] =	sbarrier.arrive $0xFFFF;
	s2 =	simm.s32 @!p0 $0x1C01  }
0x61: {  	[timem:s3], [sflag:s2] =	dma.local @!p0 [hbm:s0], s1  }
0x62: {  	s0 =	simm.s32 @!p0 $0x1  }
0x63: {  	_ =	swait.ge @!p0 [sflag:s0], s1  }
0x64: {  	s1 =	ssub.s32 @!p0 $0x0, s1;
	[sflag:s0] =	ssyncset.done @!p0 $0x0  }
0x65: {  	[sflag:s0] =	ssyncadd.s32 @!p0 s1  }
0x66: {  	[bflag:$0x3] =	sbarrier.arrive $0xFFFF  }
0x67: {  	_ =	shalt  }

</sc_bundles>
